<compile_context>
chip_gen: v7x
topology: tpu7x:2x2x1
jax: 0.10.2.dev20260603
libtpu: 0.0.44.dev20260713+nightly
codegen_flags: <defaults>
</compile_context>

<pallas_src>
import functools

import jax
import jax.numpy as jnp
from jax import lax
from jax.experimental import pallas as pl
from jax.experimental.pallas import tpu as pltpu
from jax.experimental.pallas import tpu_sc as plsc

N = 10000
E = 320000
D = 128

NC = 2
NS = 16
NW = NC * NS
CHUNK = 40
E_TILE = E // NW
N_CH = E_TILE // CHUNK
R_TILE = 632
R_LAST = N - (NS - 1) * R_TILE
N_ACC = NS * R_TILE


NBUF = 8
IBUF = 8
DI = 7
DG = 6


def _sc_scatter_body(t_hbm, edge_hbm, out_hbm,
                     sidx_v, didx_v, rows_v, acc_sh, gsem, isem, ssem, nsem):
    c = lax.axis_index("c")
    s = lax.axis_index("s")
    wid = s * NC + c
    base = wid * E_TILE

    def load_idx(j):
        slot = lax.rem(j, IBUF)
        off = base + j * CHUNK
        pltpu.async_copy(edge_hbm.at[pl.ds(off, CHUNK)], sidx_v.at[slot], isem)
        pltpu.async_copy(edge_hbm.at[pl.ds(E + off, CHUNK)], didx_v.at[slot], isem)

    def wait_idx(j):
        slot = lax.rem(j, IBUF)
        off = base + j * CHUNK
        pltpu.make_async_copy(edge_hbm.at[pl.ds(off, CHUNK)], sidx_v.at[slot], isem).wait()
        pltpu.make_async_copy(edge_hbm.at[pl.ds(E + off, CHUNK)], didx_v.at[slot], isem).wait()

    @pl.when(s < NS - 1)
    def _():
        pltpu.async_copy(t_hbm.at[pl.ds(s * R_TILE, R_TILE)],
                         acc_sh.at[pl.ds(s * R_TILE, R_TILE)], nsem)

    @pl.when(s == NS - 1)
    def _():
        pltpu.async_copy(t_hbm.at[pl.ds((NS - 1) * R_TILE, R_LAST)],
                         acc_sh.at[pl.ds((NS - 1) * R_TILE, R_LAST)], nsem)

    for j in range(DI):
        load_idx(j)
    for j in range(DG):
        wait_idx(j)
        pltpu.async_copy(t_hbm.at[sidx_v.at[j]], rows_v.at[j], gsem)

    @pl.when(s < NS - 1)
    def _():
        pltpu.make_async_copy(t_hbm.at[pl.ds(s * R_TILE, R_TILE)],
                              acc_sh.at[pl.ds(s * R_TILE, R_TILE)], nsem).wait()

    @pl.when(s == NS - 1)
    def _():
        pltpu.make_async_copy(t_hbm.at[pl.ds((NS - 1) * R_TILE, R_LAST)],
                              acc_sh.at[pl.ds((NS - 1) * R_TILE, R_LAST)],
                              nsem).wait()

    plsc.subcore_barrier()

    def step(i, carry):
        b = lax.rem(i, NBUF)
        ib = lax.rem(i, IBUF)

        @pl.when(i + DI < N_CH)
        def _():
            load_idx(i + DI)

        pltpu.make_async_copy(t_hbm.at[sidx_v.at[ib]], rows_v.at[b], gsem).wait()
        pltpu.async_copy(rows_v.at[b], acc_sh.at[didx_v.at[ib]], ssem, add=True)

        @pl.when(i >= NBUF - DG)
        def _():
            pltpu.make_async_copy(rows_v.at[b], acc_sh.at[didx_v.at[ib]],
                                  ssem).wait()

        @pl.when(i + DG < N_CH)
        def _():
            wait_idx(i + DG)
            nib = lax.rem(i + DG, IBUF)
            nb = lax.rem(i + DG, NBUF)
            pltpu.async_copy(t_hbm.at[sidx_v.at[nib]], rows_v.at[nb], gsem)

        return carry

    lax.fori_loop(0, N_CH, step, 0)
    for j in range(NBUF - DG):
        pltpu.make_async_copy(rows_v.at[j], acc_sh.at[didx_v.at[0]], ssem).wait()
    plsc.subcore_barrier()

    @pl.when(s < NS - 1)
    def _():
        pltpu.sync_copy(acc_sh.at[pl.ds(s * R_TILE, R_TILE)],
                        out_hbm.at[c, pl.ds(s * R_TILE, R_TILE)])

    @pl.when(s == NS - 1)
    def _():
        pltpu.sync_copy(acc_sh.at[pl.ds((NS - 1) * R_TILE, R_LAST)],
                        out_hbm.at[c, pl.ds((NS - 1) * R_TILE, R_LAST)])


_sc_scatter = functools.partial(
    pl.kernel,
    out_type=jax.ShapeDtypeStruct((NC, N, D), jnp.float32),
    mesh=plsc.VectorSubcoreMesh(core_axis_name="c", subcore_axis_name="s"),
    scratch_types=[
        pltpu.VMEM((IBUF, CHUNK), jnp.int32),
        pltpu.VMEM((IBUF, CHUNK), jnp.int32),
        pltpu.VMEM((NBUF, CHUNK, D), jnp.float32),
        pltpu.VMEM_SHARED((N_ACC, D), jnp.float32),
        pltpu.SemaphoreType.DMA,
        pltpu.SemaphoreType.DMA,
        pltpu.SemaphoreType.DMA,
        pltpu.SemaphoreType.DMA,
    ],
)(_sc_scatter_body)


def _wc(w1_ref, b1_ref, w2_ref, b2_ref):
    W = lax.dot_general(w1_ref[...], w2_ref[...], (((0,), (1,)), ((), ())),
                        preferred_element_type=jnp.float32)
    cv = lax.dot_general(b1_ref[...], w2_ref[...], (((1,), (1,)), ((), ())),
                         preferred_element_type=jnp.float32) + b2_ref[...]
    return W, cv


_W_SPECS = [pl.BlockSpec((D, D), lambda i: (0, 0)),
            pl.BlockSpec((1, D), lambda i: (0, 0)),
            pl.BlockSpec((D, D), lambda i: (0, 0)),
            pl.BlockSpec((1, D), lambda i: (0, 0))]


_BLK = 2000
_GRID = N // _BLK


def _mm1_body(x_ref, w1_ref, b1_ref, w2_ref, b2_ref, o_ref):
    W, cv = _wc(w1_ref, b1_ref, w2_ref, b2_ref)
    o_ref[...] = jnp.dot(x_ref[...], W,
                         preferred_element_type=jnp.float32) + cv


def _mm1(x, W1, b1, W2, b2):
    return pl.pallas_call(
        _mm1_body,
        grid=(_GRID,),
        in_specs=[pl.BlockSpec((_BLK, D), lambda i: (i, 0))] + _W_SPECS,
        out_specs=pl.BlockSpec((_BLK, D), lambda i: (i, 0)),
        out_shape=jax.ShapeDtypeStruct((N, D), jnp.float32),
    )(x, W1, b1[None, :], W2, b2[None, :])


def _mm2_body(p_ref, t_ref, w1_ref, b1_ref, w2_ref, b2_ref, o_ref):
    W, cv = _wc(w1_ref, b1_ref, w2_ref, b2_ref)
    h = p_ref[0] + p_ref[1] - t_ref[...]
    o_ref[...] = jnp.dot(h, W, preferred_element_type=jnp.float32) + cv


def _mm2(parts, t, W1, b1, W2, b2):
    return pl.pallas_call(
        _mm2_body,
        grid=(_GRID,),
        in_specs=[pl.BlockSpec((NC, _BLK, D), lambda i: (0, i, 0)),
                  pl.BlockSpec((_BLK, D), lambda i: (i, 0))] + _W_SPECS,
        out_specs=pl.BlockSpec((_BLK, D), lambda i: (i, 0)),
        out_shape=jax.ShapeDtypeStruct((N, D), jnp.float32),
    )(parts, t, W1, b1[None, :], W2, b2[None, :])


def _final_body(p_ref, t_ref, o_ref):
    z = p_ref[0] + p_ref[1] - t_ref[...]
    m = jnp.max(z, axis=1, keepdims=True)
    e = jnp.exp(z - m)
    o_ref[...] = (z - m) - jnp.log(jnp.sum(e, axis=1, keepdims=True))


def _final(parts, t):
    return pl.pallas_call(
        _final_body,
        grid=(_GRID,),
        in_specs=[pl.BlockSpec((NC, _BLK, D), lambda i: (0, i, 0)),
                  pl.BlockSpec((_BLK, D), lambda i: (i, 0))],
        out_specs=pl.BlockSpec((_BLK, D), lambda i: (i, 0)),
        out_shape=jax.ShapeDtypeStruct((N, D), jnp.float32),
    )(parts, t)


def kernel(x, edge_index, W1, b1, W2, b2):
    t1 = _mm1(x, W1, b1, W2, b2)
    edge_flat = edge_index.reshape(2 * E)
    parts1 = _sc_scatter(t1, edge_flat)
    t2 = _mm2(parts1, t1, W1, b1, W2, b2)
    parts2 = _sc_scatter(t2, edge_flat)
    return _final(parts2, t2)

# --- scband reference (transcript-rebuilt; emitter-appended) ---
"""Pipeline reference for scband-net-39032662786372 (READ-ONLY COPY).

The authoritative reference and input builder live on the scoring server;
editing this copy changes nothing except your own understanding.
"""

import jax, jax.numpy as jnp
import numpy as np

N_NODES = 10000
N_EDGES = 320000
D_FEAT = 128
HIDDEN = 128


def setup_inputs(seed: int = 0) -> dict:
    key = jax.random.key(seed)
    k1, k2, k3, k4 = jax.random.split(key, 4)
    x = jax.random.normal(k1, (N_NODES, D_FEAT), dtype=jnp.float32)
    edge_index = jax.random.randint(k2, (2, N_EDGES), 0, N_NODES, dtype=jnp.int32)
    # Learned parameters for the single shared GCNConv (applied twice):
    # lin1: in_channels=128 -> hidden=128 ; lin2: hidden=128 -> out_channels=128
    W1 = jax.random.normal(k3, (HIDDEN, D_FEAT), dtype=jnp.float32) * 0.05
    b1 = jnp.zeros((HIDDEN,), dtype=jnp.float32)
    W2 = jax.random.normal(k4, (D_FEAT, HIDDEN), dtype=jnp.float32) * 0.05
    b2 = jnp.zeros((D_FEAT,), dtype=jnp.float32)
    return {"x": x, "edge_index": edge_index, "W1": W1, "b1": b1, "W2": W2, "b2": b2}


def reference(x, edge_index, W1, b1, W2, b2):
    N = x.shape[0]
    # add_self_loops (done inside GCNConv.forward each call; same result both times)
    loop = jnp.arange(N, dtype=edge_index.dtype)
    src = jnp.concatenate([edge_index[0], loop])
    dst = jnp.concatenate([edge_index[1], loop])
    h = x
    # Net.forward applies the SAME conv1 twice
    for _ in range(2):
        t = h @ W1.T + b1
        t = t @ W2.T + b2
        # propagate with aggr='add', default message = x_j (source nodes),
        # aggregated at destination nodes => scatter-add / segment_sum
        h = jax.ops.segment_sum(t[src], dst, num_segments=N)
    return jax.nn.log_softmax(h, axis=1)

if __name__ == "__main__":
    import jax
    _d = setup_inputs()
    print(jax.jit(kernel)(*tuple(_d.values())))

</pallas_src>

<mosaic_0001>
#map = affine_map<(d0, d1) -> (0, 0)>
#map1 = affine_map<(d0, d1) -> (0)>
#map2 = affine_map<(d0, d1) -> (0, 0, 0)>
module attributes {stable_mosaic.version = 14 : i64} {
  func.func @_sc_scatter_body(%arg0: i32, %arg1: i32, %arg2: memref<10000x128xf32, #tpu.memory_space<hbm>>, %arg3: memref<640000xi32, #tpu.memory_space<hbm>>, %arg4: memref<2x10000x128xf32, #tpu.memory_space<hbm>>, %arg5: memref<8x40xi32, #tpu.memory_space<vmem>>, %arg6: memref<8x40xi32, #tpu.memory_space<vmem>>, %arg7: memref<8x40x128xf32, #tpu.memory_space<vmem>>, %arg8: memref<10112x128xf32, #tpu.memory_space<vmem_shared>>, %arg9: memref<!tpu.dma_semaphore, #tpu.memory_space<semaphore_mem>>, %arg10: memref<!tpu.dma_semaphore, #tpu.memory_space<semaphore_mem>>, %arg11: memref<!tpu.dma_semaphore, #tpu.memory_space<semaphore_mem>>, %arg12: memref<!tpu.dma_semaphore, #tpu.memory_space<semaphore_mem>>) attributes {dimension_semantics = [#tpu.dimension_semantics<core_parallel>, #tpu.dimension_semantics<subcore_parallel>], iteration_bounds = array<i64: 2, 16>, scalar_prefetch = 0 : i64, scratch_operands = 8 : i64, tpu.core_type = #tpu.core_type<sc_vector_subcore>, window_params = [{transform_indices = #map}, {transform_indices = #map1}, {transform_indices = #map2}]} {
    %mul3A = arith.constant 2 : i32
    %mul3A_0 = arith.muli %arg1, %mul3A : i32
    %add3A = arith.addi %mul3A_0, %arg0 : i32
    %mul3A_1 = arith.constant 10000 : i32
    %mul3A_2 = arith.muli %add3A, %mul3A_1 : i32
    %lt3A = arith.constant 15 : i32
    %lt3A_3 = arith.cmpi slt, %arg1, %lt3A : i32
    %convert_element_type3A = arith.extui %lt3A_3 : i1 to i32
    %cond3A = arith.constant 0 : i32
    %cond3A_4 = arith.cmpi ne, %convert_element_type3A, %cond3A : i32
    scf.if %cond3A_4 {
      %mul3A_427 = arith.constant 632 : i32
      %mul3A_428 = arith.muli %arg1, %mul3A_427 : i32
      %mul3A_429 = arith.constant 632 : i32
      %mul3A_430 = arith.muli %arg1, %mul3A_429 : i32
      %dma_start3A_431 = arith.constant 0 : i32
      %dma_start3A_432 = tpu.memref_slice %arg8[%mul3A_430, %dma_start3A_431] : memref<10112x128xf32, #tpu.memory_space<vmem_shared>> -> memref<632x128xf32, #tpu.memory_space<vmem_shared>>
      %dma_start3A_433 = arith.constant 0 : i32
      %dma_start3A_434 = tpu.memref_slice %arg2[%mul3A_428, %dma_start3A_433] : memref<10000x128xf32, #tpu.memory_space<hbm>> -> memref<632x128xf32, #tpu.memory_space<hbm>>
      tpu.enqueue_dma source(%dma_start3A_434 : memref<632x128xf32, #tpu.memory_space<hbm>>) target(%dma_start3A_432 : memref<632x128xf32, #tpu.memory_space<vmem_shared>>) target_semaphore(%arg12 : memref<!tpu.dma_semaphore, #tpu.memory_space<semaphore_mem>>)
    } else {
    }
    %eq3A = arith.constant 15 : i32
    %eq3A_5 = arith.cmpi eq, %arg1, %eq3A : i32
    %convert_element_type3A_6 = arith.extui %eq3A_5 : i1 to i32
    %cond3A_7 = arith.constant 0 : i32
    %cond3A_8 = arith.cmpi ne, %convert_element_type3A_6, %cond3A_7 : i32
    scf.if %cond3A_8 {
      %dma_start3A_427 = arith.constant 9480 : i32
      %dma_start3A_428 = arith.constant 0 : i32
      %dma_start3A_429 = tpu.memref_slice %arg8[%dma_start3A_427, %dma_start3A_428] : memref<10112x128xf32, #tpu.memory_space<vmem_shared>> -> memref<520x128xf32, #tpu.memory_space<vmem_shared>>
      %dma_start3A_430 = arith.constant 9480 : i32
      %dma_start3A_431 = arith.constant 0 : i32
      %dma_start3A_432 = tpu.memref_slice %arg2[%dma_start3A_430, %dma_start3A_431] : memref<10000x128xf32, #tpu.memory_space<hbm>> -> memref<520x128xf32, #tpu.memory_space<hbm>>
      tpu.enqueue_dma source(%dma_start3A_432 : memref<520x128xf32, #tpu.memory_space<hbm>>) target(%dma_start3A_429 : memref<520x128xf32, #tpu.memory_space<vmem_shared>>) target_semaphore(%arg12 : memref<!tpu.dma_semaphore, #tpu.memory_space<semaphore_mem>>)
    } else {
    }
    %rem3A = arith.constant 0 : i32
    %rem3A_9 = arith.constant 8 : i32
    %rem3A_10 = arith.remsi %rem3A, %rem3A_9 : i32
    %add3A_11 = arith.constant 0 : i32
    %add3A_12 = arith.addi %mul3A_2, %add3A_11 : i32
    %dma_start3A = arith.constant 0 : i32
    %dma_start3A_13 = tpu.memref_slice %arg5[%rem3A_10, %dma_start3A] : memref<8x40xi32, #tpu.memory_space<vmem>> -> memref<1x40xi32, #tpu.memory_space<vmem>>
    %dma_start3A_14 = tpu.memref_squeeze %dma_start3A_13 : memref<1x40xi32, #tpu.memory_space<vmem>> -> memref<40xi32, #tpu.memory_space<vmem>>
    %dma_start3A_15 = tpu.memref_slice %arg3[%add3A_12] : memref<640000xi32, #tpu.memory_space<hbm>> -> memref<40xi32, #tpu.memory_space<hbm>>
    %dma_start3A_16 = arith.constant 0 : i32
    %dma_start3A_17 = tpu.memref_slice %arg5[%rem3A_10, %dma_start3A_16] : memref<8x40xi32, #tpu.memory_space<vmem>> -> memref<1x40xi32, #tpu.memory_space<vmem>>
    %dma_start3A_18 = tpu.memref_squeeze %dma_start3A_17 : memref<1x40xi32, #tpu.memory_space<vmem>> -> memref<40xi32, #tpu.memory_space<vmem>>
    %dma_start3A_19 = tpu.memref_slice %arg3[%add3A_12] : memref<640000xi32, #tpu.memory_space<hbm>> -> memref<40xi32, #tpu.memory_space<hbm>>
    tpu.enqueue_dma source(%dma_start3A_19 : memref<40xi32, #tpu.memory_space<hbm>>) target(%dma_start3A_18 : memref<40xi32, #tpu.memory_space<vmem>>) target_semaphore(%arg10 : memref<!tpu.dma_semaphore, #tpu.memory_space<semaphore_mem>>)
    %add3A_20 = arith.constant 320000 : i32
    %add3A_21 = arith.addi %add3A_20, %add3A_12 : i32
    %dma_start3A_22 = arith.constant 0 : i32
    %dma_start3A_23 = tpu.memref_slice %arg6[%rem3A_10, %dma_start3A_22] : memref<8x40xi32, #tpu.memory_space<vmem>> -> memref<1x40xi32, #tpu.memory_space<vmem>>
    %dma_start3A_24 = tpu.memref_squeeze %dma_start3A_23 : memref<1x40xi32, #tpu.memory_space<vmem>> -> memref<40xi32, #tpu.memory_space<vmem>>
    %dma_start3A_25 = tpu.memref_slice %arg3[%add3A_21] : memref<640000xi32, #tpu.memory_space<hbm>> -> memref<40xi32, #tpu.memory_space<hbm>>
    %dma_start3A_26 = arith.constant 0 : i32
    %dma_start3A_27 = tpu.memref_slice %arg6[%rem3A_10, %dma_start3A_26] : memref<8x40xi32, #tpu.memory_space<vmem>> -> memref<1x40xi32, #tpu.memory_space<vmem>>
    %dma_start3A_28 = tpu.memref_squeeze %dma_start3A_27 : memref<1x40xi32, #tpu.memory_space<vmem>> -> memref<40xi32, #tpu.memory_space<vmem>>
    %dma_start3A_29 = tpu.memref_slice %arg3[%add3A_21] : memref<640000xi32, #tpu.memory_space<hbm>> -> memref<40xi32, #tpu.memory_space<hbm>>
    tpu.enqueue_dma source(%dma_start3A_29 : memref<40xi32, #tpu.memory_space<hbm>>) target(%dma_start3A_28 : memref<40xi32, #tpu.memory_space<vmem>>) target_semaphore(%arg10 : memref<!tpu.dma_semaphore, #tpu.memory_space<semaphore_mem>>)
    %rem3A_30 = arith.constant 1 : i32
    %rem3A_31 = arith.constant 8 : i32
    %rem3A_32 = arith.remsi %rem3A_30, %rem3A_31 : i32
    %add3A_33 = arith.constant 40 : i32
    %add3A_34 = arith.addi %mul3A_2, %add3A_33 : i32
    %dma_start3A_35 = arith.constant 0 : i32
    %dma_start3A_36 = tpu.memref_slice %arg5[%rem3A_32, %dma_start3A_35] : memref<8x40xi32, #tpu.memory_space<vmem>> -> memref<1x40xi32, #tpu.memory_space<vmem>>
    %dma_start3A_37 = tpu.memref_squeeze %dma_start3A_36 : memref<1x40xi32, #tpu.memory_space<vmem>> -> memref<40xi32, #tpu.memory_space<vmem>>
    %dma_start3A_38 = tpu.memref_slice %arg3[%add3A_34] : memref<640000xi32, #tpu.memory_space<hbm>> -> memref<40xi32, #tpu.memory_space<hbm>>
    %dma_start3A_39 = arith.constant 0 : i32
    %dma_start3A_40 = tpu.memref_slice %arg5[%rem3A_32, %dma_start3A_39] : memref<8x40xi32, #tpu.memory_space<vmem>> -> memref<1x40xi32, #tpu.memory_space<vmem>>
    %dma_start3A_41 = tpu.memref_squeeze %dma_start3A_40 : memref<1x40xi32, #tpu.memory_space<vmem>> -> memref<40xi32, #tpu.memory_space<vmem>>
    %dma_start3A_42 = tpu.memref_slice %arg3[%add3A_34] : memref<640000xi32, #tpu.memory_space<hbm>> -> memref<40xi32, #tpu.memory_space<hbm>>
    tpu.enqueue_dma source(%dma_start3A_42 : memref<40xi32, #tpu.memory_space<hbm>>) target(%dma_start3A_41 : memref<40xi32, #tpu.memory_space<vmem>>) target_semaphore(%arg10 : memref<!tpu.dma_semaphore, #tpu.memory_space<semaphore_mem>>)
    %add3A_43 = arith.constant 320000 : i32
    %add3A_44 = arith.addi %add3A_43, %add3A_34 : i32
    %dma_start3A_45 = arith.constant 0 : i32
    %dma_start3A_46 = tpu.memref_slice %arg6[%rem3A_32, %dma_start3A_45] : memref<8x40xi32, #tpu.memory_space<vmem>> -> memref<1x40xi32, #tpu.memory_space<vmem>>
    %dma_start3A_47 = tpu.memref_squeeze %dma_start3A_46 : memref<1x40xi32, #tpu.memory_space<vmem>> -> memref<40xi32, #tpu.memory_space<vmem>>
    %dma_start3A_48 = tpu.memref_slice %arg3[%add3A_44] : memref<640000xi32, #tpu.memory_space<hbm>> -> memref<40xi32, #tpu.memory_space<hbm>>
    %dma_start3A_49 = arith.constant 0 : i32
    %dma_start3A_50 = tpu.memref_slice %arg6[%rem3A_32, %dma_start3A_49] : memref<8x40xi32, #tpu.memory_space<vmem>> -> memref<1x40xi32, #tpu.memory_space<vmem>>
    %dma_start3A_51 = tpu.memref_squeeze %dma_start3A_50 : memref<1x40xi32, #tpu.memory_space<vmem>> -> memref<40xi32, #tpu.memory_space<vmem>>
    %dma_start3A_52 = tpu.memref_slice %arg3[%add3A_44] : memref<640000xi32, #tpu.memory_space<hbm>> -> memref<40xi32, #tpu.memory_space<hbm>>
    tpu.enqueue_dma source(%dma_start3A_52 : memref<40xi32, #tpu.memory_space<hbm>>) target(%dma_start3A_51 : memref<40xi32, #tpu.memory_space<vmem>>) target_semaphore(%arg10 : memref<!tpu.dma_semaphore, #tpu.memory_space<semaphore_mem>>)
    %rem3A_53 = arith.constant 2 : i32
    %rem3A_54 = arith.constant 8 : i32
    %rem3A_55 = arith.remsi %rem3A_53, %rem3A_54 : i32
    %add3A_56 = arith.constant 80 : i32
    %add3A_57 = arith.addi %mul3A_2, %add3A_56 : i32
    %dma_start3A_58 = arith.constant 0 : i32
    %dma_start3A_59 = tpu.memref_slice %arg5[%rem3A_55, %dma_start3A_58] : memref<8x40xi32, #tpu.memory_space<vmem>> -> memref<1x40xi32, #tpu.memory_space<vmem>>
    %dma_start3A_60 = tpu.memref_squeeze %dma_start3A_59 : memref<1x40xi32, #tpu.memory_space<vmem>> -> memref<40xi32, #tpu.memory_space<vmem>>
    %dma_start3A_61 = tpu.memref_slice %arg3[%add3A_57] : memref<640000xi32, #tpu.memory_space<hbm>> -> memref<40xi32, #tpu.memory_space<hbm>>
    %dma_start3A_62 = arith.constant 0 : i32
    %dma_start3A_63 = tpu.memref_slice %arg5[%rem3A_55, %dma_start3A_62] : memref<8x40xi32, #tpu.memory_space<vmem>> -> memref<1x40xi32, #tpu.memory_space<vmem>>
    %dma_start3A_64 = tpu.memref_squeeze %dma_start3A_63 : memref<1x40xi32, #tpu.memory_space<vmem>> -> memref<40xi32, #tpu.memory_space<vmem>>
    %dma_start3A_65 = tpu.memref_slice %arg3[%add3A_57] : memref<640000xi32, #tpu.memory_space<hbm>> -> memref<40xi32, #tpu.memory_space<hbm>>
    tpu.enqueue_dma source(%dma_start3A_65 : memref<40xi32, #tpu.memory_space<hbm>>) target(%dma_start3A_64 : memref<40xi32, #tpu.memory_space<vmem>>) target_semaphore(%arg10 : memref<!tpu.dma_semaphore, #tpu.memory_space<semaphore_mem>>)
    %add3A_66 = arith.constant 320000 : i32
    %add3A_67 = arith.addi %add3A_66, %add3A_57 : i32
    %dma_start3A_68 = arith.constant 0 : i32
    %dma_start3A_69 = tpu.memref_slice %arg6[%rem3A_55, %dma_start3A_68] : memref<8x40xi32, #tpu.memory_space<vmem>> -> memref<1x40xi32, #tpu.memory_space<vmem>>
    %dma_start3A_70 = tpu.memref_squeeze %dma_start3A_69 : memref<1x40xi32, #tpu.memory_space<vmem>> -> memref<40xi32, #tpu.memory_space<vmem>>
    %dma_start3A_71 = tpu.memref_slice %arg3[%add3A_67] : memref<640000xi32, #tpu.memory_space<hbm>> -> memref<40xi32, #tpu.memory_space<hbm>>
    %dma_start3A_72 = arith.constant 0 : i32
    %dma_start3A_73 = tpu.memref_slice %arg6[%rem3A_55, %dma_start3A_72] : memref<8x40xi32, #tpu.memory_space<vmem>> -> memref<1x40xi32, #tpu.memory_space<vmem>>
    %dma_start3A_74 = tpu.memref_squeeze %dma_start3A_73 : memref<1x40xi32, #tpu.memory_space<vmem>> -> memref<40xi32, #tpu.memory_space<vmem>>
    %dma_start3A_75 = tpu.memref_slice %arg3[%add3A_67] : memref<640000xi32, #tpu.memory_space<hbm>> -> memref<40xi32, #tpu.memory_space<hbm>>
    tpu.enqueue_dma source(%dma_start3A_75 : memref<40xi32, #tpu.memory_space<hbm>>) target(%dma_start3A_74 : memref<40xi32, #tpu.memory_space<vmem>>) target_semaphore(%arg10 : memref<!tpu.dma_semaphore, #tpu.memory_space<semaphore_mem>>)
    %rem3A_76 = arith.constant 3 : i32
    %rem3A_77 = arith.constant 8 : i32
    %rem3A_78 = arith.remsi %rem3A_76, %rem3A_77 : i32
    %add3A_79 = arith.constant 120 : i32
    %add3A_80 = arith.addi %mul3A_2, %add3A_79 : i32
    %dma_start3A_81 = arith.constant 0 : i32
    %dma_start3A_82 = tpu.memref_slice %arg5[%rem3A_78, %dma_start3A_81] : memref<8x40xi32, #tpu.memory_space<vmem>> -> memref<1x40xi32, #tpu.memory_space<vmem>>
    %dma_start3A_83 = tpu.memref_squeeze %dma_start3A_82 : memref<1x40xi32, #tpu.memory_space<vmem>> -> memref<40xi32, #tpu.memory_space<vmem>>
    %dma_start3A_84 = tpu.memref_slice %arg3[%add3A_80] : memref<640000xi32, #tpu.memory_space<hbm>> -> memref<40xi32, #tpu.memory_space<hbm>>
    %dma_start3A_85 = arith.constant 0 : i32
    %dma_start3A_86 = tpu.memref_slice %arg5[%rem3A_78, %dma_start3A_85] : memref<8x40xi32, #tpu.memory_space<vmem>> -> memref<1x40xi32, #tpu.memory_space<vmem>>
    %dma_start3A_87 = tpu.memref_squeeze %dma_start3A_86 : memref<1x40xi32, #tpu.memory_space<vmem>> -> memref<40xi32, #tpu.memory_space<vmem>>
    %dma_start3A_88 = tpu.memref_slice %arg3[%add3A_80] : memref<640000xi32, #tpu.memory_space<hbm>> -> memref<40xi32, #tpu.memory_space<hbm>>
    tpu.enqueue_dma source(%dma_start3A_88 : memref<40xi32, #tpu.memory_space<hbm>>) target(%dma_start3A_87 : memref<40xi32, #tpu.memory_space<vmem>>) target_semaphore(%arg10 : memref<!tpu.dma_semaphore, #tpu.memory_space<semaphore_mem>>)
    %add3A_89 = arith.constant 320000 : i32
    %add3A_90 = arith.addi %add3A_89, %add3A_80 : i32
    %dma_start3A_91 = arith.constant 0 : i32
    %dma_start3A_92 = tpu.memref_slice %arg6[%rem3A_78, %dma_start3A_91] : memref<8x40xi32, #tpu.memory_space<vmem>> -> memref<1x40xi32, #tpu.memory_space<vmem>>
    %dma_start3A_93 = tpu.memref_squeeze %dma_start3A_92 : memref<1x40xi32, #tpu.memory_space<vmem>> -> memref<40xi32, #tpu.memory_space<vmem>>
    %dma_start3A_94 = tpu.memref_slice %arg3[%add3A_90] : memref<640000xi32, #tpu.memory_space<hbm>> -> memref<40xi32, #tpu.memory_space<hbm>>
    %dma_start3A_95 = arith.constant 0 : i32
    %dma_start3A_96 = tpu.memref_slice %arg6[%rem3A_78, %dma_start3A_95] : memref<8x40xi32, #tpu.memory_space<vmem>> -> memref<1x40xi32, #tpu.memory_space<vmem>>
    %dma_start3A_97 = tpu.memref_squeeze %dma_start3A_96 : memref<1x40xi32, #tpu.memory_space<vmem>> -> memref<40xi32, #tpu.memory_space<vmem>>
    %dma_start3A_98 = tpu.memref_slice %arg3[%add3A_90] : memref<640000xi32, #tpu.memory_space<hbm>> -> memref<40xi32, #tpu.memory_space<hbm>>
    tpu.enqueue_dma source(%dma_start3A_98 : memref<40xi32, #tpu.memory_space<hbm>>) target(%dma_start3A_97 : memref<40xi32, #tpu.memory_space<vmem>>) target_semaphore(%arg10 : memref<!tpu.dma_semaphore, #tpu.memory_space<semaphore_mem>>)
    %rem3A_99 = arith.constant 4 : i32
    %rem3A_100 = arith.constant 8 : i32
    %rem3A_101 = arith.remsi %rem3A_99, %rem3A_100 : i32
    %add3A_102 = arith.constant 160 : i32
    %add3A_103 = arith.addi %mul3A_2, %add3A_102 : i32
    %dma_start3A_104 = arith.constant 0 : i32
    %dma_start3A_105 = tpu.memref_slice %arg5[%rem3A_101, %dma_start3A_104] : memref<8x40xi32, #tpu.memory_space<vmem>> -> memref<1x40xi32, #tpu.memory_space<vmem>>
    %dma_start3A_106 = tpu.memref_squeeze %dma_start3A_105 : memref<1x40xi32, #tpu.memory_space<vmem>> -> memref<40xi32, #tpu.memory_space<vmem>>
    %dma_start3A_107 = tpu.memref_slice %arg3[%add3A_103] : memref<640000xi32, #tpu.memory_space<hbm>> -> memref<40xi32, #tpu.memory_space<hbm>>
    %dma_start3A_108 = arith.constant 0 : i32
    %dma_start3A_109 = tpu.memref_slice %arg5[%rem3A_101, %dma_start3A_108] : memref<8x40xi32, #tpu.memory_space<vmem>> -> memref<1x40xi32, #tpu.memory_space<vmem>>
    %dma_start3A_110 = tpu.memref_squeeze %dma_start3A_109 : memref<1x40xi32, #tpu.memory_space<vmem>> -> memref<40xi32, #tpu.memory_space<vmem>>
    %dma_start3A_111 = tpu.memref_slice %arg3[%add3A_103] : memref<640000xi32, #tpu.memory_space<hbm>> -> memref<40xi32, #tpu.memory_space<hbm>>
    tpu.enqueue_dma source(%dma_start3A_111 : memref<40xi32, #tpu.memory_space<hbm>>) target(%dma_start3A_110 : memref<40xi32, #tpu.memory_space<vmem>>) target_semaphore(%arg10 : memref<!tpu.dma_semaphore, #tpu.memory_space<semaphore_mem>>)
    %add3A_112 = arith.constant 320000 : i32
    %add3A_113 = arith.addi %add3A_112, %add3A_103 : i32
    %dma_start3A_114 = arith.constant 0 : i32
    %dma_start3A_115 = tpu.memref_slice %arg6[%rem3A_101, %dma_start3A_114] : memref<8x40xi32, #tpu.memory_space<vmem>> -> memref<1x40xi32, #tpu.memory_space<vmem>>
    %dma_start3A_116 = tpu.memref_squeeze %dma_start3A_115 : memref<1x40xi32, #tpu.memory_space<vmem>> -> memref<40xi32, #tpu.memory_space<vmem>>
    %dma_start3A_117 = tpu.memref_slice %arg3[%add3A_113] : memref<640000xi32, #tpu.memory_space<hbm>> -> memref<40xi32, #tpu.memory_space<hbm>>
    %dma_start3A_118 = arith.constant 0 : i32
    %dma_start3A_119 = tpu.memref_slice %arg6[%rem3A_101, %dma_start3A_118] : memref<8x40xi32, #tpu.memory_space<vmem>> -> memref<1x40xi32, #tpu.memory_space<vmem>>
    %dma_start3A_120 = tpu.memref_squeeze %dma_start3A_119 : memref<1x40xi32, #tpu.memory_space<vmem>> -> memref<40xi32, #tpu.memory_space<vmem>>
    %dma_start3A_121 = tpu.memref_slice %arg3[%add3A_113] : memref<640000xi32, #tpu.memory_space<hbm>> -> memref<40xi32, #tpu.memory_space<hbm>>
    tpu.enqueue_dma source(%dma_start3A_121 : memref<40xi32, #tpu.memory_space<hbm>>) target(%dma_start3A_120 : memref<40xi32, #tpu.memory_space<vmem>>) target_semaphore(%arg10 : memref<!tpu.dma_semaphore, #tpu.memory_space<semaphore_mem>>)
    %rem3A_122 = arith.constant 5 : i32
    %rem3A_123 = arith.constant 8 : i32
    %rem3A_124 = arith.remsi %rem3A_122, %rem3A_123 : i32
    %add3A_125 = arith.constant 200 : i32
    %add3A_126 = arith.addi %mul3A_2, %add3A_125 : i32
    %dma_start3A_127 = arith.constant 0 : i32
    %dma_start3A_128 = tpu.memref_slice %arg5[%rem3A_124, %dma_start3A_127] : memref<8x40xi32, #tpu.memory_space<vmem>> -> memref<1x40xi32, #tpu.memory_space<vmem>>
    %dma_start3A_129 = tpu.memref_squeeze %dma_start3A_128 : memref<1x40xi32, #tpu.memory_space<vmem>> -> memref<40xi32, #tpu.memory_space<vmem>>
    %dma_start3A_130 = tpu.memref_slice %arg3[%add3A_126] : memref<640000xi32, #tpu.memory_space<hbm>> -> memref<40xi32, #tpu.memory_space<hbm>>
    %dma_start3A_131 = arith.constant 0 : i32
    %dma_start3A_132 = tpu.memref_slice %arg5[%rem3A_124, %dma_start3A_131] : memref<8x40xi32, #tpu.memory_space<vmem>> -> memref<1x40xi32, #tpu.memory_space<vmem>>
    %dma_start3A_133 = tpu.memref_squeeze %dma_start3A_132 : memref<1x40xi32, #tpu.memory_space<vmem>> -> memref<40xi32, #tpu.memory_space<vmem>>
    %dma_start3A_134 = tpu.memref_slice %arg3[%add3A_126] : memref<640000xi32, #tpu.memory_space<hbm>> -> memref<40xi32, #tpu.memory_space<hbm>>
    tpu.enqueue_dma source(%dma_start3A_134 : memref<40xi32, #tpu.memory_space<hbm>>) target(%dma_start3A_133 : memref<40xi32, #tpu.memory_space<vmem>>) target_semaphore(%arg10 : memref<!tpu.dma_semaphore, #tpu.memory_space<semaphore_mem>>)
    %add3A_135 = arith.constant 320000 : i32
    %add3A_136 = arith.addi %add3A_135, %add3A_126 : i32
    %dma_start3A_137 = arith.constant 0 : i32
    %dma_start3A_138 = tpu.memref_slice %arg6[%rem3A_124, %dma_start3A_137] : memref<8x40xi32, #tpu.memory_space<vmem>> -> memref<1x40xi32, #tpu.memory_space<vmem>>
    %dma_start3A_139 = tpu.memref_squeeze %dma_start3A_138 : memref<1x40xi32, #tpu.memory_space<vmem>> -> memref<40xi32, #tpu.memory_space<vmem>>
    %dma_start3A_140 = tpu.memref_slice %arg3[%add3A_136] : memref<640000xi32, #tpu.memory_space<hbm>> -> memref<40xi32, #tpu.memory_space<hbm>>
    %dma_start3A_141 = arith.constant 0 : i32
    %dma_start3A_142 = tpu.memref_slice %arg6[%rem3A_124, %dma_start3A_141] : memref<8x40xi32, #tpu.memory_space<vmem>> -> memref<1x40xi32, #tpu.memory_space<vmem>>
    %dma_start3A_143 = tpu.memref_squeeze %dma_start3A_142 : memref<1x40xi32, #tpu.memory_space<vmem>> -> memref<40xi32, #tpu.memory_space<vmem>>
    %dma_start3A_144 = tpu.memref_slice %arg3[%add3A_136] : memref<640000xi32, #tpu.memory_space<hbm>> -> memref<40xi32, #tpu.memory_space<hbm>>
    tpu.enqueue_dma source(%dma_start3A_144 : memref<40xi32, #tpu.memory_space<hbm>>) target(%dma_start3A_143 : memref<40xi32, #tpu.memory_space<vmem>>) target_semaphore(%arg10 : memref<!tpu.dma_semaphore, #tpu.memory_space<semaphore_mem>>)
    %rem3A_145 = arith.constant 6 : i32
    %rem3A_146 = arith.constant 8 : i32
    %rem3A_147 = arith.remsi %rem3A_145, %rem3A_146 : i32
    %add3A_148 = arith.constant 240 : i32
    %add3A_149 = arith.addi %mul3A_2, %add3A_148 : i32
    %dma_start3A_150 = arith.constant 0 : i32
    %dma_start3A_151 = tpu.memref_slice %arg5[%rem3A_147, %dma_start3A_150] : memref<8x40xi32, #tpu.memory_space<vmem>> -> memref<1x40xi32, #tpu.memory_space<vmem>>
    %dma_start3A_152 = tpu.memref_squeeze %dma_start3A_151 : memref<1x40xi32, #tpu.memory_space<vmem>> -> memref<40xi32, #tpu.memory_space<vmem>>
    %dma_start3A_153 = tpu.memref_slice %arg3[%add3A_149] : memref<640000xi32, #tpu.memory_space<hbm>> -> memref<40xi32, #tpu.memory_space<hbm>>
    %dma_start3A_154 = arith.constant 0 : i32
    %dma_start3A_155 = tpu.memref_slice %arg5[%rem3A_147, %dma_start3A_154] : memref<8x40xi32, #tpu.memory_space<vmem>> -> memref<1x40xi32, #tpu.memory_space<vmem>>
    %dma_start3A_156 = tpu.memref_squeeze %dma_start3A_155 : memref<1x40xi32, #tpu.memory_space<vmem>> -> memref<40xi32, #tpu.memory_space<vmem>>
    %dma_start3A_157 = tpu.memref_slice %arg3[%add3A_149] : memref<640000xi32, #tpu.memory_space<hbm>> -> memref<40xi32, #tpu.memory_space<hbm>>
    tpu.enqueue_dma source(%dma_start3A_157 : memref<40xi32, #tpu.memory_space<hbm>>) target(%dma_start3A_156 : memref<40xi32, #tpu.memory_space<vmem>>) target_semaphore(%arg10 : memref<!tpu.dma_semaphore, #tpu.memory_space<semaphore_mem>>)
    %add3A_158 = arith.constant 320000 : i32
    %add3A_159 = arith.addi %add3A_158, %add3A_149 : i32
    %dma_start3A_160 = arith.constant 0 : i32
    %dma_start3A_161 = tpu.memref_slice %arg6[%rem3A_147, %dma_start3A_160] : memref<8x40xi32, #tpu.memory_space<vmem>> -> memref<1x40xi32, #tpu.memory_space<vmem>>
    %dma_start3A_162 = tpu.memref_squeeze %dma_start3A_161 : memref<1x40xi32, #tpu.memory_space<vmem>> -> memref<40xi32, #tpu.memory_space<vmem>>
    %dma_start3A_163 = tpu.memref_slice %arg3[%add3A_159] : memref<640000xi32, #tpu.memory_space<hbm>> -> memref<40xi32, #tpu.memory_space<hbm>>
    %dma_start3A_164 = arith.constant 0 : i32
    %dma_start3A_165 = tpu.memref_slice %arg6[%rem3A_147, %dma_start3A_164] : memref<8x40xi32, #tpu.memory_space<vmem>> -> memref<1x40xi32, #tpu.memory_space<vmem>>
    %dma_start3A_166 = tpu.memref_squeeze %dma_start3A_165 : memref<1x40xi32, #tpu.memory_space<vmem>> -> memref<40xi32, #tpu.memory_space<vmem>>
    %dma_start3A_167 = tpu.memref_slice %arg3[%add3A_159] : memref<640000xi32, #tpu.memory_space<hbm>> -> memref<40xi32, #tpu.memory_space<hbm>>
    tpu.enqueue_dma source(%dma_start3A_167 : memref<40xi32, #tpu.memory_space<hbm>>) target(%dma_start3A_166 : memref<40xi32, #tpu.memory_space<vmem>>) target_semaphore(%arg10 : memref<!tpu.dma_semaphore, #tpu.memory_space<semaphore_mem>>)
    %rem3A_168 = arith.constant 0 : i32
    %rem3A_169 = arith.constant 8 : i32
    %rem3A_170 = arith.remsi %rem3A_168, %rem3A_169 : i32
    %add3A_171 = arith.constant 0 : i32
    %add3A_172 = arith.addi %mul3A_2, %add3A_171 : i32
    %dma_wait3A = arith.constant 0 : i32
    %dma_wait3A_173 = tpu.memref_slice %arg5[%rem3A_170, %dma_wait3A] : memref<8x40xi32, #tpu.memory_space<vmem>> -> memref<1x40xi32, #tpu.memory_space<vmem>>
    %dma_wait3A_174 = tpu.memref_squeeze %dma_wait3A_173 : memref<1x40xi32, #tpu.memory_space<vmem>> -> memref<40xi32, #tpu.memory_space<vmem>>
    %dma_wait3A_175 = tpu.memref_slice %arg3[%add3A_172] : memref<640000xi32, #tpu.memory_space<hbm>> -> memref<40xi32, #tpu.memory_space<hbm>>
    %dma_wait3A_176 = arith.constant 0 : i32
    %dma_wait3A_177 = tpu.memref_slice %arg5[%rem3A_170, %dma_wait3A_176] : memref<8x40xi32, #tpu.memory_space<vmem>> -> memref<1x40xi32, #tpu.memory_space<vmem>>
    %dma_wait3A_178 = tpu.memref_squeeze %dma_wait3A_177 : memref<1x40xi32, #tpu.memory_space<vmem>> -> memref<40xi32, #tpu.memory_space<vmem>>
    %dma_wait3A_179 = tpu.memref_slice %arg3[%add3A_172] : memref<640000xi32, #tpu.memory_space<hbm>> -> memref<40xi32, #tpu.memory_space<hbm>>
    tpu.wait_dma2 semaphore(%arg10 : memref<!tpu.dma_semaphore, #tpu.memory_space<semaphore_mem>>) src(%dma_wait3A_179 : memref<40xi32, #tpu.memory_space<hbm>>) dst(%dma_wait3A_178 : memref<40xi32, #tpu.memory_space<vmem>>)
    %add3A_180 = arith.constant 320000 : i32
    %add3A_181 = arith.addi %add3A_180, %add3A_172 : i32
    %dma_wait3A_182 = arith.constant 0 : i32
    %dma_wait3A_183 = tpu.memref_slice %arg6[%rem3A_170, %dma_wait3A_182] : memref<8x40xi32, #tpu.memory_space<vmem>> -> memref<1x40xi32, #tpu.memory_space<vmem>>
    %dma_wait3A_184 = tpu.memref_squeeze %dma_wait3A_183 : memref<1x40xi32, #tpu.memory_space<vmem>> -> memref<40xi32, #tpu.memory_space<vmem>>
    %dma_wait3A_185 = tpu.memref_slice %arg3[%add3A_181] : memref<640000xi32, #tpu.memory_space<hbm>> -> memref<40xi32, #tpu.memory_space<hbm>>
    %dma_wait3A_186 = arith.constant 0 : i32
    %dma_wait3A_187 = tpu.memref_slice %arg6[%rem3A_170, %dma_wait3A_186] : memref<8x40xi32, #tpu.memory_space<vmem>> -> memref<1x40xi32, #tpu.memory_space<vmem>>
    %dma_wait3A_188 = tpu.memref_squeeze %dma_wait3A_187 : memref<1x40xi32, #tpu.memory_space<vmem>> -> memref<40xi32, #tpu.memory_space<vmem>>
    %dma_wait3A_189 = tpu.memref_slice %arg3[%add3A_181] : memref<640000xi32, #tpu.memory_space<hbm>> -> memref<40xi32, #tpu.memory_space<hbm>>
    tpu.wait_dma2 semaphore(%arg10 : memref<!tpu.dma_semaphore, #tpu.memory_space<semaphore_mem>>) src(%dma_wait3A_189 : memref<40xi32, #tpu.memory_space<hbm>>) dst(%dma_wait3A_188 : memref<40xi32, #tpu.memory_space<vmem>>)
    %dma_start3A_190 = arith.constant 0 : i32
    %dma_start3A_191 = arith.constant 0 : i32
    %dma_start3A_192 = arith.constant 0 : i32
    %dma_start3A_193 = arith.constant 0 : i32
    %dma_start3A_194 = tpu.memref_slice %arg7[%dma_start3A_191, %dma_start3A_192, %dma_start3A_193] : memref<8x40x128xf32, #tpu.memory_space<vmem>> -> memref<1x40x128xf32, #tpu.memory_space<vmem>>
    %dma_start3A_195 = tpu.memref_squeeze %dma_start3A_194 : memref<1x40x128xf32, #tpu.memory_space<vmem>> -> memref<40x128xf32, #tpu.memory_space<vmem>>
    %dma_start3A_196 = arith.constant 0 : i32
    %dma_start3A_197 = tpu.memref_slice %arg5[%dma_start3A_190, %dma_start3A_196] : memref<8x40xi32, #tpu.memory_space<vmem>> -> memref<1x40xi32, #tpu.memory_space<vmem>>
    %dma_start3A_198 = tpu.memref_squeeze %dma_start3A_197 : memref<1x40xi32, #tpu.memory_space<vmem>> -> memref<40xi32, #tpu.memory_space<vmem>>
    %dma_start3A_199 = arith.constant 0 : i32
    %dma_start3A_200 = arith.constant 0 : i32
    %dma_start3A_201 = tpu.memref_slice %arg2[%dma_start3A_199, %dma_start3A_200] : memref<10000x128xf32, #tpu.memory_space<hbm>> -> memref<10000x128xf32, #tpu.memory_space<hbm>>
    tpu.enqueue_indirect_dma source(%dma_start3A_201 : memref<10000x128xf32, #tpu.memory_space<hbm>>) target(%dma_start3A_195 : memref<40x128xf32, #tpu.memory_space<vmem>>) offsets(%dma_start3A_198 : memref<40xi32, #tpu.memory_space<vmem>>) semaphore(%arg9 : memref<!tpu.dma_semaphore, #tpu.memory_space<semaphore_mem>>)
    %rem3A_202 = arith.constant 1 : i32
    %rem3A_203 = arith.constant 8 : i32
    %rem3A_204 = arith.remsi %rem3A_202, %rem3A_203 : i32
    %add3A_205 = arith.constant 40 : i32
    %add3A_206 = arith.addi %mul3A_2, %add3A_205 : i32
    %dma_wait3A_207 = arith.constant 0 : i32
    %dma_wait3A_208 = tpu.memref_slice %arg5[%rem3A_204, %dma_wait3A_207] : memref<8x40xi32, #tpu.memory_space<vmem>> -> memref<1x40xi32, #tpu.memory_space<vmem>>
    %dma_wait3A_209 = tpu.memref_squeeze %dma_wait3A_208 : memref<1x40xi32, #tpu.memory_space<vmem>> -> memref<40xi32, #tpu.memory_space<vmem>>
    %dma_wait3A_210 = tpu.memref_slice %arg3[%add3A_206] : memref<640000xi32, #tpu.memory_space<hbm>> -> memref<40xi32, #tpu.memory_space<hbm>>
    %dma_wait3A_211 = arith.constant 0 : i32
    %dma_wait3A_212 = tpu.memref_slice %arg5[%rem3A_204, %dma_wait3A_211] : memref<8x40xi32, #tpu.memory_space<vmem>> -> memref<1x40xi32, #tpu.memory_space<vmem>>
    %dma_wait3A_213 = tpu.memref_squeeze %dma_wait3A_212 : memref<1x40xi32, #tpu.memory_space<vmem>> -> memref<40xi32, #tpu.memory_space<vmem>>
    %dma_wait3A_214 = tpu.memref_slice %arg3[%add3A_206] : memref<640000xi32, #tpu.memory_space<hbm>> -> memref<40xi32, #tpu.memory_space<hbm>>
    tpu.wait_dma2 semaphore(%arg10 : memref<!tpu.dma_semaphore, #tpu.memory_space<semaphore_mem>>) src(%dma_wait3A_214 : memref<40xi32, #tpu.memory_space<hbm>>) dst(%dma_wait3A_213 : memref<40xi32, #tpu.memory_space<vmem>>)
    %add3A_215 = arith.constant 320000 : i32
    %add3A_216 = arith.addi %add3A_215, %add3A_206 : i32
    %dma_wait3A_217 = arith.constant 0 : i32
    %dma_wait3A_218 = tpu.memref_slice %arg6[%rem3A_204, %dma_wait3A_217] : memref<8x40xi32, #tpu.memory_space<vmem>> -> memref<1x40xi32, #tpu.memory_space<vmem>>
    %dma_wait3A_219 = tpu.memref_squeeze %dma_wait3A_218 : memref<1x40xi32, #tpu.memory_space<vmem>> -> memref<40xi32, #tpu.memory_space<vmem>>
    %dma_wait3A_220 = tpu.memref_slice %arg3[%add3A_216] : memref<640000xi32, #tpu.memory_space<hbm>> -> memref<40xi32, #tpu.memory_space<hbm>>
    %dma_wait3A_221 = arith.constant 0 : i32
    %dma_wait3A_222 = tpu.memref_slice %arg6[%rem3A_204, %dma_wait3A_221] : memref<8x40xi32, #tpu.memory_space<vmem>> -> memref<1x40xi32, #tpu.memory_space<vmem>>
    %dma_wait3A_223 = tpu.memref_squeeze %dma_wait3A_222 : memref<1x40xi32, #tpu.memory_space<vmem>> -> memref<40xi32, #tpu.memory_space<vmem>>
    %dma_wait3A_224 = tpu.memref_slice %arg3[%add3A_216] : memref<640000xi32, #tpu.memory_space<hbm>> -> memref<40xi32, #tpu.memory_space<hbm>>
    tpu.wait_dma2 semaphore(%arg10 : memref<!tpu.dma_semaphore, #tpu.memory_space<semaphore_mem>>) src(%dma_wait3A_224 : memref<40xi32, #tpu.memory_space<hbm>>) dst(%dma_wait3A_223 : memref<40xi32, #tpu.memory_space<vmem>>)
    %dma_start3A_225 = arith.constant 1 : i32
    %dma_start3A_226 = arith.constant 1 : i32
    %dma_start3A_227 = arith.constant 0 : i32
    %dma_start3A_228 = arith.constant 0 : i32
    %dma_start3A_229 = tpu.memref_slice %arg7[%dma_start3A_226, %dma_start3A_227, %dma_start3A_228] : memref<8x40x128xf32, #tpu.memory_space<vmem>> -> memref<1x40x128xf32, #tpu.memory_space<vmem>>
    %dma_start3A_230 = tpu.memref_squeeze %dma_start3A_229 : memref<1x40x128xf32, #tpu.memory_space<vmem>> -> memref<40x128xf32, #tpu.memory_space<vmem>>
    %dma_start3A_231 = arith.constant 0 : i32
    %dma_start3A_232 = tpu.memref_slice %arg5[%dma_start3A_225, %dma_start3A_231] : memref<8x40xi32, #tpu.memory_space<vmem>> -> memref<1x40xi32, #tpu.memory_space<vmem>>
    %dma_start3A_233 = tpu.memref_squeeze %dma_start3A_232 : memref<1x40xi32, #tpu.memory_space<vmem>> -> memref<40xi32, #tpu.memory_space<vmem>>
    %dma_start3A_234 = arith.constant 0 : i32
    %dma_start3A_235 = arith.constant 0 : i32
    %dma_start3A_236 = tpu.memref_slice %arg2[%dma_start3A_234, %dma_start3A_235] : memref<10000x128xf32, #tpu.memory_space<hbm>> -> memref<10000x128xf32, #tpu.memory_space<hbm>>
    tpu.enqueue_indirect_dma source(%dma_start3A_236 : memref<10000x128xf32, #tpu.memory_space<hbm>>) target(%dma_start3A_230 : memref<40x128xf32, #tpu.memory_space<vmem>>) offsets(%dma_start3A_233 : memref<40xi32, #tpu.memory_space<vmem>>) semaphore(%arg9 : memref<!tpu.dma_semaphore, #tpu.memory_space<semaphore_mem>>)
    %rem3A_237 = arith.constant 2 : i32
    %rem3A_238 = arith.constant 8 : i32
    %rem3A_239 = arith.remsi %rem3A_237, %rem3A_238 : i32
    %add3A_240 = arith.constant 80 : i32
    %add3A_241 = arith.addi %mul3A_2, %add3A_240 : i32
    %dma_wait3A_242 = arith.constant 0 : i32
    %dma_wait3A_243 = tpu.memref_slice %arg5[%rem3A_239, %dma_wait3A_242] : memref<8x40xi32, #tpu.memory_space<vmem>> -> memref<1x40xi32, #tpu.memory_space<vmem>>
    %dma_wait3A_244 = tpu.memref_squeeze %dma_wait3A_243 : memref<1x40xi32, #tpu.memory_space<vmem>> -> memref<40xi32, #tpu.memory_space<vmem>>
    %dma_wait3A_245 = tpu.memref_slice %arg3[%add3A_241] : memref<640000xi32, #tpu.memory_space<hbm>> -> memref<40xi32, #tpu.memory_space<hbm>>
    %dma_wait3A_246 = arith.constant 0 : i32
    %dma_wait3A_247 = tpu.memref_slice %arg5[%rem3A_239, %dma_wait3A_246] : memref<8x40xi32, #tpu.memory_space<vmem>> -> memref<1x40xi32, #tpu.memory_space<vmem>>
    %dma_wait3A_248 = tpu.memref_squeeze %dma_wait3A_247 : memref<1x40xi32, #tpu.memory_space<vmem>> -> memref<40xi32, #tpu.memory_space<vmem>>
    %dma_wait3A_249 = tpu.memref_slice %arg3[%add3A_241] : memref<640000xi32, #tpu.memory_space<hbm>> -> memref<40xi32, #tpu.memory_space<hbm>>
    tpu.wait_dma2 semaphore(%arg10 : memref<!tpu.dma_semaphore, #tpu.memory_space<semaphore_mem>>) src(%dma_wait3A_249 : memref<40xi32, #tpu.memory_space<hbm>>) dst(%dma_wait3A_248 : memref<40xi32, #tpu.memory_space<vmem>>)
    %add3A_250 = arith.constant 320000 : i32
    %add3A_251 = arith.addi %add3A_250, %add3A_241 : i32
    %dma_wait3A_252 = arith.constant 0 : i32
    %dma_wait3A_253 = tpu.memref_slice %arg6[%rem3A_239, %dma_wait3A_252] : memref<8x40xi32, #tpu.memory_space<vmem>> -> memref<1x40xi32, #tpu.memory_space<vmem>>
    %dma_wait3A_254 = tpu.memref_squeeze %dma_wait3A_253 : memref<1x40xi32, #tpu.memory_space<vmem>> -> memref<40xi32, #tpu.memory_space<vmem>>
    %dma_wait3A_255 = tpu.memref_slice %arg3[%add3A_251] : memref<640000xi32, #tpu.memory_space<hbm>> -> memref<40xi32, #tpu.memory_space<hbm>>
    %dma_wait3A_256 = arith.constant 0 : i32
    %dma_wait3A_257 = tpu.memref_slice %arg6[%rem3A_239, %dma_wait3A_256] : memref<8x40xi32, #tpu.memory_space<vmem>> -> memref<1x40xi32, #tpu.memory_space<vmem>>
    %dma_wait3A_258 = tpu.memref_squeeze %dma_wait3A_257 : memref<1x40xi32, #tpu.memory_space<vmem>> -> memref<40xi32, #tpu.memory_space<vmem>>
    %dma_wait3A_259 = tpu.memref_slice %arg3[%add3A_251] : memref<640000xi32, #tpu.memory_space<hbm>> -> memref<40xi32, #tpu.memory_space<hbm>>
    tpu.wait_dma2 semaphore(%arg10 : memref<!tpu.dma_semaphore, #tpu.memory_space<semaphore_mem>>) src(%dma_wait3A_259 : memref<40xi32, #tpu.memory_space<hbm>>) dst(%dma_wait3A_258 : memref<40xi32, #tpu.memory_space<vmem>>)
    %dma_start3A_260 = arith.constant 2 : i32
    %dma_start3A_261 = arith.constant 2 : i32
    %dma_start3A_262 = arith.constant 0 : i32
    %dma_start3A_263 = arith.constant 0 : i32
    %dma_start3A_264 = tpu.memref_slice %arg7[%dma_start3A_261, %dma_start3A_262, %dma_start3A_263] : memref<8x40x128xf32, #tpu.memory_space<vmem>> -> memref<1x40x128xf32, #tpu.memory_space<vmem>>
    %dma_start3A_265 = tpu.memref_squeeze %dma_start3A_264 : memref<1x40x128xf32, #tpu.memory_space<vmem>> -> memref<40x128xf32, #tpu.memory_space<vmem>>
    %dma_start3A_266 = arith.constant 0 : i32
    %dma_start3A_267 = tpu.memref_slice %arg5[%dma_start3A_260, %dma_start3A_266] : memref<8x40xi32, #tpu.memory_space<vmem>> -> memref<1x40xi32, #tpu.memory_space<vmem>>
    %dma_start3A_268 = tpu.memref_squeeze %dma_start3A_267 : memref<1x40xi32, #tpu.memory_space<vmem>> -> memref<40xi32, #tpu.memory_space<vmem>>
    %dma_start3A_269 = arith.constant 0 : i32
    %dma_start3A_270 = arith.constant 0 : i32
    %dma_start3A_271 = tpu.memref_slice %arg2[%dma_start3A_269, %dma_start3A_270] : memref<10000x128xf32, #tpu.memory_space<hbm>> -> memref<10000x128xf32, #tpu.memory_space<hbm>>
    tpu.enqueue_indirect_dma source(%dma_start3A_271 : memref<10000x128xf32, #tpu.memory_space<hbm>>) target(%dma_start3A_265 : memref<40x128xf32, #tpu.memory_space<vmem>>) offsets(%dma_start3A_268 : memref<40xi32, #tpu.memory_space<vmem>>) semaphore(%arg9 : memref<!tpu.dma_semaphore, #tpu.memory_space<semaphore_mem>>)
    %rem3A_272 = arith.constant 3 : i32
    %rem3A_273 = arith.constant 8 : i32
    %rem3A_274 = arith.remsi %rem3A_272, %rem3A_273 : i32
    %add3A_275 = arith.constant 120 : i32
    %add3A_276 = arith.addi %mul3A_2, %add3A_275 : i32
    %dma_wait3A_277 = arith.constant 0 : i32
    %dma_wait3A_278 = tpu.memref_slice %arg5[%rem3A_274, %dma_wait3A_277] : memref<8x40xi32, #tpu.memory_space<vmem>> -> memref<1x40xi32, #tpu.memory_space<vmem>>
    %dma_wait3A_279 = tpu.memref_squeeze %dma_wait3A_278 : memref<1x40xi32, #tpu.memory_space<vmem>> -> memref<40xi32, #tpu.memory_space<vmem>>
    %dma_wait3A_280 = tpu.memref_slice %arg3[%add3A_276] : memref<640000xi32, #tpu.memory_space<hbm>> -> memref<40xi32, #tpu.memory_space<hbm>>
    %dma_wait3A_281 = arith.constant 0 : i32
    %dma_wait3A_282 = tpu.memref_slice %arg5[%rem3A_274, %dma_wait3A_281] : memref<8x40xi32, #tpu.memory_space<vmem>> -> memref<1x40xi32, #tpu.memory_space<vmem>>
    %dma_wait3A_283 = tpu.memref_squeeze %dma_wait3A_282 : memref<1x40xi32, #tpu.memory_space<vmem>> -> memref<40xi32, #tpu.memory_space<vmem>>
    %dma_wait3A_284 = tpu.memref_slice %arg3[%add3A_276] : memref<640000xi32, #tpu.memory_space<hbm>> -> memref<40xi32, #tpu.memory_space<hbm>>
    tpu.wait_dma2 semaphore(%arg10 : memref<!tpu.dma_semaphore, #tpu.memory_space<semaphore_mem>>) src(%dma_wait3A_284 : memref<40xi32, #tpu.memory_space<hbm>>) dst(%dma_wait3A_283 : memref<40xi32, #tpu.memory_space<vmem>>)
    %add3A_285 = arith.constant 320000 : i32
    %add3A_286 = arith.addi %add3A_285, %add3A_276 : i32
    %dma_wait3A_287 = arith.constant 0 : i32
    %dma_wait3A_288 = tpu.memref_slice %arg6[%rem3A_274, %dma_wait3A_287] : memref<8x40xi32, #tpu.memory_space<vmem>> -> memref<1x40xi32, #tpu.memory_space<vmem>>
    %dma_wait3A_289 = tpu.memref_squeeze %dma_wait3A_288 : memref<1x40xi32, #tpu.memory_space<vmem>> -> memref<40xi32, #tpu.memory_space<vmem>>
    %dma_wait3A_290 = tpu.memref_slice %arg3[%add3A_286] : memref<640000xi32, #tpu.memory_space<hbm>> -> memref<40xi32, #tpu.memory_space<hbm>>
    %dma_wait3A_291 = arith.constant 0 : i32
    %dma_wait3A_292 = tpu.memref_slice %arg6[%rem3A_274, %dma_wait3A_291] : memref<8x40xi32, #tpu.memory_space<vmem>> -> memref<1x40xi32, #tpu.memory_space<vmem>>
    %dma_wait3A_293 = tpu.memref_squeeze %dma_wait3A_292 : memref<1x40xi32, #tpu.memory_space<vmem>> -> memref<40xi32, #tpu.memory_space<vmem>>
    %dma_wait3A_294 = tpu.memref_slice %arg3[%add3A_286] : memref<640000xi32, #tpu.memory_space<hbm>> -> memref<40xi32, #tpu.memory_space<hbm>>
    tpu.wait_dma2 semaphore(%arg10 : memref<!tpu.dma_semaphore, #tpu.memory_space<semaphore_mem>>) src(%dma_wait3A_294 : memref<40xi32, #tpu.memory_space<hbm>>) dst(%dma_wait3A_293 : memref<40xi32, #tpu.memory_space<vmem>>)
    %dma_start3A_295 = arith.constant 3 : i32
    %dma_start3A_296 = arith.constant 3 : i32
    %dma_start3A_297 = arith.constant 0 : i32
    %dma_start3A_298 = arith.constant 0 : i32
    %dma_start3A_299 = tpu.memref_slice %arg7[%dma_start3A_296, %dma_start3A_297, %dma_start3A_298] : memref<8x40x128xf32, #tpu.memory_space<vmem>> -> memref<1x40x128xf32, #tpu.memory_space<vmem>>
    %dma_start3A_300 = tpu.memref_squeeze %dma_start3A_299 : memref<1x40x128xf32, #tpu.memory_space<vmem>> -> memref<40x128xf32, #tpu.memory_space<vmem>>
    %dma_start3A_301 = arith.constant 0 : i32
    %dma_start3A_302 = tpu.memref_slice %arg5[%dma_start3A_295, %dma_start3A_301] : memref<8x40xi32, #tpu.memory_space<vmem>> -> memref<1x40xi32, #tpu.memory_space<vmem>>
    %dma_start3A_303 = tpu.memref_squeeze %dma_start3A_302 : memref<1x40xi32, #tpu.memory_space<vmem>> -> memref<40xi32, #tpu.memory_space<vmem>>
    %dma_start3A_304 = arith.constant 0 : i32
    %dma_start3A_305 = arith.constant 0 : i32
    %dma_start3A_306 = tpu.memref_slice %arg2[%dma_start3A_304, %dma_start3A_305] : memref<10000x128xf32, #tpu.memory_space<hbm>> -> memref<10000x128xf32, #tpu.memory_space<hbm>>
    tpu.enqueue_indirect_dma source(%dma_start3A_306 : memref<10000x128xf32, #tpu.memory_space<hbm>>) target(%dma_start3A_300 : memref<40x128xf32, #tpu.memory_space<vmem>>) offsets(%dma_start3A_303 : memref<40xi32, #tpu.memory_space<vmem>>) semaphore(%arg9 : memref<!tpu.dma_semaphore, #tpu.memory_space<semaphore_mem>>)
    %rem3A_307 = arith.constant 4 : i32
    %rem3A_308 = arith.constant 8 : i32
    %rem3A_309 = arith.remsi %rem3A_307, %rem3A_308 : i32
    %add3A_310 = arith.constant 160 : i32
    %add3A_311 = arith.addi %mul3A_2, %add3A_310 : i32
    %dma_wait3A_312 = arith.constant 0 : i32
    %dma_wait3A_313 = tpu.memref_slice %arg5[%rem3A_309, %dma_wait3A_312] : memref<8x40xi32, #tpu.memory_space<vmem>> -> memref<1x40xi32, #tpu.memory_space<vmem>>
    %dma_wait3A_314 = tpu.memref_squeeze %dma_wait3A_313 : memref<1x40xi32, #tpu.memory_space<vmem>> -> memref<40xi32, #tpu.memory_space<vmem>>
    %dma_wait3A_315 = tpu.memref_slice %arg3[%add3A_311] : memref<640000xi32, #tpu.memory_space<hbm>> -> memref<40xi32, #tpu.memory_space<hbm>>
    %dma_wait3A_316 = arith.constant 0 : i32
    %dma_wait3A_317 = tpu.memref_slice %arg5[%rem3A_309, %dma_wait3A_316] : memref<8x40xi32, #tpu.memory_space<vmem>> -> memref<1x40xi32, #tpu.memory_space<vmem>>
    %dma_wait3A_318 = tpu.memref_squeeze %dma_wait3A_317 : memref<1x40xi32, #tpu.memory_space<vmem>> -> memref<40xi32, #tpu.memory_space<vmem>>
    %dma_wait3A_319 = tpu.memref_slice %arg3[%add3A_311] : memref<640000xi32, #tpu.memory_space<hbm>> -> memref<40xi32, #tpu.memory_space<hbm>>
    tpu.wait_dma2 semaphore(%arg10 : memref<!tpu.dma_semaphore, #tpu.memory_space<semaphore_mem>>) src(%dma_wait3A_319 : memref<40xi32, #tpu.memory_space<hbm>>) dst(%dma_wait3A_318 : memref<40xi32, #tpu.memory_space<vmem>>)
    %add3A_320 = arith.constant 320000 : i32
    %add3A_321 = arith.addi %add3A_320, %add3A_311 : i32
    %dma_wait3A_322 = arith.constant 0 : i32
    %dma_wait3A_323 = tpu.memref_slice %arg6[%rem3A_309, %dma_wait3A_322] : memref<8x40xi32, #tpu.memory_space<vmem>> -> memref<1x40xi32, #tpu.memory_space<vmem>>
    %dma_wait3A_324 = tpu.memref_squeeze %dma_wait3A_323 : memref<1x40xi32, #tpu.memory_space<vmem>> -> memref<40xi32, #tpu.memory_space<vmem>>
    %dma_wait3A_325 = tpu.memref_slice %arg3[%add3A_321] : memref<640000xi32, #tpu.memory_space<hbm>> -> memref<40xi32, #tpu.memory_space<hbm>>
    %dma_wait3A_326 = arith.constant 0 : i32
    %dma_wait3A_327 = tpu.memref_slice %arg6[%rem3A_309, %dma_wait3A_326] : memref<8x40xi32, #tpu.memory_space<vmem>> -> memref<1x40xi32, #tpu.memory_space<vmem>>
    %dma_wait3A_328 = tpu.memref_squeeze %dma_wait3A_327 : memref<1x40xi32, #tpu.memory_space<vmem>> -> memref<40xi32, #tpu.memory_space<vmem>>
    %dma_wait3A_329 = tpu.memref_slice %arg3[%add3A_321] : memref<640000xi32, #tpu.memory_space<hbm>> -> memref<40xi32, #tpu.memory_space<hbm>>
    tpu.wait_dma2 semaphore(%arg10 : memref<!tpu.dma_semaphore, #tpu.memory_space<semaphore_mem>>) src(%dma_wait3A_329 : memref<40xi32, #tpu.memory_space<hbm>>) dst(%dma_wait3A_328 : memref<40xi32, #tpu.memory_space<vmem>>)
    %dma_start3A_330 = arith.constant 4 : i32
    %dma_start3A_331 = arith.constant 4 : i32
    %dma_start3A_332 = arith.constant 0 : i32
    %dma_start3A_333 = arith.constant 0 : i32
    %dma_start3A_334 = tpu.memref_slice %arg7[%dma_start3A_331, %dma_start3A_332, %dma_start3A_333] : memref<8x40x128xf32, #tpu.memory_space<vmem>> -> memref<1x40x128xf32, #tpu.memory_space<vmem>>
    %dma_start3A_335 = tpu.memref_squeeze %dma_start3A_334 : memref<1x40x128xf32, #tpu.memory_space<vmem>> -> memref<40x128xf32, #tpu.memory_space<vmem>>
    %dma_start3A_336 = arith.constant 0 : i32
    %dma_start3A_337 = tpu.memref_slice %arg5[%dma_start3A_330, %dma_start3A_336] : memref<8x40xi32, #tpu.memory_space<vmem>> -> memref<1x40xi32, #tpu.memory_space<vmem>>
    %dma_start3A_338 = tpu.memref_squeeze %dma_start3A_337 : memref<1x40xi32, #tpu.memory_space<vmem>> -> memref<40xi32, #tpu.memory_space<vmem>>
    %dma_start3A_339 = arith.constant 0 : i32
    %dma_start3A_340 = arith.constant 0 : i32
    %dma_start3A_341 = tpu.memref_slice %arg2[%dma_start3A_339, %dma_start3A_340] : memref<10000x128xf32, #tpu.memory_space<hbm>> -> memref<10000x128xf32, #tpu.memory_space<hbm>>
    tpu.enqueue_indirect_dma source(%dma_start3A_341 : memref<10000x128xf32, #tpu.memory_space<hbm>>) target(%dma_start3A_335 : memref<40x128xf32, #tpu.memory_space<vmem>>) offsets(%dma_start3A_338 : memref<40xi32, #tpu.memory_space<vmem>>) semaphore(%arg9 : memref<!tpu.dma_semaphore, #tpu.memory_space<semaphore_mem>>)
    %rem3A_342 = arith.constant 5 : i32
    %rem3A_343 = arith.constant 8 : i32
    %rem3A_344 = arith.remsi %rem3A_342, %rem3A_343 : i32
    %add3A_345 = arith.constant 200 : i32
    %add3A_346 = arith.addi %mul3A_2, %add3A_345 : i32
    %dma_wait3A_347 = arith.constant 0 : i32
    %dma_wait3A_348 = tpu.memref_slice %arg5[%rem3A_344, %dma_wait3A_347] : memref<8x40xi32, #tpu.memory_space<vmem>> -> memref<1x40xi32, #tpu.memory_space<vmem>>
    %dma_wait3A_349 = tpu.memref_squeeze %dma_wait3A_348 : memref<1x40xi32, #tpu.memory_space<vmem>> -> memref<40xi32, #tpu.memory_space<vmem>>
    %dma_wait3A_350 = tpu.memref_slice %arg3[%add3A_346] : memref<640000xi32, #tpu.memory_space<hbm>> -> memref<40xi32, #tpu.memory_space<hbm>>
    %dma_wait3A_351 = arith.constant 0 : i32
    %dma_wait3A_352 = tpu.memref_slice %arg5[%rem3A_344, %dma_wait3A_351] : memref<8x40xi32, #tpu.memory_space<vmem>> -> memref<1x40xi32, #tpu.memory_space<vmem>>
    %dma_wait3A_353 = tpu.memref_squeeze %dma_wait3A_352 : memref<1x40xi32, #tpu.memory_space<vmem>> -> memref<40xi32, #tpu.memory_space<vmem>>
    %dma_wait3A_354 = tpu.memref_slice %arg3[%add3A_346] : memref<640000xi32, #tpu.memory_space<hbm>> -> memref<40xi32, #tpu.memory_space<hbm>>
    tpu.wait_dma2 semaphore(%arg10 : memref<!tpu.dma_semaphore, #tpu.memory_space<semaphore_mem>>) src(%dma_wait3A_354 : memref<40xi32, #tpu.memory_space<hbm>>) dst(%dma_wait3A_353 : memref<40xi32, #tpu.memory_space<vmem>>)
    %add3A_355 = arith.constant 320000 : i32
    %add3A_356 = arith.addi %add3A_355, %add3A_346 : i32
    %dma_wait3A_357 = arith.constant 0 : i32
    %dma_wait3A_358 = tpu.memref_slice %arg6[%rem3A_344, %dma_wait3A_357] : memref<8x40xi32, #tpu.memory_space<vmem>> -> memref<1x40xi32, #tpu.memory_space<vmem>>
    %dma_wait3A_359 = tpu.memref_squeeze %dma_wait3A_358 : memref<1x40xi32, #tpu.memory_space<vmem>> -> memref<40xi32, #tpu.memory_space<vmem>>
    %dma_wait3A_360 = tpu.memref_slice %arg3[%add3A_356] : memref<640000xi32, #tpu.memory_space<hbm>> -> memref<40xi32, #tpu.memory_space<hbm>>
    %dma_wait3A_361 = arith.constant 0 : i32
    %dma_wait3A_362 = tpu.memref_slice %arg6[%rem3A_344, %dma_wait3A_361] : memref<8x40xi32, #tpu.memory_space<vmem>> -> memref<1x40xi32, #tpu.memory_space<vmem>>
    %dma_wait3A_363 = tpu.memref_squeeze %dma_wait3A_362 : memref<1x40xi32, #tpu.memory_space<vmem>> -> memref<40xi32, #tpu.memory_space<vmem>>
    %dma_wait3A_364 = tpu.memref_slice %arg3[%add3A_356] : memref<640000xi32, #tpu.memory_space<hbm>> -> memref<40xi32, #tpu.memory_space<hbm>>
    tpu.wait_dma2 semaphore(%arg10 : memref<!tpu.dma_semaphore, #tpu.memory_space<semaphore_mem>>) src(%dma_wait3A_364 : memref<40xi32, #tpu.memory_space<hbm>>) dst(%dma_wait3A_363 : memref<40xi32, #tpu.memory_space<vmem>>)
    %dma_start3A_365 = arith.constant 5 : i32
    %dma_start3A_366 = arith.constant 5 : i32
    %dma_start3A_367 = arith.constant 0 : i32
    %dma_start3A_368 = arith.constant 0 : i32
    %dma_start3A_369 = tpu.memref_slice %arg7[%dma_start3A_366, %dma_start3A_367, %dma_start3A_368] : memref<8x40x128xf32, #tpu.memory_space<vmem>> -> memref<1x40x128xf32, #tpu.memory_space<vmem>>
    %dma_start3A_370 = tpu.memref_squeeze %dma_start3A_369 : memref<1x40x128xf32, #tpu.memory_space<vmem>> -> memref<40x128xf32, #tpu.memory_space<vmem>>
    %dma_start3A_371 = arith.constant 0 : i32
    %dma_start3A_372 = tpu.memref_slice %arg5[%dma_start3A_365, %dma_start3A_371] : memref<8x40xi32, #tpu.memory_space<vmem>> -> memref<1x40xi32, #tpu.memory_space<vmem>>
    %dma_start3A_373 = tpu.memref_squeeze %dma_start3A_372 : memref<1x40xi32, #tpu.memory_space<vmem>> -> memref<40xi32, #tpu.memory_space<vmem>>
    %dma_start3A_374 = arith.constant 0 : i32
    %dma_start3A_375 = arith.constant 0 : i32
    %dma_start3A_376 = tpu.memref_slice %arg2[%dma_start3A_374, %dma_start3A_375] : memref<10000x128xf32, #tpu.memory_space<hbm>> -> memref<10000x128xf32, #tpu.memory_space<hbm>>
    tpu.enqueue_indirect_dma source(%dma_start3A_376 : memref<10000x128xf32, #tpu.memory_space<hbm>>) target(%dma_start3A_370 : memref<40x128xf32, #tpu.memory_space<vmem>>) offsets(%dma_start3A_373 : memref<40xi32, #tpu.memory_space<vmem>>) semaphore(%arg9 : memref<!tpu.dma_semaphore, #tpu.memory_space<semaphore_mem>>)
    %lt3A_377 = arith.constant 15 : i32
    %lt3A_378 = arith.cmpi slt, %arg1, %lt3A_377 : i32
    %convert_element_type3A_379 = arith.extui %lt3A_378 : i1 to i32
    %cond3A_380 = arith.constant 0 : i32
    %cond3A_381 = arith.cmpi ne, %convert_element_type3A_379, %cond3A_380 : i32
    scf.if %cond3A_381 {
      %mul3A_427 = arith.constant 632 : i32
      %mul3A_428 = arith.muli %arg1, %mul3A_427 : i32
      %mul3A_429 = arith.constant 632 : i32
      %mul3A_430 = arith.muli %arg1, %mul3A_429 : i32
      %dma_wait3A_431 = arith.constant 0 : i32
      %dma_wait3A_432 = tpu.memref_slice %arg8[%mul3A_430, %dma_wait3A_431] : memref<10112x128xf32, #tpu.memory_space<vmem_shared>> -> memref<632x128xf32, #tpu.memory_space<vmem_shared>>
      %dma_wait3A_433 = arith.constant 0 : i32
      %dma_wait3A_434 = tpu.memref_slice %arg2[%mul3A_428, %dma_wait3A_433] : memref<10000x128xf32, #tpu.memory_space<hbm>> -> memref<632x128xf32, #tpu.memory_space<hbm>>
      tpu.wait_dma2 semaphore(%arg12 : memref<!tpu.dma_semaphore, #tpu.memory_space<semaphore_mem>>) src(%dma_wait3A_434 : memref<632x128xf32, #tpu.memory_space<hbm>>) dst(%dma_wait3A_432 : memref<632x128xf32, #tpu.memory_space<vmem_shared>>)
    } else {
    }
    %eq3A_382 = arith.constant 15 : i32
    %eq3A_383 = arith.cmpi eq, %arg1, %eq3A_382 : i32
    %convert_element_type3A_384 = arith.extui %eq3A_383 : i1 to i32
    %cond3A_385 = arith.constant 0 : i32
    %cond3A_386 = arith.cmpi ne, %convert_element_type3A_384, %cond3A_385 : i32
    scf.if %cond3A_386 {
      %dma_wait3A_427 = arith.constant 9480 : i32
      %dma_wait3A_428 = arith.constant 0 : i32
      %dma_wait3A_429 = tpu.memref_slice %arg8[%dma_wait3A_427, %dma_wait3A_428] : memref<10112x128xf32, #tpu.memory_space<vmem_shared>> -> memref<520x128xf32, #tpu.memory_space<vmem_shared>>
      %dma_wait3A_430 = arith.constant 9480 : i32
      %dma_wait3A_431 = arith.constant 0 : i32
      %dma_wait3A_432 = tpu.memref_slice %arg2[%dma_wait3A_430, %dma_wait3A_431] : memref<10000x128xf32, #tpu.memory_space<hbm>> -> memref<520x128xf32, #tpu.memory_space<hbm>>
      tpu.wait_dma2 semaphore(%arg12 : memref<!tpu.dma_semaphore, #tpu.memory_space<semaphore_mem>>) src(%dma_wait3A_432 : memref<520x128xf32, #tpu.memory_space<hbm>>) dst(%dma_wait3A_429 : memref<520x128xf32, #tpu.memory_space<vmem_shared>>)
    } else {
    }
    %barrier3A = arith.constant 0 : index
    tpu.barrier barrier_id(%barrier3A)
    %scan3A = arith.constant 0 : i32
    %scan3A_387 = arith.constant 0 : i32
    %scan3A_388 = arith.constant 250 : i32
    %scan3A_389 = arith.addi %scan3A_387, %scan3A_388 : i32
    %scan3A_390 = arith.constant 1 : i32
    scf.for %scan3A_427 = %scan3A_387 to %scan3A_389 step %scan3A_390  : i32 {
      %rem3A_428 = arith.constant 8 : i32
      %rem3A_429 = arith.remsi %scan3A_427, %rem3A_428 : i32
      %rem3A_430 = arith.constant 8 : i32
      %rem3A_431 = arith.remsi %scan3A_427, %rem3A_430 : i32
      %add3A_432 = arith.constant 7 : i32
      %add3A_433 = arith.addi %scan3A_427, %add3A_432 : i32
      %lt3A_434 = arith.constant 250 : i32
      %lt3A_435 = arith.cmpi slt, %add3A_433, %lt3A_434 : i32
      %convert_element_type3A_436 = arith.extui %lt3A_435 : i1 to i32
      %cond3A_437 = arith.constant 0 : i32
      %cond3A_438 = arith.cmpi ne, %convert_element_type3A_436, %cond3A_437 : i32
      scf.if %cond3A_438 {
        %add3A_470 = arith.constant 7 : i32
        %add3A_471 = arith.addi %scan3A_427, %add3A_470 : i32
        %rem3A_472 = arith.constant 8 : i32
        %rem3A_473 = arith.remsi %add3A_471, %rem3A_472 : i32
        %mul3A_474 = arith.constant 40 : i32
        %mul3A_475 = arith.muli %add3A_471, %mul3A_474 : i32
        %add3A_476 = arith.addi %mul3A_2, %mul3A_475 : i32
        %dma_start3A_477 = arith.constant 0 : i32
        %dma_start3A_478 = tpu.memref_slice %arg5[%rem3A_473, %dma_start3A_477] : memref<8x40xi32, #tpu.memory_space<vmem>> -> memref<1x40xi32, #tpu.memory_space<vmem>>
        %dma_start3A_479 = tpu.memref_squeeze %dma_start3A_478 : memref<1x40xi32, #tpu.memory_space<vmem>> -> memref<40xi32, #tpu.memory_space<vmem>>
        %dma_start3A_480 = tpu.memref_slice %arg3[%add3A_476] : memref<640000xi32, #tpu.memory_space<hbm>> -> memref<40xi32, #tpu.memory_space<hbm>>
        %dma_start3A_481 = arith.constant 0 : i32
        %dma_start3A_482 = tpu.memref_slice %arg5[%rem3A_473, %dma_start3A_481] : memref<8x40xi32, #tpu.memory_space<vmem>> -> memref<1x40xi32, #tpu.memory_space<vmem>>
        %dma_start3A_483 = tpu.memref_squeeze %dma_start3A_482 : memref<1x40xi32, #tpu.memory_space<vmem>> -> memref<40xi32, #tpu.memory_space<vmem>>
        %dma_start3A_484 = tpu.memref_slice %arg3[%add3A_476] : memref<640000xi32, #tpu.memory_space<hbm>> -> memref<40xi32, #tpu.memory_space<hbm>>
        tpu.enqueue_dma source(%dma_start3A_484 : memref<40xi32, #tpu.memory_space<hbm>>) target(%dma_start3A_483 : memref<40xi32, #tpu.memory_space<vmem>>) target_semaphore(%arg10 : memref<!tpu.dma_semaphore, #tpu.memory_space<semaphore_mem>>)
        %add3A_485 = arith.constant 320000 : i32
        %add3A_486 = arith.addi %add3A_485, %add3A_476 : i32
        %dma_start3A_487 = arith.constant 0 : i32
        %dma_start3A_488 = tpu.memref_slice %arg6[%rem3A_473, %dma_start3A_487] : memref<8x40xi32, #tpu.memory_space<vmem>> -> memref<1x40xi32, #tpu.memory_space<vmem>>
        %dma_start3A_489 = tpu.memref_squeeze %dma_start3A_488 : memref<1x40xi32, #tpu.memory_space<vmem>> -> memref<40xi32, #tpu.memory_space<vmem>>
        %dma_start3A_490 = tpu.memref_slice %arg3[%add3A_486] : memref<640000xi32, #tpu.memory_space<hbm>> -> memref<40xi32, #tpu.memory_space<hbm>>
        %dma_start3A_491 = arith.constant 0 : i32
        %dma_start3A_492 = tpu.memref_slice %arg6[%rem3A_473, %dma_start3A_491] : memref<8x40xi32, #tpu.memory_space<vmem>> -> memref<1x40xi32, #tpu.memory_space<vmem>>
        %dma_start3A_493 = tpu.memref_squeeze %dma_start3A_492 : memref<1x40xi32, #tpu.memory_space<vmem>> -> memref<40xi32, #tpu.memory_space<vmem>>
        %dma_start3A_494 = tpu.memref_slice %arg3[%add3A_486] : memref<640000xi32, #tpu.memory_space<hbm>> -> memref<40xi32, #tpu.memory_space<hbm>>
        tpu.enqueue_dma source(%dma_start3A_494 : memref<40xi32, #tpu.memory_space<hbm>>) target(%dma_start3A_493 : memref<40xi32, #tpu.memory_space<vmem>>) target_semaphore(%arg10 : memref<!tpu.dma_semaphore, #tpu.memory_space<semaphore_mem>>)
      } else {
      }
      %dma_wait3A_439 = arith.constant 0 : i32
      %dma_wait3A_440 = arith.constant 0 : i32
      %dma_wait3A_441 = tpu.memref_slice %arg7[%rem3A_429, %dma_wait3A_439, %dma_wait3A_440] : memref<8x40x128xf32, #tpu.memory_space<vmem>> -> memref<1x40x128xf32, #tpu.memory_space<vmem>>
      %dma_wait3A_442 = tpu.memref_squeeze %dma_wait3A_441 : memref<1x40x128xf32, #tpu.memory_space<vmem>> -> memref<40x128xf32, #tpu.memory_space<vmem>>
      %dma_wait3A_443 = arith.constant 0 : i32
      %dma_wait3A_444 = tpu.memref_slice %arg5[%rem3A_431, %dma_wait3A_443] : memref<8x40xi32, #tpu.memory_space<vmem>> -> memref<1x40xi32, #tpu.memory_space<vmem>>
      %dma_wait3A_445 = tpu.memref_squeeze %dma_wait3A_444 : memref<1x40xi32, #tpu.memory_space<vmem>> -> memref<40xi32, #tpu.memory_space<vmem>>
      %dma_wait3A_446 = arith.constant 0 : i32
      %dma_wait3A_447 = arith.constant 0 : i32
      %dma_wait3A_448 = tpu.memref_slice %arg2[%dma_wait3A_446, %dma_wait3A_447] : memref<10000x128xf32, #tpu.memory_space<hbm>> -> memref<10000x128xf32, #tpu.memory_space<hbm>>
      tpu.wait_indirect_dma semaphore(%arg9 : memref<!tpu.dma_semaphore, #tpu.memory_space<semaphore_mem>>) src(%dma_wait3A_448 : memref<10000x128xf32, #tpu.memory_space<hbm>>) dst(%dma_wait3A_442 : memref<40x128xf32, #tpu.memory_space<vmem>>)
      %dma_start3A_449 = arith.constant 0 : i32
      %dma_start3A_450 = arith.constant 0 : i32
      %dma_start3A_451 = tpu.memref_slice %arg7[%rem3A_429, %dma_start3A_449, %dma_start3A_450] : memref<8x40x128xf32, #tpu.memory_space<vmem>> -> memref<1x40x128xf32, #tpu.memory_space<vmem>>
      %dma_start3A_452 = tpu.memref_squeeze %dma_start3A_451 : memref<1x40x128xf32, #tpu.memory_space<vmem>> -> memref<40x128xf32, #tpu.memory_space<vmem>>
      %dma_start3A_453 = arith.constant 0 : i32
      %dma_start3A_454 = tpu.memref_slice %arg6[%rem3A_431, %dma_start3A_453] : memref<8x40xi32, #tpu.memory_space<vmem>> -> memref<1x40xi32, #tpu.memory_space<vmem>>
      %dma_start3A_455 = tpu.memref_squeeze %dma_start3A_454 : memref<1x40xi32, #tpu.memory_space<vmem>> -> memref<40xi32, #tpu.memory_space<vmem>>
      %dma_start3A_456 = arith.constant 0 : i32
      %dma_start3A_457 = arith.constant 0 : i32
      %dma_start3A_458 = tpu.memref_slice %arg8[%dma_start3A_456, %dma_start3A_457] : memref<10112x128xf32, #tpu.memory_space<vmem_shared>> -> memref<10112x128xf32, #tpu.memory_space<vmem_shared>>
      tpu.enqueue_indirect_dma source(%dma_start3A_452 : memref<40x128xf32, #tpu.memory_space<vmem>>) target(%dma_start3A_458 : memref<10112x128xf32, #tpu.memory_space<vmem_shared>>) offsets(%dma_start3A_455 : memref<40xi32, #tpu.memory_space<vmem>>) semaphore(%arg11 : memref<!tpu.dma_semaphore, #tpu.memory_space<semaphore_mem>>) {add = true}
      %ge3A = arith.constant 2 : i32
      %ge3A_459 = arith.cmpi sge, %scan3A_427, %ge3A : i32
      %convert_element_type3A_460 = arith.extui %ge3A_459 : i1 to i32
      %cond3A_461 = arith.constant 0 : i32
      %cond3A_462 = arith.cmpi ne, %convert_element_type3A_460, %cond3A_461 : i32
      scf.if %cond3A_462 {
        %dma_wait3A_470 = arith.constant 0 : i32
        %dma_wait3A_471 = arith.constant 0 : i32
        %dma_wait3A_472 = tpu.memref_slice %arg7[%rem3A_429, %dma_wait3A_470, %dma_wait3A_471] : memref<8x40x128xf32, #tpu.memory_space<vmem>> -> memref<1x40x128xf32, #tpu.memory_space<vmem>>
        %dma_wait3A_473 = tpu.memref_squeeze %dma_wait3A_472 : memref<1x40x128xf32, #tpu.memory_space<vmem>> -> memref<40x128xf32, #tpu.memory_space<vmem>>
        %dma_wait3A_474 = arith.constant 0 : i32
        %dma_wait3A_475 = tpu.memref_slice %arg6[%rem3A_431, %dma_wait3A_474] : memref<8x40xi32, #tpu.memory_space<vmem>> -> memref<1x40xi32, #tpu.memory_space<vmem>>
        %dma_wait3A_476 = tpu.memref_squeeze %dma_wait3A_475 : memref<1x40xi32, #tpu.memory_space<vmem>> -> memref<40xi32, #tpu.memory_space<vmem>>
        %dma_wait3A_477 = arith.constant 0 : i32
        %dma_wait3A_478 = arith.constant 0 : i32
        %dma_wait3A_479 = tpu.memref_slice %arg8[%dma_wait3A_477, %dma_wait3A_478] : memref<10112x128xf32, #tpu.memory_space<vmem_shared>> -> memref<10112x128xf32, #tpu.memory_space<vmem_shared>>
        tpu.wait_indirect_dma semaphore(%arg11 : memref<!tpu.dma_semaphore, #tpu.memory_space<semaphore_mem>>) src(%dma_wait3A_473 : memref<40x128xf32, #tpu.memory_space<vmem>>) dst(%dma_wait3A_479 : memref<10112x128xf32, #tpu.memory_space<vmem_shared>>)
      } else {
      }
      %add3A_463 = arith.constant 6 : i32
      %add3A_464 = arith.addi %scan3A_427, %add3A_463 : i32
      %lt3A_465 = arith.constant 250 : i32
      %lt3A_466 = arith.cmpi slt, %add3A_464, %lt3A_465 : i32
      %convert_element_type3A_467 = arith.extui %lt3A_466 : i1 to i32
      %cond3A_468 = arith.constant 0 : i32
      %cond3A_469 = arith.cmpi ne, %convert_element_type3A_467, %cond3A_468 : i32
      scf.if %cond3A_469 {
        %add3A_470 = arith.constant 6 : i32
        %add3A_471 = arith.addi %scan3A_427, %add3A_470 : i32
        %rem3A_472 = arith.constant 8 : i32
        %rem3A_473 = arith.remsi %add3A_471, %rem3A_472 : i32
        %mul3A_474 = arith.constant 40 : i32
        %mul3A_475 = arith.muli %add3A_471, %mul3A_474 : i32
        %add3A_476 = arith.addi %mul3A_2, %mul3A_475 : i32
        %dma_wait3A_477 = arith.constant 0 : i32
        %dma_wait3A_478 = tpu.memref_slice %arg5[%rem3A_473, %dma_wait3A_477] : memref<8x40xi32, #tpu.memory_space<vmem>> -> memref<1x40xi32, #tpu.memory_space<vmem>>
        %dma_wait3A_479 = tpu.memref_squeeze %dma_wait3A_478 : memref<1x40xi32, #tpu.memory_space<vmem>> -> memref<40xi32, #tpu.memory_space<vmem>>
        %dma_wait3A_480 = tpu.memref_slice %arg3[%add3A_476] : memref<640000xi32, #tpu.memory_space<hbm>> -> memref<40xi32, #tpu.memory_space<hbm>>
        %dma_wait3A_481 = arith.constant 0 : i32
        %dma_wait3A_482 = tpu.memref_slice %arg5[%rem3A_473, %dma_wait3A_481] : memref<8x40xi32, #tpu.memory_space<vmem>> -> memref<1x40xi32, #tpu.memory_space<vmem>>
        %dma_wait3A_483 = tpu.memref_squeeze %dma_wait3A_482 : memref<1x40xi32, #tpu.memory_space<vmem>> -> memref<40xi32, #tpu.memory_space<vmem>>
        %dma_wait3A_484 = tpu.memref_slice %arg3[%add3A_476] : memref<640000xi32, #tpu.memory_space<hbm>> -> memref<40xi32, #tpu.memory_space<hbm>>
        tpu.wait_dma2 semaphore(%arg10 : memref<!tpu.dma_semaphore, #tpu.memory_space<semaphore_mem>>) src(%dma_wait3A_484 : memref<40xi32, #tpu.memory_space<hbm>>) dst(%dma_wait3A_483 : memref<40xi32, #tpu.memory_space<vmem>>)
        %add3A_485 = arith.constant 320000 : i32
        %add3A_486 = arith.addi %add3A_485, %add3A_476 : i32
        %dma_wait3A_487 = arith.constant 0 : i32
        %dma_wait3A_488 = tpu.memref_slice %arg6[%rem3A_473, %dma_wait3A_487] : memref<8x40xi32, #tpu.memory_space<vmem>> -> memref<1x40xi32, #tpu.memory_space<vmem>>
        %dma_wait3A_489 = tpu.memref_squeeze %dma_wait3A_488 : memref<1x40xi32, #tpu.memory_space<vmem>> -> memref<40xi32, #tpu.memory_space<vmem>>
        %dma_wait3A_490 = tpu.memref_slice %arg3[%add3A_486] : memref<640000xi32, #tpu.memory_space<hbm>> -> memref<40xi32, #tpu.memory_space<hbm>>
        %dma_wait3A_491 = arith.constant 0 : i32
        %dma_wait3A_492 = tpu.memref_slice %arg6[%rem3A_473, %dma_wait3A_491] : memref<8x40xi32, #tpu.memory_space<vmem>> -> memref<1x40xi32, #tpu.memory_space<vmem>>
        %dma_wait3A_493 = tpu.memref_squeeze %dma_wait3A_492 : memref<1x40xi32, #tpu.memory_space<vmem>> -> memref<40xi32, #tpu.memory_space<vmem>>
        %dma_wait3A_494 = tpu.memref_slice %arg3[%add3A_486] : memref<640000xi32, #tpu.memory_space<hbm>> -> memref<40xi32, #tpu.memory_space<hbm>>
        tpu.wait_dma2 semaphore(%arg10 : memref<!tpu.dma_semaphore, #tpu.memory_space<semaphore_mem>>) src(%dma_wait3A_494 : memref<40xi32, #tpu.memory_space<hbm>>) dst(%dma_wait3A_493 : memref<40xi32, #tpu.memory_space<vmem>>)
        %add3A_495 = arith.constant 6 : i32
        %add3A_496 = arith.addi %scan3A_427, %add3A_495 : i32
        %rem3A_497 = arith.constant 8 : i32
        %rem3A_498 = arith.remsi %add3A_496, %rem3A_497 : i32
        %add3A_499 = arith.constant 6 : i32
        %add3A_500 = arith.addi %scan3A_427, %add3A_499 : i32
        %rem3A_501 = arith.constant 8 : i32
        %rem3A_502 = arith.remsi %add3A_500, %rem3A_501 : i32
        %dma_start3A_503 = arith.constant 0 : i32
        %dma_start3A_504 = arith.constant 0 : i32
        %dma_start3A_505 = tpu.memref_slice %arg7[%rem3A_502, %dma_start3A_503, %dma_start3A_504] : memref<8x40x128xf32, #tpu.memory_space<vmem>> -> memref<1x40x128xf32, #tpu.memory_space<vmem>>
        %dma_start3A_506 = tpu.memref_squeeze %dma_start3A_505 : memref<1x40x128xf32, #tpu.memory_space<vmem>> -> memref<40x128xf32, #tpu.memory_space<vmem>>
        %dma_start3A_507 = arith.constant 0 : i32
        %dma_start3A_508 = tpu.memref_slice %arg5[%rem3A_498, %dma_start3A_507] : memref<8x40xi32, #tpu.memory_space<vmem>> -> memref<1x40xi32, #tpu.memory_space<vmem>>
        %dma_start3A_509 = tpu.memref_squeeze %dma_start3A_508 : memref<1x40xi32, #tpu.memory_space<vmem>> -> memref<40xi32, #tpu.memory_space<vmem>>
        %dma_start3A_510 = arith.constant 0 : i32
        %dma_start3A_511 = arith.constant 0 : i32
        %dma_start3A_512 = tpu.memref_slice %arg2[%dma_start3A_510, %dma_start3A_511] : memref<10000x128xf32, #tpu.memory_space<hbm>> -> memref<10000x128xf32, #tpu.memory_space<hbm>>
        tpu.enqueue_indirect_dma source(%dma_start3A_512 : memref<10000x128xf32, #tpu.memory_space<hbm>>) target(%dma_start3A_506 : memref<40x128xf32, #tpu.memory_space<vmem>>) offsets(%dma_start3A_509 : memref<40xi32, #tpu.memory_space<vmem>>) semaphore(%arg9 : memref<!tpu.dma_semaphore, #tpu.memory_space<semaphore_mem>>)
      } else {
      }
    }
    %scan3A_391 = arith.constant 250 : i32
    %dma_wait3A_392 = arith.constant 0 : i32
    %dma_wait3A_393 = arith.constant 0 : i32
    %dma_wait3A_394 = arith.constant 0 : i32
    %dma_wait3A_395 = arith.constant 0 : i32
    %dma_wait3A_396 = tpu.memref_slice %arg7[%dma_wait3A_392, %dma_wait3A_394, %dma_wait3A_395] : memref<8x40x128xf32, #tpu.memory_space<vmem>> -> memref<1x40x128xf32, #tpu.memory_space<vmem>>
    %dma_wait3A_397 = tpu.memref_squeeze %dma_wait3A_396 : memref<1x40x128xf32, #tpu.memory_space<vmem>> -> memref<40x128xf32, #tpu.memory_space<vmem>>
    %dma_wait3A_398 = arith.constant 0 : i32
    %dma_wait3A_399 = tpu.memref_slice %arg6[%dma_wait3A_393, %dma_wait3A_398] : memref<8x40xi32, #tpu.memory_space<vmem>> -> memref<1x40xi32, #tpu.memory_space<vmem>>
    %dma_wait3A_400 = tpu.memref_squeeze %dma_wait3A_399 : memref<1x40xi32, #tpu.memory_space<vmem>> -> memref<40xi32, #tpu.memory_space<vmem>>
    %dma_wait3A_401 = arith.constant 0 : i32
    %dma_wait3A_402 = arith.constant 0 : i32
    %dma_wait3A_403 = tpu.memref_slice %arg8[%dma_wait3A_401, %dma_wait3A_402] : memref<10112x128xf32, #tpu.memory_space<vmem_shared>> -> memref<10112x128xf32, #tpu.memory_space<vmem_shared>>
    tpu.wait_indirect_dma semaphore(%arg11 : memref<!tpu.dma_semaphore, #tpu.memory_space<semaphore_mem>>) src(%dma_wait3A_397 : memref<40x128xf32, #tpu.memory_space<vmem>>) dst(%dma_wait3A_403 : memref<10112x128xf32, #tpu.memory_space<vmem_shared>>)
    %dma_wait3A_404 = arith.constant 1 : i32
    %dma_wait3A_405 = arith.constant 0 : i32
    %dma_wait3A_406 = arith.constant 0 : i32
    %dma_wait3A_407 = arith.constant 0 : i32
    %dma_wait3A_408 = tpu.memref_slice %arg7[%dma_wait3A_404, %dma_wait3A_406, %dma_wait3A_407] : memref<8x40x128xf32, #tpu.memory_space<vmem>> -> memref<1x40x128xf32, #tpu.memory_space<vmem>>
    %dma_wait3A_409 = tpu.memref_squeeze %dma_wait3A_408 : memref<1x40x128xf32, #tpu.memory_space<vmem>> -> memref<40x128xf32, #tpu.memory_space<vmem>>
    %dma_wait3A_410 = arith.constant 0 : i32
    %dma_wait3A_411 = tpu.memref_slice %arg6[%dma_wait3A_405, %dma_wait3A_410] : memref<8x40xi32, #tpu.memory_space<vmem>> -> memref<1x40xi32, #tpu.memory_space<vmem>>
    %dma_wait3A_412 = tpu.memref_squeeze %dma_wait3A_411 : memref<1x40xi32, #tpu.memory_space<vmem>> -> memref<40xi32, #tpu.memory_space<vmem>>
    %dma_wait3A_413 = arith.constant 0 : i32
    %dma_wait3A_414 = arith.constant 0 : i32
    %dma_wait3A_415 = tpu.memref_slice %arg8[%dma_wait3A_413, %dma_wait3A_414] : memref<10112x128xf32, #tpu.memory_space<vmem_shared>> -> memref<10112x128xf32, #tpu.memory_space<vmem_shared>>
    tpu.wait_indirect_dma semaphore(%arg11 : memref<!tpu.dma_semaphore, #tpu.memory_space<semaphore_mem>>) src(%dma_wait3A_409 : memref<40x128xf32, #tpu.memory_space<vmem>>) dst(%dma_wait3A_415 : memref<10112x128xf32, #tpu.memory_space<vmem_shared>>)
    %barrier3A_416 = arith.constant 0 : index
    tpu.barrier barrier_id(%barrier3A_416)
    %lt3A_417 = arith.constant 15 : i32
    %lt3A_418 = arith.cmpi slt, %arg1, %lt3A_417 : i32
    %convert_element_type3A_419 = arith.extui %lt3A_418 : i1 to i32
    %cond3A_420 = arith.constant 0 : i32
    %cond3A_421 = arith.cmpi ne, %convert_element_type3A_419, %cond3A_420 : i32
    scf.if %cond3A_421 {
      %mul3A_427 = arith.constant 632 : i32
      %mul3A_428 = arith.muli %arg1, %mul3A_427 : i32
      %mul3A_429 = arith.constant 632 : i32
      %mul3A_430 = arith.muli %arg1, %mul3A_429 : i32
      "tpu.region"() ({
        %run_scoped3A = tpu.sem_alloc : memref<!tpu.dma_semaphore, #tpu.memory_space<semaphore_mem>>
        %dma_start3A_431 = arith.constant 0 : i32
        %dma_start3A_432 = tpu.memref_slice %arg4[%arg0, %mul3A_430, %dma_start3A_431] : memref<2x10000x128xf32, #tpu.memory_space<hbm>> -> memref<1x632x128xf32, #tpu.memory_space<hbm>>
        %dma_start3A_433 = tpu.memref_squeeze %dma_start3A_432 : memref<1x632x128xf32, #tpu.memory_space<hbm>> -> memref<632x128xf32, #tpu.memory_space<hbm>>
        %dma_start3A_434 = arith.constant 0 : i32
        %dma_start3A_435 = tpu.memref_slice %arg8[%mul3A_428, %dma_start3A_434] : memref<10112x128xf32, #tpu.memory_space<vmem_shared>> -> memref<632x128xf32, #tpu.memory_space<vmem_shared>>
        tpu.enqueue_dma source(%dma_start3A_435 : memref<632x128xf32, #tpu.memory_space<vmem_shared>>) target(%dma_start3A_433 : memref<632x128xf32, #tpu.memory_space<hbm>>) target_semaphore(%run_scoped3A : memref<!tpu.dma_semaphore, #tpu.memory_space<semaphore_mem>>)
        %dma_wait3A_436 = arith.constant 0 : i32
        %dma_wait3A_437 = tpu.memref_slice %arg4[%arg0, %mul3A_430, %dma_wait3A_436] : memref<2x10000x128xf32, #tpu.memory_space<hbm>> -> memref<1x632x128xf32, #tpu.memory_space<hbm>>
        %dma_wait3A_438 = tpu.memref_squeeze %dma_wait3A_437 : memref<1x632x128xf32, #tpu.memory_space<hbm>> -> memref<632x128xf32, #tpu.memory_space<hbm>>
        %dma_wait3A_439 = arith.constant 0 : i32
        %dma_wait3A_440 = tpu.memref_slice %arg8[%mul3A_428, %dma_wait3A_439] : memref<10112x128xf32, #tpu.memory_space<vmem_shared>> -> memref<632x128xf32, #tpu.memory_space<vmem_shared>>
        tpu.wait_dma2 semaphore(%run_scoped3A : memref<!tpu.dma_semaphore, #tpu.memory_space<semaphore_mem>>) src(%dma_wait3A_440 : memref<632x128xf32, #tpu.memory_space<vmem_shared>>) dst(%dma_wait3A_438 : memref<632x128xf32, #tpu.memory_space<hbm>>)
        tpu.yield
      }) : () -> ()
    } else {
    }
    %eq3A_422 = arith.constant 15 : i32
    %eq3A_423 = arith.cmpi eq, %arg1, %eq3A_422 : i32
    %convert_element_type3A_424 = arith.extui %eq3A_423 : i1 to i32
    %cond3A_425 = arith.constant 0 : i32
    %cond3A_426 = arith.cmpi ne, %convert_element_type3A_424, %cond3A_425 : i32
    scf.if %cond3A_426 {
      "tpu.region"() ({
        %run_scoped3A = tpu.sem_alloc : memref<!tpu.dma_semaphore, #tpu.memory_space<semaphore_mem>>
        %dma_start3A_427 = arith.constant 9480 : i32
        %dma_start3A_428 = arith.constant 0 : i32
        %dma_start3A_429 = tpu.memref_slice %arg4[%arg0, %dma_start3A_427, %dma_start3A_428] : memref<2x10000x128xf32, #tpu.memory_space<hbm>> -> memref<1x520x128xf32, #tpu.memory_space<hbm>>
        %dma_start3A_430 = tpu.memref_squeeze %dma_start3A_429 : memref<1x520x128xf32, #tpu.memory_space<hbm>> -> memref<520x128xf32, #tpu.memory_space<hbm>>
        %dma_start3A_431 = arith.constant 9480 : i32
        %dma_start3A_432 = arith.constant 0 : i32
        %dma_start3A_433 = tpu.memref_slice %arg8[%dma_start3A_431, %dma_start3A_432] : memref<10112x128xf32, #tpu.memory_space<vmem_shared>> -> memref<520x128xf32, #tpu.memory_space<vmem_shared>>
        tpu.enqueue_dma source(%dma_start3A_433 : memref<520x128xf32, #tpu.memory_space<vmem_shared>>) target(%dma_start3A_430 : memref<520x128xf32, #tpu.memory_space<hbm>>) target_semaphore(%run_scoped3A : memref<!tpu.dma_semaphore, #tpu.memory_space<semaphore_mem>>)
        %dma_wait3A_434 = arith.constant 9480 : i32
        %dma_wait3A_435 = arith.constant 0 : i32
        %dma_wait3A_436 = tpu.memref_slice %arg4[%arg0, %dma_wait3A_434, %dma_wait3A_435] : memref<2x10000x128xf32, #tpu.memory_space<hbm>> -> memref<1x520x128xf32, #tpu.memory_space<hbm>>
        %dma_wait3A_437 = tpu.memref_squeeze %dma_wait3A_436 : memref<1x520x128xf32, #tpu.memory_space<hbm>> -> memref<520x128xf32, #tpu.memory_space<hbm>>
        %dma_wait3A_438 = arith.constant 9480 : i32
        %dma_wait3A_439 = arith.constant 0 : i32
        %dma_wait3A_440 = tpu.memref_slice %arg8[%dma_wait3A_438, %dma_wait3A_439] : memref<10112x128xf32, #tpu.memory_space<vmem_shared>> -> memref<520x128xf32, #tpu.memory_space<vmem_shared>>
        tpu.wait_dma2 semaphore(%run_scoped3A : memref<!tpu.dma_semaphore, #tpu.memory_space<semaphore_mem>>) src(%dma_wait3A_440 : memref<520x128xf32, #tpu.memory_space<vmem_shared>>) dst(%dma_wait3A_437 : memref<520x128xf32, #tpu.memory_space<hbm>>)
        tpu.yield
      }) : () -> ()
    } else {
    }
    return
  }
}

#map = affine_map<(d0, d1) -> (0, 0)>
#map1 = affine_map<(d0, d1) -> (0)>
#map2 = affine_map<(d0, d1) -> (0, 0, 0)>
module attributes {stable_mosaic.version = 14 : i64} {
  func.func @_sc_scatter_body(%arg0: i32, %arg1: i32, %arg2: memref<10000x128xf32, #tpu.memory_space<hbm>>, %arg3: memref<640000xi32, #tpu.memory_space<hbm>>, %arg4: memref<2x10000x128xf32, #tpu.memory_space<hbm>>, %arg5: memref<8x40xi32, #tpu.memory_space<vmem>>, %arg6: memref<8x40xi32, #tpu.memory_space<vmem>>, %arg7: memref<8x40x128xf32, #tpu.memory_space<vmem>>, %arg8: memref<10112x128xf32, #tpu.memory_space<vmem_shared>>, %arg9: memref<!tpu.dma_semaphore, #tpu.memory_space<semaphore_mem>>, %arg10: memref<!tpu.dma_semaphore, #tpu.memory_space<semaphore_mem>>, %arg11: memref<!tpu.dma_semaphore, #tpu.memory_space<semaphore_mem>>, %arg12: memref<!tpu.dma_semaphore, #tpu.memory_space<semaphore_mem>>) attributes {dimension_semantics = [#tpu.dimension_semantics<core_parallel>, #tpu.dimension_semantics<subcore_parallel>], iteration_bounds = array<i64: 2, 16>, scalar_prefetch = 0 : i64, scratch_operands = 8 : i64, tpu.core_type = #tpu.core_type<sc_vector_subcore>, window_params = [{transform_indices = #map}, {transform_indices = #map1}, {transform_indices = #map2}]} {
    %mul3A = arith.constant 2 : i32
    %mul3A_0 = arith.muli %arg1, %mul3A : i32
    %add3A = arith.addi %mul3A_0, %arg0 : i32
    %mul3A_1 = arith.constant 10000 : i32
    %mul3A_2 = arith.muli %add3A, %mul3A_1 : i32
    %lt3A = arith.constant 15 : i32
    %lt3A_3 = arith.cmpi slt, %arg1, %lt3A : i32
    %convert_element_type3A = arith.extui %lt3A_3 : i1 to i32
    %cond3A = arith.constant 0 : i32
    %cond3A_4 = arith.cmpi ne, %convert_element_type3A, %cond3A : i32
    scf.if %cond3A_4 {
      %mul3A_427 = arith.constant 632 : i32
      %mul3A_428 = arith.muli %arg1, %mul3A_427 : i32
      %mul3A_429 = arith.constant 632 : i32
      %mul3A_430 = arith.muli %arg1, %mul3A_429 : i32
      %dma_start3A_431 = arith.constant 0 : i32
      %dma_start3A_432 = tpu.memref_slice %arg8[%mul3A_430, %dma_start3A_431] : memref<10112x128xf32, #tpu.memory_space<vmem_shared>> -> memref<632x128xf32, #tpu.memory_space<vmem_shared>>
      %dma_start3A_433 = arith.constant 0 : i32
      %dma_start3A_434 = tpu.memref_slice %arg2[%mul3A_428, %dma_start3A_433] : memref<10000x128xf32, #tpu.memory_space<hbm>> -> memref<632x128xf32, #tpu.memory_space<hbm>>
      tpu.enqueue_dma source(%dma_start3A_434 : memref<632x128xf32, #tpu.memory_space<hbm>>) target(%dma_start3A_432 : memref<632x128xf32, #tpu.memory_space<vmem_shared>>) target_semaphore(%arg12 : memref<!tpu.dma_semaphore, #tpu.memory_space<semaphore_mem>>)
    } else {
    }
    %eq3A = arith.constant 15 : i32
    %eq3A_5 = arith.cmpi eq, %arg1, %eq3A : i32
    %convert_element_type3A_6 = arith.extui %eq3A_5 : i1 to i32
    %cond3A_7 = arith.constant 0 : i32
    %cond3A_8 = arith.cmpi ne, %convert_element_type3A_6, %cond3A_7 : i32
    scf.if %cond3A_8 {
      %dma_start3A_427 = arith.constant 9480 : i32
      %dma_start3A_428 = arith.constant 0 : i32
      %dma_start3A_429 = tpu.memref_slice %arg8[%dma_start3A_427, %dma_start3A_428] : memref<10112x128xf32, #tpu.memory_space<vmem_shared>> -> memref<520x128xf32, #tpu.memory_space<vmem_shared>>
      %dma_start3A_430 = arith.constant 9480 : i32
      %dma_start3A_431 = arith.constant 0 : i32
      %dma_start3A_432 = tpu.memref_slice %arg2[%dma_start3A_430, %dma_start3A_431] : memref<10000x128xf32, #tpu.memory_space<hbm>> -> memref<520x128xf32, #tpu.memory_space<hbm>>
      tpu.enqueue_dma source(%dma_start3A_432 : memref<520x128xf32, #tpu.memory_space<hbm>>) target(%dma_start3A_429 : memref<520x128xf32, #tpu.memory_space<vmem_shared>>) target_semaphore(%arg12 : memref<!tpu.dma_semaphore, #tpu.memory_space<semaphore_mem>>)
    } else {
    }
    %rem3A = arith.constant 0 : i32
    %rem3A_9 = arith.constant 8 : i32
    %rem3A_10 = arith.remsi %rem3A, %rem3A_9 : i32
    %add3A_11 = arith.constant 0 : i32
    %add3A_12 = arith.addi %mul3A_2, %add3A_11 : i32
    %dma_start3A = arith.constant 0 : i32
    %dma_start3A_13 = tpu.memref_slice %arg5[%rem3A_10, %dma_start3A] : memref<8x40xi32, #tpu.memory_space<vmem>> -> memref<1x40xi32, #tpu.memory_space<vmem>>
    %dma_start3A_14 = tpu.memref_squeeze %dma_start3A_13 : memref<1x40xi32, #tpu.memory_space<vmem>> -> memref<40xi32, #tpu.memory_space<vmem>>
    %dma_start3A_15 = tpu.memref_slice %arg3[%add3A_12] : memref<640000xi32, #tpu.memory_space<hbm>> -> memref<40xi32, #tpu.memory_space<hbm>>
    %dma_start3A_16 = arith.constant 0 : i32
    %dma_start3A_17 = tpu.memref_slice %arg5[%rem3A_10, %dma_start3A_16] : memref<8x40xi32, #tpu.memory_space<vmem>> -> memref<1x40xi32, #tpu.memory_space<vmem>>
    %dma_start3A_18 = tpu.memref_squeeze %dma_start3A_17 : memref<1x40xi32, #tpu.memory_space<vmem>> -> memref<40xi32, #tpu.memory_space<vmem>>
    %dma_start3A_19 = tpu.memref_slice %arg3[%add3A_12] : memref<640000xi32, #tpu.memory_space<hbm>> -> memref<40xi32, #tpu.memory_space<hbm>>
    tpu.enqueue_dma source(%dma_start3A_19 : memref<40xi32, #tpu.memory_space<hbm>>) target(%dma_start3A_18 : memref<40xi32, #tpu.memory_space<vmem>>) target_semaphore(%arg10 : memref<!tpu.dma_semaphore, #tpu.memory_space<semaphore_mem>>)
    %add3A_20 = arith.constant 320000 : i32
    %add3A_21 = arith.addi %add3A_20, %add3A_12 : i32
    %dma_start3A_22 = arith.constant 0 : i32
    %dma_start3A_23 = tpu.memref_slice %arg6[%rem3A_10, %dma_start3A_22] : memref<8x40xi32, #tpu.memory_space<vmem>> -> memref<1x40xi32, #tpu.memory_space<vmem>>
    %dma_start3A_24 = tpu.memref_squeeze %dma_start3A_23 : memref<1x40xi32, #tpu.memory_space<vmem>> -> memref<40xi32, #tpu.memory_space<vmem>>
    %dma_start3A_25 = tpu.memref_slice %arg3[%add3A_21] : memref<640000xi32, #tpu.memory_space<hbm>> -> memref<40xi32, #tpu.memory_space<hbm>>
    %dma_start3A_26 = arith.constant 0 : i32
    %dma_start3A_27 = tpu.memref_slice %arg6[%rem3A_10, %dma_start3A_26] : memref<8x40xi32, #tpu.memory_space<vmem>> -> memref<1x40xi32, #tpu.memory_space<vmem>>
    %dma_start3A_28 = tpu.memref_squeeze %dma_start3A_27 : memref<1x40xi32, #tpu.memory_space<vmem>> -> memref<40xi32, #tpu.memory_space<vmem>>
    %dma_start3A_29 = tpu.memref_slice %arg3[%add3A_21] : memref<640000xi32, #tpu.memory_space<hbm>> -> memref<40xi32, #tpu.memory_space<hbm>>
    tpu.enqueue_dma source(%dma_start3A_29 : memref<40xi32, #tpu.memory_space<hbm>>) target(%dma_start3A_28 : memref<40xi32, #tpu.memory_space<vmem>>) target_semaphore(%arg10 : memref<!tpu.dma_semaphore, #tpu.memory_space<semaphore_mem>>)
    %rem3A_30 = arith.constant 1 : i32
    %rem3A_31 = arith.constant 8 : i32
    %rem3A_32 = arith.remsi %rem3A_30, %rem3A_31 : i32
    %add3A_33 = arith.constant 40 : i32
    %add3A_34 = arith.addi %mul3A_2, %add3A_33 : i32
    %dma_start3A_35 = arith.constant 0 : i32
    %dma_start3A_36 = tpu.memref_slice %arg5[%rem3A_32, %dma_start3A_35] : memref<8x40xi32, #tpu.memory_space<vmem>> -> memref<1x40xi32, #tpu.memory_space<vmem>>
    %dma_start3A_37 = tpu.memref_squeeze %dma_start3A_36 : memref<1x40xi32, #tpu.memory_space<vmem>> -> memref<40xi32, #tpu.memory_space<vmem>>
    %dma_start3A_38 = tpu.memref_slice %arg3[%add3A_34] : memref<640000xi32, #tpu.memory_space<hbm>> -> memref<40xi32, #tpu.memory_space<hbm>>
    %dma_start3A_39 = arith.constant 0 : i32
    %dma_start3A_40 = tpu.memref_slice %arg5[%rem3A_32, %dma_start3A_39] : memref<8x40xi32, #tpu.memory_space<vmem>> -> memref<1x40xi32, #tpu.memory_space<vmem>>
    %dma_start3A_41 = tpu.memref_squeeze %dma_start3A_40 : memref<1x40xi32, #tpu.memory_space<vmem>> -> memref<40xi32, #tpu.memory_space<vmem>>
    %dma_start3A_42 = tpu.memref_slice %arg3[%add3A_34] : memref<640000xi32, #tpu.memory_space<hbm>> -> memref<40xi32, #tpu.memory_space<hbm>>
    tpu.enqueue_dma source(%dma_start3A_42 : memref<40xi32, #tpu.memory_space<hbm>>) target(%dma_start3A_41 : memref<40xi32, #tpu.memory_space<vmem>>) target_semaphore(%arg10 : memref<!tpu.dma_semaphore, #tpu.memory_space<semaphore_mem>>)
    %add3A_43 = arith.constant 320000 : i32
    %add3A_44 = arith.addi %add3A_43, %add3A_34 : i32
    %dma_start3A_45 = arith.constant 0 : i32
    %dma_start3A_46 = tpu.memref_slice %arg6[%rem3A_32, %dma_start3A_45] : memref<8x40xi32, #tpu.memory_space<vmem>> -> memref<1x40xi32, #tpu.memory_space<vmem>>
    %dma_start3A_47 = tpu.memref_squeeze %dma_start3A_46 : memref<1x40xi32, #tpu.memory_space<vmem>> -> memref<40xi32, #tpu.memory_space<vmem>>
    %dma_start3A_48 = tpu.memref_slice %arg3[%add3A_44] : memref<640000xi32, #tpu.memory_space<hbm>> -> memref<40xi32, #tpu.memory_space<hbm>>
    %dma_start3A_49 = arith.constant 0 : i32
    %dma_start3A_50 = tpu.memref_slice %arg6[%rem3A_32, %dma_start3A_49] : memref<8x40xi32, #tpu.memory_space<vmem>> -> memref<1x40xi32, #tpu.memory_space<vmem>>
    %dma_start3A_51 = tpu.memref_squeeze %dma_start3A_50 : memref<1x40xi32, #tpu.memory_space<vmem>> -> memref<40xi32, #tpu.memory_space<vmem>>
    %dma_start3A_52 = tpu.memref_slice %arg3[%add3A_44] : memref<640000xi32, #tpu.memory_space<hbm>> -> memref<40xi32, #tpu.memory_space<hbm>>
    tpu.enqueue_dma source(%dma_start3A_52 : memref<40xi32, #tpu.memory_space<hbm>>) target(%dma_start3A_51 : memref<40xi32, #tpu.memory_space<vmem>>) target_semaphore(%arg10 : memref<!tpu.dma_semaphore, #tpu.memory_space<semaphore_mem>>)
    %rem3A_53 = arith.constant 2 : i32
    %rem3A_54 = arith.constant 8 : i32
    %rem3A_55 = arith.remsi %rem3A_53, %rem3A_54 : i32
    %add3A_56 = arith.constant 80 : i32
    %add3A_57 = arith.addi %mul3A_2, %add3A_56 : i32
    %dma_start3A_58 = arith.constant 0 : i32
    %dma_start3A_59 = tpu.memref_slice %arg5[%rem3A_55, %dma_start3A_58] : memref<8x40xi32, #tpu.memory_space<vmem>> -> memref<1x40xi32, #tpu.memory_space<vmem>>
    %dma_start3A_60 = tpu.memref_squeeze %dma_start3A_59 : memref<1x40xi32, #tpu.memory_space<vmem>> -> memref<40xi32, #tpu.memory_space<vmem>>
    %dma_start3A_61 = tpu.memref_slice %arg3[%add3A_57] : memref<640000xi32, #tpu.memory_space<hbm>> -> memref<40xi32, #tpu.memory_space<hbm>>
    %dma_start3A_62 = arith.constant 0 : i32
    %dma_start3A_63 = tpu.memref_slice %arg5[%rem3A_55, %dma_start3A_62] : memref<8x40xi32, #tpu.memory_space<vmem>> -> memref<1x40xi32, #tpu.memory_space<vmem>>
    %dma_start3A_64 = tpu.memref_squeeze %dma_start3A_63 : memref<1x40xi32, #tpu.memory_space<vmem>> -> memref<40xi32, #tpu.memory_space<vmem>>
    %dma_start3A_65 = tpu.memref_slice %arg3[%add3A_57] : memref<640000xi32, #tpu.memory_space<hbm>> -> memref<40xi32, #tpu.memory_space<hbm>>
    tpu.enqueue_dma source(%dma_start3A_65 : memref<40xi32, #tpu.memory_space<hbm>>) target(%dma_start3A_64 : memref<40xi32, #tpu.memory_space<vmem>>) target_semaphore(%arg10 : memref<!tpu.dma_semaphore, #tpu.memory_space<semaphore_mem>>)
    %add3A_66 = arith.constant 320000 : i32
    %add3A_67 = arith.addi %add3A_66, %add3A_57 : i32
    %dma_start3A_68 = arith.constant 0 : i32
    %dma_start3A_69 = tpu.memref_slice %arg6[%rem3A_55, %dma_start3A_68] : memref<8x40xi32, #tpu.memory_space<vmem>> -> memref<1x40xi32, #tpu.memory_space<vmem>>
    %dma_start3A_70 = tpu.memref_squeeze %dma_start3A_69 : memref<1x40xi32, #tpu.memory_space<vmem>> -> memref<40xi32, #tpu.memory_space<vmem>>
    %dma_start3A_71 = tpu.memref_slice %arg3[%add3A_67] : memref<640000xi32, #tpu.memory_space<hbm>> -> memref<40xi32, #tpu.memory_space<hbm>>
    %dma_start3A_72 = arith.constant 0 : i32
    %dma_start3A_73 = tpu.memref_slice %arg6[%rem3A_55, %dma_start3A_72] : memref<8x40xi32, #tpu.memory_space<vmem>> -> memref<1x40xi32, #tpu.memory_space<vmem>>
    %dma_start3A_74 = tpu.memref_squeeze %dma_start3A_73 : memref<1x40xi32, #tpu.memory_space<vmem>> -> memref<40xi32, #tpu.memory_space<vmem>>
    %dma_start3A_75 = tpu.memref_slice %arg3[%add3A_67] : memref<640000xi32, #tpu.memory_space<hbm>> -> memref<40xi32, #tpu.memory_space<hbm>>
    tpu.enqueue_dma source(%dma_start3A_75 : memref<40xi32, #tpu.memory_space<hbm>>) target(%dma_start3A_74 : memref<40xi32, #tpu.memory_space<vmem>>) target_semaphore(%arg10 : memref<!tpu.dma_semaphore, #tpu.memory_space<semaphore_mem>>)
    %rem3A_76 = arith.constant 3 : i32
    %rem3A_77 = arith.constant 8 : i32
    %rem3A_78 = arith.remsi %rem3A_76, %rem3A_77 : i32
    %add3A_79 = arith.constant 120 : i32
    %add3A_80 = arith.addi %mul3A_2, %add3A_79 : i32
    %dma_start3A_81 = arith.constant 0 : i32
    %dma_start3A_82 = tpu.memref_slice %arg5[%rem3A_78, %dma_start3A_81] : memref<8x40xi32, #tpu.memory_space<vmem>> -> memref<1x40xi32, #tpu.memory_space<vmem>>
    %dma_start3A_83 = tpu.memref_squeeze %dma_start3A_82 : memref<1x40xi32, #tpu.memory_space<vmem>> -> memref<40xi32, #tpu.memory_space<vmem>>
    %dma_start3A_84 = tpu.memref_slice %arg3[%add3A_80] : memref<640000xi32, #tpu.memory_space<hbm>> -> memref<40xi32, #tpu.memory_space<hbm>>
    %dma_start3A_85 = arith.constant 0 : i32
    %dma_start3A_86 = tpu.memref_slice %arg5[%rem3A_78, %dma_start3A_85] : memref<8x40xi32, #tpu.memory_space<vmem>> -> memref<1x40xi32, #tpu.memory_space<vmem>>
    %dma_start3A_87 = tpu.memref_squeeze %dma_start3A_86 : memref<1x40xi32, #tpu.memory_space<vmem>> -> memref<40xi32, #tpu.memory_space<vmem>>
    %dma_start3A_88 = tpu.memref_slice %arg3[%add3A_80] : memref<640000xi32, #tpu.memory_space<hbm>> -> memref<40xi32, #tpu.memory_space<hbm>>
    tpu.enqueue_dma source(%dma_start3A_88 : memref<40xi32, #tpu.memory_space<hbm>>) target(%dma_start3A_87 : memref<40xi32, #tpu.memory_space<vmem>>) target_semaphore(%arg10 : memref<!tpu.dma_semaphore, #tpu.memory_space<semaphore_mem>>)
    %add3A_89 = arith.constant 320000 : i32
    %add3A_90 = arith.addi %add3A_89, %add3A_80 : i32
    %dma_start3A_91 = arith.constant 0 : i32
    %dma_start3A_92 = tpu.memref_slice %arg6[%rem3A_78, %dma_start3A_91] : memref<8x40xi32, #tpu.memory_space<vmem>> -> memref<1x40xi32, #tpu.memory_space<vmem>>
    %dma_start3A_93 = tpu.memref_squeeze %dma_start3A_92 : memref<1x40xi32, #tpu.memory_space<vmem>> -> memref<40xi32, #tpu.memory_space<vmem>>
    %dma_start3A_94 = tpu.memref_slice %arg3[%add3A_90] : memref<640000xi32, #tpu.memory_space<hbm>> -> memref<40xi32, #tpu.memory_space<hbm>>
    %dma_start3A_95 = arith.constant 0 : i32
    %dma_start3A_96 = tpu.memref_slice %arg6[%rem3A_78, %dma_start3A_95] : memref<8x40xi32, #tpu.memory_space<vmem>> -> memref<1x40xi32, #tpu.memory_space<vmem>>
    %dma_start3A_97 = tpu.memref_squeeze %dma_start3A_96 : memref<1x40xi32, #tpu.memory_space<vmem>> -> memref<40xi32, #tpu.memory_space<vmem>>
    %dma_start3A_98 = tpu.memref_slice %arg3[%add3A_90] : memref<640000xi32, #tpu.memory_space<hbm>> -> memref<40xi32, #tpu.memory_space<hbm>>
    tpu.enqueue_dma source(%dma_start3A_98 : memref<40xi32, #tpu.memory_space<hbm>>) target(%dma_start3A_97 : memref<40xi32, #tpu.memory_space<vmem>>) target_semaphore(%arg10 : memref<!tpu.dma_semaphore, #tpu.memory_space<semaphore_mem>>)
    %rem3A_99 = arith.constant 4 : i32
    %rem3A_100 = arith.constant 8 : i32
    %rem3A_101 = arith.remsi %rem3A_99, %rem3A_100 : i32
    %add3A_102 = arith.constant 160 : i32
    %add3A_103 = arith.addi %mul3A_2, %add3A_102 : i32
    %dma_start3A_104 = arith.constant 0 : i32
    %dma_start3A_105 = tpu.memref_slice %arg5[%rem3A_101, %dma_start3A_104] : memref<8x40xi32, #tpu.memory_space<vmem>> -> memref<1x40xi32, #tpu.memory_space<vmem>>
    %dma_start3A_106 = tpu.memref_squeeze %dma_start3A_105 : memref<1x40xi32, #tpu.memory_space<vmem>> -> memref<40xi32, #tpu.memory_space<vmem>>
    %dma_start3A_107 = tpu.memref_slice %arg3[%add3A_103] : memref<640000xi32, #tpu.memory_space<hbm>> -> memref<40xi32, #tpu.memory_space<hbm>>
    %dma_start3A_108 = arith.constant 0 : i32
    %dma_start3A_109 = tpu.memref_slice %arg5[%rem3A_101, %dma_start3A_108] : memref<8x40xi32, #tpu.memory_space<vmem>> -> memref<1x40xi32, #tpu.memory_space<vmem>>
    %dma_start3A_110 = tpu.memref_squeeze %dma_start3A_109 : memref<1x40xi32, #tpu.memory_space<vmem>> -> memref<40xi32, #tpu.memory_space<vmem>>
    %dma_start3A_111 = tpu.memref_slice %arg3[%add3A_103] : memref<640000xi32, #tpu.memory_space<hbm>> -> memref<40xi32, #tpu.memory_space<hbm>>
    tpu.enqueue_dma source(%dma_start3A_111 : memref<40xi32, #tpu.memory_space<hbm>>) target(%dma_start3A_110 : memref<40xi32, #tpu.memory_space<vmem>>) target_semaphore(%arg10 : memref<!tpu.dma_semaphore, #tpu.memory_space<semaphore_mem>>)
    %add3A_112 = arith.constant 320000 : i32
    %add3A_113 = arith.addi %add3A_112, %add3A_103 : i32
    %dma_start3A_114 = arith.constant 0 : i32
    %dma_start3A_115 = tpu.memref_slice %arg6[%rem3A_101, %dma_start3A_114] : memref<8x40xi32, #tpu.memory_space<vmem>> -> memref<1x40xi32, #tpu.memory_space<vmem>>
    %dma_start3A_116 = tpu.memref_squeeze %dma_start3A_115 : memref<1x40xi32, #tpu.memory_space<vmem>> -> memref<40xi32, #tpu.memory_space<vmem>>
    %dma_start3A_117 = tpu.memref_slice %arg3[%add3A_113] : memref<640000xi32, #tpu.memory_space<hbm>> -> memref<40xi32, #tpu.memory_space<hbm>>
    %dma_start3A_118 = arith.constant 0 : i32
    %dma_start3A_119 = tpu.memref_slice %arg6[%rem3A_101, %dma_start3A_118] : memref<8x40xi32, #tpu.memory_space<vmem>> -> memref<1x40xi32, #tpu.memory_space<vmem>>
    %dma_start3A_120 = tpu.memref_squeeze %dma_start3A_119 : memref<1x40xi32, #tpu.memory_space<vmem>> -> memref<40xi32, #tpu.memory_space<vmem>>
    %dma_start3A_121 = tpu.memref_slice %arg3[%add3A_113] : memref<640000xi32, #tpu.memory_space<hbm>> -> memref<40xi32, #tpu.memory_space<hbm>>
    tpu.enqueue_dma source(%dma_start3A_121 : memref<40xi32, #tpu.memory_space<hbm>>) target(%dma_start3A_120 : memref<40xi32, #tpu.memory_space<vmem>>) target_semaphore(%arg10 : memref<!tpu.dma_semaphore, #tpu.memory_space<semaphore_mem>>)
    %rem3A_122 = arith.constant 5 : i32
    %rem3A_123 = arith.constant 8 : i32
    %rem3A_124 = arith.remsi %rem3A_122, %rem3A_123 : i32
    %add3A_125 = arith.constant 200 : i32
    %add3A_126 = arith.addi %mul3A_2, %add3A_125 : i32
    %dma_start3A_127 = arith.constant 0 : i32
    %dma_start3A_128 = tpu.memref_slice %arg5[%rem3A_124, %dma_start3A_127] : memref<8x40xi32, #tpu.memory_space<vmem>> -> memref<1x40xi32, #tpu.memory_space<vmem>>
    %dma_start3A_129 = tpu.memref_squeeze %dma_start3A_128 : memref<1x40xi32, #tpu.memory_space<vmem>> -> memref<40xi32, #tpu.memory_space<vmem>>
    %dma_start3A_130 = tpu.memref_slice %arg3[%add3A_126] : memref<640000xi32, #tpu.memory_space<hbm>> -> memref<40xi32, #tpu.memory_space<hbm>>
    %dma_start3A_131 = arith.constant 0 : i32
    %dma_start3A_132 = tpu.memref_slice %arg5[%rem3A_124, %dma_start3A_131] : memref<8x40xi32, #tpu.memory_space<vmem>> -> memref<1x40xi32, #tpu.memory_space<vmem>>
    %dma_start3A_133 = tpu.memref_squeeze %dma_start3A_132 : memref<1x40xi32, #tpu.memory_space<vmem>> -> memref<40xi32, #tpu.memory_space<vmem>>
    %dma_start3A_134 = tpu.memref_slice %arg3[%add3A_126] : memref<640000xi32, #tpu.memory_space<hbm>> -> memref<40xi32, #tpu.memory_space<hbm>>
    tpu.enqueue_dma source(%dma_start3A_134 : memref<40xi32, #tpu.memory_space<hbm>>) target(%dma_start3A_133 : memref<40xi32, #tpu.memory_space<vmem>>) target_semaphore(%arg10 : memref<!tpu.dma_semaphore, #tpu.memory_space<semaphore_mem>>)
    %add3A_135 = arith.constant 320000 : i32
    %add3A_136 = arith.addi %add3A_135, %add3A_126 : i32
    %dma_start3A_137 = arith.constant 0 : i32
    %dma_start3A_138 = tpu.memref_slice %arg6[%rem3A_124, %dma_start3A_137] : memref<8x40xi32, #tpu.memory_space<vmem>> -> memref<1x40xi32, #tpu.memory_space<vmem>>
    %dma_start3A_139 = tpu.memref_squeeze %dma_start3A_138 : memref<1x40xi32, #tpu.memory_space<vmem>> -> memref<40xi32, #tpu.memory_space<vmem>>
    %dma_start3A_140 = tpu.memref_slice %arg3[%add3A_136] : memref<640000xi32, #tpu.memory_space<hbm>> -> memref<40xi32, #tpu.memory_space<hbm>>
    %dma_start3A_141 = arith.constant 0 : i32
    %dma_start3A_142 = tpu.memref_slice %arg6[%rem3A_124, %dma_start3A_141] : memref<8x40xi32, #tpu.memory_space<vmem>> -> memref<1x40xi32, #tpu.memory_space<vmem>>
    %dma_start3A_143 = tpu.memref_squeeze %dma_start3A_142 : memref<1x40xi32, #tpu.memory_space<vmem>> -> memref<40xi32, #tpu.memory_space<vmem>>
    %dma_start3A_144 = tpu.memref_slice %arg3[%add3A_136] : memref<640000xi32, #tpu.memory_space<hbm>> -> memref<40xi32, #tpu.memory_space<hbm>>
    tpu.enqueue_dma source(%dma_start3A_144 : memref<40xi32, #tpu.memory_space<hbm>>) target(%dma_start3A_143 : memref<40xi32, #tpu.memory_space<vmem>>) target_semaphore(%arg10 : memref<!tpu.dma_semaphore, #tpu.memory_space<semaphore_mem>>)
    %rem3A_145 = arith.constant 6 : i32
    %rem3A_146 = arith.constant 8 : i32
    %rem3A_147 = arith.remsi %rem3A_145, %rem3A_146 : i32
    %add3A_148 = arith.constant 240 : i32
    %add3A_149 = arith.addi %mul3A_2, %add3A_148 : i32
    %dma_start3A_150 = arith.constant 0 : i32
    %dma_start3A_151 = tpu.memref_slice %arg5[%rem3A_147, %dma_start3A_150] : memref<8x40xi32, #tpu.memory_space<vmem>> -> memref<1x40xi32, #tpu.memory_space<vmem>>
    %dma_start3A_152 = tpu.memref_squeeze %dma_start3A_151 : memref<1x40xi32, #tpu.memory_space<vmem>> -> memref<40xi32, #tpu.memory_space<vmem>>
    %dma_start3A_153 = tpu.memref_slice %arg3[%add3A_149] : memref<640000xi32, #tpu.memory_space<hbm>> -> memref<40xi32, #tpu.memory_space<hbm>>
    %dma_start3A_154 = arith.constant 0 : i32
    %dma_start3A_155 = tpu.memref_slice %arg5[%rem3A_147, %dma_start3A_154] : memref<8x40xi32, #tpu.memory_space<vmem>> -> memref<1x40xi32, #tpu.memory_space<vmem>>
    %dma_start3A_156 = tpu.memref_squeeze %dma_start3A_155 : memref<1x40xi32, #tpu.memory_space<vmem>> -> memref<40xi32, #tpu.memory_space<vmem>>
    %dma_start3A_157 = tpu.memref_slice %arg3[%add3A_149] : memref<640000xi32, #tpu.memory_space<hbm>> -> memref<40xi32, #tpu.memory_space<hbm>>
    tpu.enqueue_dma source(%dma_start3A_157 : memref<40xi32, #tpu.memory_space<hbm>>) target(%dma_start3A_156 : memref<40xi32, #tpu.memory_space<vmem>>) target_semaphore(%arg10 : memref<!tpu.dma_semaphore, #tpu.memory_space<semaphore_mem>>)
    %add3A_158 = arith.constant 320000 : i32
    %add3A_159 = arith.addi %add3A_158, %add3A_149 : i32
    %dma_start3A_160 = arith.constant 0 : i32
    %dma_start3A_161 = tpu.memref_slice %arg6[%rem3A_147, %dma_start3A_160] : memref<8x40xi32, #tpu.memory_space<vmem>> -> memref<1x40xi32, #tpu.memory_space<vmem>>
    %dma_start3A_162 = tpu.memref_squeeze %dma_start3A_161 : memref<1x40xi32, #tpu.memory_space<vmem>> -> memref<40xi32, #tpu.memory_space<vmem>>
    %dma_start3A_163 = tpu.memref_slice %arg3[%add3A_159] : memref<640000xi32, #tpu.memory_space<hbm>> -> memref<40xi32, #tpu.memory_space<hbm>>
    %dma_start3A_164 = arith.constant 0 : i32
    %dma_start3A_165 = tpu.memref_slice %arg6[%rem3A_147, %dma_start3A_164] : memref<8x40xi32, #tpu.memory_space<vmem>> -> memref<1x40xi32, #tpu.memory_space<vmem>>
    %dma_start3A_166 = tpu.memref_squeeze %dma_start3A_165 : memref<1x40xi32, #tpu.memory_space<vmem>> -> memref<40xi32, #tpu.memory_space<vmem>>
    %dma_start3A_167 = tpu.memref_slice %arg3[%add3A_159] : memref<640000xi32, #tpu.memory_space<hbm>> -> memref<40xi32, #tpu.memory_space<hbm>>
    tpu.enqueue_dma source(%dma_start3A_167 : memref<40xi32, #tpu.memory_space<hbm>>) target(%dma_start3A_166 : memref<40xi32, #tpu.memory_space<vmem>>) target_semaphore(%arg10 : memref<!tpu.dma_semaphore, #tpu.memory_space<semaphore_mem>>)
    %rem3A_168 = arith.constant 0 : i32
    %rem3A_169 = arith.constant 8 : i32
    %rem3A_170 = arith.remsi %rem3A_168, %rem3A_169 : i32
    %add3A_171 = arith.constant 0 : i32
    %add3A_172 = arith.addi %mul3A_2, %add3A_171 : i32
    %dma_wait3A = arith.constant 0 : i32
    %dma_wait3A_173 = tpu.memref_slice %arg5[%rem3A_170, %dma_wait3A] : memref<8x40xi32, #tpu.memory_space<vmem>> -> memref<1x40xi32, #tpu.memory_space<vmem>>
    %dma_wait3A_174 = tpu.memref_squeeze %dma_wait3A_173 : memref<1x40xi32, #tpu.memory_space<vmem>> -> memref<40xi32, #tpu.memory_space<vmem>>
    %dma_wait3A_175 = tpu.memref_slice %arg3[%add3A_172] : memref<640000xi32, #tpu.memory_space<hbm>> -> memref<40xi32, #tpu.memory_space<hbm>>
    %dma_wait3A_176 = arith.constant 0 : i32
    %dma_wait3A_177 = tpu.memref_slice %arg5[%rem3A_170, %dma_wait3A_176] : memref<8x40xi32, #tpu.memory_space<vmem>> -> memref<1x40xi32, #tpu.memory_space<vmem>>
    %dma_wait3A_178 = tpu.memref_squeeze %dma_wait3A_177 : memref<1x40xi32, #tpu.memory_space<vmem>> -> memref<40xi32, #tpu.memory_space<vmem>>
    %dma_wait3A_179 = tpu.memref_slice %arg3[%add3A_172] : memref<640000xi32, #tpu.memory_space<hbm>> -> memref<40xi32, #tpu.memory_space<hbm>>
    tpu.wait_dma2 semaphore(%arg10 : memref<!tpu.dma_semaphore, #tpu.memory_space<semaphore_mem>>) src(%dma_wait3A_179 : memref<40xi32, #tpu.memory_space<hbm>>) dst(%dma_wait3A_178 : memref<40xi32, #tpu.memory_space<vmem>>)
    %add3A_180 = arith.constant 320000 : i32
    %add3A_181 = arith.addi %add3A_180, %add3A_172 : i32
    %dma_wait3A_182 = arith.constant 0 : i32
    %dma_wait3A_183 = tpu.memref_slice %arg6[%rem3A_170, %dma_wait3A_182] : memref<8x40xi32, #tpu.memory_space<vmem>> -> memref<1x40xi32, #tpu.memory_space<vmem>>
    %dma_wait3A_184 = tpu.memref_squeeze %dma_wait3A_183 : memref<1x40xi32, #tpu.memory_space<vmem>> -> memref<40xi32, #tpu.memory_space<vmem>>
    %dma_wait3A_185 = tpu.memref_slice %arg3[%add3A_181] : memref<640000xi32, #tpu.memory_space<hbm>> -> memref<40xi32, #tpu.memory_space<hbm>>
    %dma_wait3A_186 = arith.constant 0 : i32
    %dma_wait3A_187 = tpu.memref_slice %arg6[%rem3A_170, %dma_wait3A_186] : memref<8x40xi32, #tpu.memory_space<vmem>> -> memref<1x40xi32, #tpu.memory_space<vmem>>
    %dma_wait3A_188 = tpu.memref_squeeze %dma_wait3A_187 : memref<1x40xi32, #tpu.memory_space<vmem>> -> memref<40xi32, #tpu.memory_space<vmem>>
    %dma_wait3A_189 = tpu.memref_slice %arg3[%add3A_181] : memref<640000xi32, #tpu.memory_space<hbm>> -> memref<40xi32, #tpu.memory_space<hbm>>
    tpu.wait_dma2 semaphore(%arg10 : memref<!tpu.dma_semaphore, #tpu.memory_space<semaphore_mem>>) src(%dma_wait3A_189 : memref<40xi32, #tpu.memory_space<hbm>>) dst(%dma_wait3A_188 : memref<40xi32, #tpu.memory_space<vmem>>)
    %dma_start3A_190 = arith.constant 0 : i32
    %dma_start3A_191 = arith.constant 0 : i32
    %dma_start3A_192 = arith.constant 0 : i32
    %dma_start3A_193 = arith.constant 0 : i32
    %dma_start3A_194 = tpu.memref_slice %arg7[%dma_start3A_191, %dma_start3A_192, %dma_start3A_193] : memref<8x40x128xf32, #tpu.memory_space<vmem>> -> memref<1x40x128xf32, #tpu.memory_space<vmem>>
    %dma_start3A_195 = tpu.memref_squeeze %dma_start3A_194 : memref<1x40x128xf32, #tpu.memory_space<vmem>> -> memref<40x128xf32, #tpu.memory_space<vmem>>
    %dma_start3A_196 = arith.constant 0 : i32
    %dma_start3A_197 = tpu.memref_slice %arg5[%dma_start3A_190, %dma_start3A_196] : memref<8x40xi32, #tpu.memory_space<vmem>> -> memref<1x40xi32, #tpu.memory_space<vmem>>
    %dma_start3A_198 = tpu.memref_squeeze %dma_start3A_197 : memref<1x40xi32, #tpu.memory_space<vmem>> -> memref<40xi32, #tpu.memory_space<vmem>>
    %dma_start3A_199 = arith.constant 0 : i32
    %dma_start3A_200 = arith.constant 0 : i32
    %dma_start3A_201 = tpu.memref_slice %arg2[%dma_start3A_199, %dma_start3A_200] : memref<10000x128xf32, #tpu.memory_space<hbm>> -> memref<10000x128xf32, #tpu.memory_space<hbm>>
    tpu.enqueue_indirect_dma source(%dma_start3A_201 : memref<10000x128xf32, #tpu.memory_space<hbm>>) target(%dma_start3A_195 : memref<40x128xf32, #tpu.memory_space<vmem>>) offsets(%dma_start3A_198 : memref<40xi32, #tpu.memory_space<vmem>>) semaphore(%arg9 : memref<!tpu.dma_semaphore, #tpu.memory_space<semaphore_mem>>)
    %rem3A_202 = arith.constant 1 : i32
    %rem3A_203 = arith.constant 8 : i32
    %rem3A_204 = arith.remsi %rem3A_202, %rem3A_203 : i32
    %add3A_205 = arith.constant 40 : i32
    %add3A_206 = arith.addi %mul3A_2, %add3A_205 : i32
    %dma_wait3A_207 = arith.constant 0 : i32
    %dma_wait3A_208 = tpu.memref_slice %arg5[%rem3A_204, %dma_wait3A_207] : memref<8x40xi32, #tpu.memory_space<vmem>> -> memref<1x40xi32, #tpu.memory_space<vmem>>
    %dma_wait3A_209 = tpu.memref_squeeze %dma_wait3A_208 : memref<1x40xi32, #tpu.memory_space<vmem>> -> memref<40xi32, #tpu.memory_space<vmem>>
    %dma_wait3A_210 = tpu.memref_slice %arg3[%add3A_206] : memref<640000xi32, #tpu.memory_space<hbm>> -> memref<40xi32, #tpu.memory_space<hbm>>
    %dma_wait3A_211 = arith.constant 0 : i32
    %dma_wait3A_212 = tpu.memref_slice %arg5[%rem3A_204, %dma_wait3A_211] : memref<8x40xi32, #tpu.memory_space<vmem>> -> memref<1x40xi32, #tpu.memory_space<vmem>>
    %dma_wait3A_213 = tpu.memref_squeeze %dma_wait3A_212 : memref<1x40xi32, #tpu.memory_space<vmem>> -> memref<40xi32, #tpu.memory_space<vmem>>
    %dma_wait3A_214 = tpu.memref_slice %arg3[%add3A_206] : memref<640000xi32, #tpu.memory_space<hbm>> -> memref<40xi32, #tpu.memory_space<hbm>>
    tpu.wait_dma2 semaphore(%arg10 : memref<!tpu.dma_semaphore, #tpu.memory_space<semaphore_mem>>) src(%dma_wait3A_214 : memref<40xi32, #tpu.memory_space<hbm>>) dst(%dma_wait3A_213 : memref<40xi32, #tpu.memory_space<vmem>>)
    %add3A_215 = arith.constant 320000 : i32
    %add3A_216 = arith.addi %add3A_215, %add3A_206 : i32
    %dma_wait3A_217 = arith.constant 0 : i32
    %dma_wait3A_218 = tpu.memref_slice %arg6[%rem3A_204, %dma_wait3A_217] : memref<8x40xi32, #tpu.memory_space<vmem>> -> memref<1x40xi32, #tpu.memory_space<vmem>>
    %dma_wait3A_219 = tpu.memref_squeeze %dma_wait3A_218 : memref<1x40xi32, #tpu.memory_space<vmem>> -> memref<40xi32, #tpu.memory_space<vmem>>
    %dma_wait3A_220 = tpu.memref_slice %arg3[%add3A_216] : memref<640000xi32, #tpu.memory_space<hbm>> -> memref<40xi32, #tpu.memory_space<hbm>>
    %dma_wait3A_221 = arith.constant 0 : i32
    %dma_wait3A_222 = tpu.memref_slice %arg6[%rem3A_204, %dma_wait3A_221] : memref<8x40xi32, #tpu.memory_space<vmem>> -> memref<1x40xi32, #tpu.memory_space<vmem>>
    %dma_wait3A_223 = tpu.memref_squeeze %dma_wait3A_222 : memref<1x40xi32, #tpu.memory_space<vmem>> -> memref<40xi32, #tpu.memory_space<vmem>>
    %dma_wait3A_224 = tpu.memref_slice %arg3[%add3A_216] : memref<640000xi32, #tpu.memory_space<hbm>> -> memref<40xi32, #tpu.memory_space<hbm>>
    tpu.wait_dma2 semaphore(%arg10 : memref<!tpu.dma_semaphore, #tpu.memory_space<semaphore_mem>>) src(%dma_wait3A_224 : memref<40xi32, #tpu.memory_space<hbm>>) dst(%dma_wait3A_223 : memref<40xi32, #tpu.memory_space<vmem>>)
    %dma_start3A_225 = arith.constant 1 : i32
    %dma_start3A_226 = arith.constant 1 : i32
    %dma_start3A_227 = arith.constant 0 : i32
    %dma_start3A_228 = arith.constant 0 : i32
    %dma_start3A_229 = tpu.memref_slice %arg7[%dma_start3A_226, %dma_start3A_227, %dma_start3A_228] : memref<8x40x128xf32, #tpu.memory_space<vmem>> -> memref<1x40x128xf32, #tpu.memory_space<vmem>>
    %dma_start3A_230 = tpu.memref_squeeze %dma_start3A_229 : memref<1x40x128xf32, #tpu.memory_space<vmem>> -> memref<40x128xf32, #tpu.memory_space<vmem>>
    %dma_start3A_231 = arith.constant 0 : i32
    %dma_start3A_232 = tpu.memref_slice %arg5[%dma_start3A_225, %dma_start3A_231] : memref<8x40xi32, #tpu.memory_space<vmem>> -> memref<1x40xi32, #tpu.memory_space<vmem>>
    %dma_start3A_233 = tpu.memref_squeeze %dma_start3A_232 : memref<1x40xi32, #tpu.memory_space<vmem>> -> memref<40xi32, #tpu.memory_space<vmem>>
    %dma_start3A_234 = arith.constant 0 : i32
    %dma_start3A_235 = arith.constant 0 : i32
    %dma_start3A_236 = tpu.memref_slice %arg2[%dma_start3A_234, %dma_start3A_235] : memref<10000x128xf32, #tpu.memory_space<hbm>> -> memref<10000x128xf32, #tpu.memory_space<hbm>>
    tpu.enqueue_indirect_dma source(%dma_start3A_236 : memref<10000x128xf32, #tpu.memory_space<hbm>>) target(%dma_start3A_230 : memref<40x128xf32, #tpu.memory_space<vmem>>) offsets(%dma_start3A_233 : memref<40xi32, #tpu.memory_space<vmem>>) semaphore(%arg9 : memref<!tpu.dma_semaphore, #tpu.memory_space<semaphore_mem>>)
    %rem3A_237 = arith.constant 2 : i32
    %rem3A_238 = arith.constant 8 : i32
    %rem3A_239 = arith.remsi %rem3A_237, %rem3A_238 : i32
    %add3A_240 = arith.constant 80 : i32
    %add3A_241 = arith.addi %mul3A_2, %add3A_240 : i32
    %dma_wait3A_242 = arith.constant 0 : i32
    %dma_wait3A_243 = tpu.memref_slice %arg5[%rem3A_239, %dma_wait3A_242] : memref<8x40xi32, #tpu.memory_space<vmem>> -> memref<1x40xi32, #tpu.memory_space<vmem>>
    %dma_wait3A_244 = tpu.memref_squeeze %dma_wait3A_243 : memref<1x40xi32, #tpu.memory_space<vmem>> -> memref<40xi32, #tpu.memory_space<vmem>>
    %dma_wait3A_245 = tpu.memref_slice %arg3[%add3A_241] : memref<640000xi32, #tpu.memory_space<hbm>> -> memref<40xi32, #tpu.memory_space<hbm>>
    %dma_wait3A_246 = arith.constant 0 : i32
    %dma_wait3A_247 = tpu.memref_slice %arg5[%rem3A_239, %dma_wait3A_246] : memref<8x40xi32, #tpu.memory_space<vmem>> -> memref<1x40xi32, #tpu.memory_space<vmem>>
    %dma_wait3A_248 = tpu.memref_squeeze %dma_wait3A_247 : memref<1x40xi32, #tpu.memory_space<vmem>> -> memref<40xi32, #tpu.memory_space<vmem>>
    %dma_wait3A_249 = tpu.memref_slice %arg3[%add3A_241] : memref<640000xi32, #tpu.memory_space<hbm>> -> memref<40xi32, #tpu.memory_space<hbm>>
    tpu.wait_dma2 semaphore(%arg10 : memref<!tpu.dma_semaphore, #tpu.memory_space<semaphore_mem>>) src(%dma_wait3A_249 : memref<40xi32, #tpu.memory_space<hbm>>) dst(%dma_wait3A_248 : memref<40xi32, #tpu.memory_space<vmem>>)
    %add3A_250 = arith.constant 320000 : i32
    %add3A_251 = arith.addi %add3A_250, %add3A_241 : i32
    %dma_wait3A_252 = arith.constant 0 : i32
    %dma_wait3A_253 = tpu.memref_slice %arg6[%rem3A_239, %dma_wait3A_252] : memref<8x40xi32, #tpu.memory_space<vmem>> -> memref<1x40xi32, #tpu.memory_space<vmem>>
    %dma_wait3A_254 = tpu.memref_squeeze %dma_wait3A_253 : memref<1x40xi32, #tpu.memory_space<vmem>> -> memref<40xi32, #tpu.memory_space<vmem>>
    %dma_wait3A_255 = tpu.memref_slice %arg3[%add3A_251] : memref<640000xi32, #tpu.memory_space<hbm>> -> memref<40xi32, #tpu.memory_space<hbm>>
    %dma_wait3A_256 = arith.constant 0 : i32
    %dma_wait3A_257 = tpu.memref_slice %arg6[%rem3A_239, %dma_wait3A_256] : memref<8x40xi32, #tpu.memory_space<vmem>> -> memref<1x40xi32, #tpu.memory_space<vmem>>
    %dma_wait3A_258 = tpu.memref_squeeze %dma_wait3A_257 : memref<1x40xi32, #tpu.memory_space<vmem>> -> memref<40xi32, #tpu.memory_space<vmem>>
    %dma_wait3A_259 = tpu.memref_slice %arg3[%add3A_251] : memref<640000xi32, #tpu.memory_space<hbm>> -> memref<40xi32, #tpu.memory_space<hbm>>
    tpu.wait_dma2 semaphore(%arg10 : memref<!tpu.dma_semaphore, #tpu.memory_space<semaphore_mem>>) src(%dma_wait3A_259 : memref<40xi32, #tpu.memory_space<hbm>>) dst(%dma_wait3A_258 : memref<40xi32, #tpu.memory_space<vmem>>)
    %dma_start3A_260 = arith.constant 2 : i32
    %dma_start3A_261 = arith.constant 2 : i32
    %dma_start3A_262 = arith.constant 0 : i32
    %dma_start3A_263 = arith.constant 0 : i32
    %dma_start3A_264 = tpu.memref_slice %arg7[%dma_start3A_261, %dma_start3A_262, %dma_start3A_263] : memref<8x40x128xf32, #tpu.memory_space<vmem>> -> memref<1x40x128xf32, #tpu.memory_space<vmem>>
    %dma_start3A_265 = tpu.memref_squeeze %dma_start3A_264 : memref<1x40x128xf32, #tpu.memory_space<vmem>> -> memref<40x128xf32, #tpu.memory_space<vmem>>
    %dma_start3A_266 = arith.constant 0 : i32
    %dma_start3A_267 = tpu.memref_slice %arg5[%dma_start3A_260, %dma_start3A_266] : memref<8x40xi32, #tpu.memory_space<vmem>> -> memref<1x40xi32, #tpu.memory_space<vmem>>
    %dma_start3A_268 = tpu.memref_squeeze %dma_start3A_267 : memref<1x40xi32, #tpu.memory_space<vmem>> -> memref<40xi32, #tpu.memory_space<vmem>>
    %dma_start3A_269 = arith.constant 0 : i32
    %dma_start3A_270 = arith.constant 0 : i32
    %dma_start3A_271 = tpu.memref_slice %arg2[%dma_start3A_269, %dma_start3A_270] : memref<10000x128xf32, #tpu.memory_space<hbm>> -> memref<10000x128xf32, #tpu.memory_space<hbm>>
    tpu.enqueue_indirect_dma source(%dma_start3A_271 : memref<10000x128xf32, #tpu.memory_space<hbm>>) target(%dma_start3A_265 : memref<40x128xf32, #tpu.memory_space<vmem>>) offsets(%dma_start3A_268 : memref<40xi32, #tpu.memory_space<vmem>>) semaphore(%arg9 : memref<!tpu.dma_semaphore, #tpu.memory_space<semaphore_mem>>)
    %rem3A_272 = arith.constant 3 : i32
    %rem3A_273 = arith.constant 8 : i32
    %rem3A_274 = arith.remsi %rem3A_272, %rem3A_273 : i32
    %add3A_275 = arith.constant 120 : i32
    %add3A_276 = arith.addi %mul3A_2, %add3A_275 : i32
    %dma_wait3A_277 = arith.constant 0 : i32
    %dma_wait3A_278 = tpu.memref_slice %arg5[%rem3A_274, %dma_wait3A_277] : memref<8x40xi32, #tpu.memory_space<vmem>> -> memref<1x40xi32, #tpu.memory_space<vmem>>
    %dma_wait3A_279 = tpu.memref_squeeze %dma_wait3A_278 : memref<1x40xi32, #tpu.memory_space<vmem>> -> memref<40xi32, #tpu.memory_space<vmem>>
    %dma_wait3A_280 = tpu.memref_slice %arg3[%add3A_276] : memref<640000xi32, #tpu.memory_space<hbm>> -> memref<40xi32, #tpu.memory_space<hbm>>
    %dma_wait3A_281 = arith.constant 0 : i32
    %dma_wait3A_282 = tpu.memref_slice %arg5[%rem3A_274, %dma_wait3A_281] : memref<8x40xi32, #tpu.memory_space<vmem>> -> memref<1x40xi32, #tpu.memory_space<vmem>>
    %dma_wait3A_283 = tpu.memref_squeeze %dma_wait3A_282 : memref<1x40xi32, #tpu.memory_space<vmem>> -> memref<40xi32, #tpu.memory_space<vmem>>
    %dma_wait3A_284 = tpu.memref_slice %arg3[%add3A_276] : memref<640000xi32, #tpu.memory_space<hbm>> -> memref<40xi32, #tpu.memory_space<hbm>>
    tpu.wait_dma2 semaphore(%arg10 : memref<!tpu.dma_semaphore, #tpu.memory_space<semaphore_mem>>) src(%dma_wait3A_284 : memref<40xi32, #tpu.memory_space<hbm>>) dst(%dma_wait3A_283 : memref<40xi32, #tpu.memory_space<vmem>>)
    %add3A_285 = arith.constant 320000 : i32
    %add3A_286 = arith.addi %add3A_285, %add3A_276 : i32
    %dma_wait3A_287 = arith.constant 0 : i32
    %dma_wait3A_288 = tpu.memref_slice %arg6[%rem3A_274, %dma_wait3A_287] : memref<8x40xi32, #tpu.memory_space<vmem>> -> memref<1x40xi32, #tpu.memory_space<vmem>>
    %dma_wait3A_289 = tpu.memref_squeeze %dma_wait3A_288 : memref<1x40xi32, #tpu.memory_space<vmem>> -> memref<40xi32, #tpu.memory_space<vmem>>
    %dma_wait3A_290 = tpu.memref_slice %arg3[%add3A_286] : memref<640000xi32, #tpu.memory_space<hbm>> -> memref<40xi32, #tpu.memory_space<hbm>>
    %dma_wait3A_291 = arith.constant 0 : i32
    %dma_wait3A_292 = tpu.memref_slice %arg6[%rem3A_274, %dma_wait3A_291] : memref<8x40xi32, #tpu.memory_space<vmem>> -> memref<1x40xi32, #tpu.memory_space<vmem>>
    %dma_wait3A_293 = tpu.memref_squeeze %dma_wait3A_292 : memref<1x40xi32, #tpu.memory_space<vmem>> -> memref<40xi32, #tpu.memory_space<vmem>>
    %dma_wait3A_294 = tpu.memref_slice %arg3[%add3A_286] : memref<640000xi32, #tpu.memory_space<hbm>> -> memref<40xi32, #tpu.memory_space<hbm>>
    tpu.wait_dma2 semaphore(%arg10 : memref<!tpu.dma_semaphore, #tpu.memory_space<semaphore_mem>>) src(%dma_wait3A_294 : memref<40xi32, #tpu.memory_space<hbm>>) dst(%dma_wait3A_293 : memref<40xi32, #tpu.memory_space<vmem>>)
    %dma_start3A_295 = arith.constant 3 : i32
    %dma_start3A_296 = arith.constant 3 : i32
    %dma_start3A_297 = arith.constant 0 : i32
    %dma_start3A_298 = arith.constant 0 : i32
    %dma_start3A_299 = tpu.memref_slice %arg7[%dma_start3A_296, %dma_start3A_297, %dma_start3A_298] : memref<8x40x128xf32, #tpu.memory_space<vmem>> -> memref<1x40x128xf32, #tpu.memory_space<vmem>>
    %dma_start3A_300 = tpu.memref_squeeze %dma_start3A_299 : memref<1x40x128xf32, #tpu.memory_space<vmem>> -> memref<40x128xf32, #tpu.memory_space<vmem>>
    %dma_start3A_301 = arith.constant 0 : i32
    %dma_start3A_302 = tpu.memref_slice %arg5[%dma_start3A_295, %dma_start3A_301] : memref<8x40xi32, #tpu.memory_space<vmem>> -> memref<1x40xi32, #tpu.memory_space<vmem>>
    %dma_start3A_303 = tpu.memref_squeeze %dma_start3A_302 : memref<1x40xi32, #tpu.memory_space<vmem>> -> memref<40xi32, #tpu.memory_space<vmem>>
    %dma_start3A_304 = arith.constant 0 : i32
    %dma_start3A_305 = arith.constant 0 : i32
    %dma_start3A_306 = tpu.memref_slice %arg2[%dma_start3A_304, %dma_start3A_305] : memref<10000x128xf32, #tpu.memory_space<hbm>> -> memref<10000x128xf32, #tpu.memory_space<hbm>>
    tpu.enqueue_indirect_dma source(%dma_start3A_306 : memref<10000x128xf32, #tpu.memory_space<hbm>>) target(%dma_start3A_300 : memref<40x128xf32, #tpu.memory_space<vmem>>) offsets(%dma_start3A_303 : memref<40xi32, #tpu.memory_space<vmem>>) semaphore(%arg9 : memref<!tpu.dma_semaphore, #tpu.memory_space<semaphore_mem>>)
    %rem3A_307 = arith.constant 4 : i32
    %rem3A_308 = arith.constant 8 : i32
    %rem3A_309 = arith.remsi %rem3A_307, %rem3A_308 : i32
    %add3A_310 = arith.constant 160 : i32
    %add3A_311 = arith.addi %mul3A_2, %add3A_310 : i32
    %dma_wait3A_312 = arith.constant 0 : i32
    %dma_wait3A_313 = tpu.memref_slice %arg5[%rem3A_309, %dma_wait3A_312] : memref<8x40xi32, #tpu.memory_space<vmem>> -> memref<1x40xi32, #tpu.memory_space<vmem>>
    %dma_wait3A_314 = tpu.memref_squeeze %dma_wait3A_313 : memref<1x40xi32, #tpu.memory_space<vmem>> -> memref<40xi32, #tpu.memory_space<vmem>>
    %dma_wait3A_315 = tpu.memref_slice %arg3[%add3A_311] : memref<640000xi32, #tpu.memory_space<hbm>> -> memref<40xi32, #tpu.memory_space<hbm>>
    %dma_wait3A_316 = arith.constant 0 : i32
    %dma_wait3A_317 = tpu.memref_slice %arg5[%rem3A_309, %dma_wait3A_316] : memref<8x40xi32, #tpu.memory_space<vmem>> -> memref<1x40xi32, #tpu.memory_space<vmem>>
    %dma_wait3A_318 = tpu.memref_squeeze %dma_wait3A_317 : memref<1x40xi32, #tpu.memory_space<vmem>> -> memref<40xi32, #tpu.memory_space<vmem>>
    %dma_wait3A_319 = tpu.memref_slice %arg3[%add3A_311] : memref<640000xi32, #tpu.memory_space<hbm>> -> memref<40xi32, #tpu.memory_space<hbm>>
    tpu.wait_dma2 semaphore(%arg10 : memref<!tpu.dma_semaphore, #tpu.memory_space<semaphore_mem>>) src(%dma_wait3A_319 : memref<40xi32, #tpu.memory_space<hbm>>) dst(%dma_wait3A_318 : memref<40xi32, #tpu.memory_space<vmem>>)
    %add3A_320 = arith.constant 320000 : i32
    %add3A_321 = arith.addi %add3A_320, %add3A_311 : i32
    %dma_wait3A_322 = arith.constant 0 : i32
    %dma_wait3A_323 = tpu.memref_slice %arg6[%rem3A_309, %dma_wait3A_322] : memref<8x40xi32, #tpu.memory_space<vmem>> -> memref<1x40xi32, #tpu.memory_space<vmem>>
    %dma_wait3A_324 = tpu.memref_squeeze %dma_wait3A_323 : memref<1x40xi32, #tpu.memory_space<vmem>> -> memref<40xi32, #tpu.memory_space<vmem>>
    %dma_wait3A_325 = tpu.memref_slice %arg3[%add3A_321] : memref<640000xi32, #tpu.memory_space<hbm>> -> memref<40xi32, #tpu.memory_space<hbm>>
    %dma_wait3A_326 = arith.constant 0 : i32
    %dma_wait3A_327 = tpu.memref_slice %arg6[%rem3A_309, %dma_wait3A_326] : memref<8x40xi32, #tpu.memory_space<vmem>> -> memref<1x40xi32, #tpu.memory_space<vmem>>
    %dma_wait3A_328 = tpu.memref_squeeze %dma_wait3A_327 : memref<1x40xi32, #tpu.memory_space<vmem>> -> memref<40xi32, #tpu.memory_space<vmem>>
    %dma_wait3A_329 = tpu.memref_slice %arg3[%add3A_321] : memref<640000xi32, #tpu.memory_space<hbm>> -> memref<40xi32, #tpu.memory_space<hbm>>
    tpu.wait_dma2 semaphore(%arg10 : memref<!tpu.dma_semaphore, #tpu.memory_space<semaphore_mem>>) src(%dma_wait3A_329 : memref<40xi32, #tpu.memory_space<hbm>>) dst(%dma_wait3A_328 : memref<40xi32, #tpu.memory_space<vmem>>)
    %dma_start3A_330 = arith.constant 4 : i32
    %dma_start3A_331 = arith.constant 4 : i32
    %dma_start3A_332 = arith.constant 0 : i32
    %dma_start3A_333 = arith.constant 0 : i32
    %dma_start3A_334 = tpu.memref_slice %arg7[%dma_start3A_331, %dma_start3A_332, %dma_start3A_333] : memref<8x40x128xf32, #tpu.memory_space<vmem>> -> memref<1x40x128xf32, #tpu.memory_space<vmem>>
    %dma_start3A_335 = tpu.memref_squeeze %dma_start3A_334 : memref<1x40x128xf32, #tpu.memory_space<vmem>> -> memref<40x128xf32, #tpu.memory_space<vmem>>
    %dma_start3A_336 = arith.constant 0 : i32
    %dma_start3A_337 = tpu.memref_slice %arg5[%dma_start3A_330, %dma_start3A_336] : memref<8x40xi32, #tpu.memory_space<vmem>> -> memref<1x40xi32, #tpu.memory_space<vmem>>
    %dma_start3A_338 = tpu.memref_squeeze %dma_start3A_337 : memref<1x40xi32, #tpu.memory_space<vmem>> -> memref<40xi32, #tpu.memory_space<vmem>>
    %dma_start3A_339 = arith.constant 0 : i32
    %dma_start3A_340 = arith.constant 0 : i32
    %dma_start3A_341 = tpu.memref_slice %arg2[%dma_start3A_339, %dma_start3A_340] : memref<10000x128xf32, #tpu.memory_space<hbm>> -> memref<10000x128xf32, #tpu.memory_space<hbm>>
    tpu.enqueue_indirect_dma source(%dma_start3A_341 : memref<10000x128xf32, #tpu.memory_space<hbm>>) target(%dma_start3A_335 : memref<40x128xf32, #tpu.memory_space<vmem>>) offsets(%dma_start3A_338 : memref<40xi32, #tpu.memory_space<vmem>>) semaphore(%arg9 : memref<!tpu.dma_semaphore, #tpu.memory_space<semaphore_mem>>)
    %rem3A_342 = arith.constant 5 : i32
    %rem3A_343 = arith.constant 8 : i32
    %rem3A_344 = arith.remsi %rem3A_342, %rem3A_343 : i32
    %add3A_345 = arith.constant 200 : i32
    %add3A_346 = arith.addi %mul3A_2, %add3A_345 : i32
    %dma_wait3A_347 = arith.constant 0 : i32
    %dma_wait3A_348 = tpu.memref_slice %arg5[%rem3A_344, %dma_wait3A_347] : memref<8x40xi32, #tpu.memory_space<vmem>> -> memref<1x40xi32, #tpu.memory_space<vmem>>
    %dma_wait3A_349 = tpu.memref_squeeze %dma_wait3A_348 : memref<1x40xi32, #tpu.memory_space<vmem>> -> memref<40xi32, #tpu.memory_space<vmem>>
    %dma_wait3A_350 = tpu.memref_slice %arg3[%add3A_346] : memref<640000xi32, #tpu.memory_space<hbm>> -> memref<40xi32, #tpu.memory_space<hbm>>
    %dma_wait3A_351 = arith.constant 0 : i32
    %dma_wait3A_352 = tpu.memref_slice %arg5[%rem3A_344, %dma_wait3A_351] : memref<8x40xi32, #tpu.memory_space<vmem>> -> memref<1x40xi32, #tpu.memory_space<vmem>>
    %dma_wait3A_353 = tpu.memref_squeeze %dma_wait3A_352 : memref<1x40xi32, #tpu.memory_space<vmem>> -> memref<40xi32, #tpu.memory_space<vmem>>
    %dma_wait3A_354 = tpu.memref_slice %arg3[%add3A_346] : memref<640000xi32, #tpu.memory_space<hbm>> -> memref<40xi32, #tpu.memory_space<hbm>>
    tpu.wait_dma2 semaphore(%arg10 : memref<!tpu.dma_semaphore, #tpu.memory_space<semaphore_mem>>) src(%dma_wait3A_354 : memref<40xi32, #tpu.memory_space<hbm>>) dst(%dma_wait3A_353 : memref<40xi32, #tpu.memory_space<vmem>>)
    %add3A_355 = arith.constant 320000 : i32
    %add3A_356 = arith.addi %add3A_355, %add3A_346 : i32
    %dma_wait3A_357 = arith.constant 0 : i32
    %dma_wait3A_358 = tpu.memref_slice %arg6[%rem3A_344, %dma_wait3A_357] : memref<8x40xi32, #tpu.memory_space<vmem>> -> memref<1x40xi32, #tpu.memory_space<vmem>>
    %dma_wait3A_359 = tpu.memref_squeeze %dma_wait3A_358 : memref<1x40xi32, #tpu.memory_space<vmem>> -> memref<40xi32, #tpu.memory_space<vmem>>
    %dma_wait3A_360 = tpu.memref_slice %arg3[%add3A_356] : memref<640000xi32, #tpu.memory_space<hbm>> -> memref<40xi32, #tpu.memory_space<hbm>>
    %dma_wait3A_361 = arith.constant 0 : i32
    %dma_wait3A_362 = tpu.memref_slice %arg6[%rem3A_344, %dma_wait3A_361] : memref<8x40xi32, #tpu.memory_space<vmem>> -> memref<1x40xi32, #tpu.memory_space<vmem>>
    %dma_wait3A_363 = tpu.memref_squeeze %dma_wait3A_362 : memref<1x40xi32, #tpu.memory_space<vmem>> -> memref<40xi32, #tpu.memory_space<vmem>>
    %dma_wait3A_364 = tpu.memref_slice %arg3[%add3A_356] : memref<640000xi32, #tpu.memory_space<hbm>> -> memref<40xi32, #tpu.memory_space<hbm>>
    tpu.wait_dma2 semaphore(%arg10 : memref<!tpu.dma_semaphore, #tpu.memory_space<semaphore_mem>>) src(%dma_wait3A_364 : memref<40xi32, #tpu.memory_space<hbm>>) dst(%dma_wait3A_363 : memref<40xi32, #tpu.memory_space<vmem>>)
    %dma_start3A_365 = arith.constant 5 : i32
    %dma_start3A_366 = arith.constant 5 : i32
    %dma_start3A_367 = arith.constant 0 : i32
    %dma_start3A_368 = arith.constant 0 : i32
    %dma_start3A_369 = tpu.memref_slice %arg7[%dma_start3A_366, %dma_start3A_367, %dma_start3A_368] : memref<8x40x128xf32, #tpu.memory_space<vmem>> -> memref<1x40x128xf32, #tpu.memory_space<vmem>>
    %dma_start3A_370 = tpu.memref_squeeze %dma_start3A_369 : memref<1x40x128xf32, #tpu.memory_space<vmem>> -> memref<40x128xf32, #tpu.memory_space<vmem>>
    %dma_start3A_371 = arith.constant 0 : i32
    %dma_start3A_372 = tpu.memref_slice %arg5[%dma_start3A_365, %dma_start3A_371] : memref<8x40xi32, #tpu.memory_space<vmem>> -> memref<1x40xi32, #tpu.memory_space<vmem>>
    %dma_start3A_373 = tpu.memref_squeeze %dma_start3A_372 : memref<1x40xi32, #tpu.memory_space<vmem>> -> memref<40xi32, #tpu.memory_space<vmem>>
    %dma_start3A_374 = arith.constant 0 : i32
    %dma_start3A_375 = arith.constant 0 : i32
    %dma_start3A_376 = tpu.memref_slice %arg2[%dma_start3A_374, %dma_start3A_375] : memref<10000x128xf32, #tpu.memory_space<hbm>> -> memref<10000x128xf32, #tpu.memory_space<hbm>>
    tpu.enqueue_indirect_dma source(%dma_start3A_376 : memref<10000x128xf32, #tpu.memory_space<hbm>>) target(%dma_start3A_370 : memref<40x128xf32, #tpu.memory_space<vmem>>) offsets(%dma_start3A_373 : memref<40xi32, #tpu.memory_space<vmem>>) semaphore(%arg9 : memref<!tpu.dma_semaphore, #tpu.memory_space<semaphore_mem>>)
    %lt3A_377 = arith.constant 15 : i32
    %lt3A_378 = arith.cmpi slt, %arg1, %lt3A_377 : i32
    %convert_element_type3A_379 = arith.extui %lt3A_378 : i1 to i32
    %cond3A_380 = arith.constant 0 : i32
    %cond3A_381 = arith.cmpi ne, %convert_element_type3A_379, %cond3A_380 : i32
    scf.if %cond3A_381 {
      %mul3A_427 = arith.constant 632 : i32
      %mul3A_428 = arith.muli %arg1, %mul3A_427 : i32
      %mul3A_429 = arith.constant 632 : i32
      %mul3A_430 = arith.muli %arg1, %mul3A_429 : i32
      %dma_wait3A_431 = arith.constant 0 : i32
      %dma_wait3A_432 = tpu.memref_slice %arg8[%mul3A_430, %dma_wait3A_431] : memref<10112x128xf32, #tpu.memory_space<vmem_shared>> -> memref<632x128xf32, #tpu.memory_space<vmem_shared>>
      %dma_wait3A_433 = arith.constant 0 : i32
      %dma_wait3A_434 = tpu.memref_slice %arg2[%mul3A_428, %dma_wait3A_433] : memref<10000x128xf32, #tpu.memory_space<hbm>> -> memref<632x128xf32, #tpu.memory_space<hbm>>
      tpu.wait_dma2 semaphore(%arg12 : memref<!tpu.dma_semaphore, #tpu.memory_space<semaphore_mem>>) src(%dma_wait3A_434 : memref<632x128xf32, #tpu.memory_space<hbm>>) dst(%dma_wait3A_432 : memref<632x128xf32, #tpu.memory_space<vmem_shared>>)
    } else {
    }
    %eq3A_382 = arith.constant 15 : i32
    %eq3A_383 = arith.cmpi eq, %arg1, %eq3A_382 : i32
    %convert_element_type3A_384 = arith.extui %eq3A_383 : i1 to i32
    %cond3A_385 = arith.constant 0 : i32
    %cond3A_386 = arith.cmpi ne, %convert_element_type3A_384, %cond3A_385 : i32
    scf.if %cond3A_386 {
      %dma_wait3A_427 = arith.constant 9480 : i32
      %dma_wait3A_428 = arith.constant 0 : i32
      %dma_wait3A_429 = tpu.memref_slice %arg8[%dma_wait3A_427, %dma_wait3A_428] : memref<10112x128xf32, #tpu.memory_space<vmem_shared>> -> memref<520x128xf32, #tpu.memory_space<vmem_shared>>
      %dma_wait3A_430 = arith.constant 9480 : i32
      %dma_wait3A_431 = arith.constant 0 : i32
      %dma_wait3A_432 = tpu.memref_slice %arg2[%dma_wait3A_430, %dma_wait3A_431] : memref<10000x128xf32, #tpu.memory_space<hbm>> -> memref<520x128xf32, #tpu.memory_space<hbm>>
      tpu.wait_dma2 semaphore(%arg12 : memref<!tpu.dma_semaphore, #tpu.memory_space<semaphore_mem>>) src(%dma_wait3A_432 : memref<520x128xf32, #tpu.memory_space<hbm>>) dst(%dma_wait3A_429 : memref<520x128xf32, #tpu.memory_space<vmem_shared>>)
    } else {
    }
    %barrier3A = arith.constant 0 : index
    tpu.barrier barrier_id(%barrier3A)
    %scan3A = arith.constant 0 : i32
    %scan3A_387 = arith.constant 0 : i32
    %scan3A_388 = arith.constant 250 : i32
    %scan3A_389 = arith.addi %scan3A_387, %scan3A_388 : i32
    %scan3A_390 = arith.constant 1 : i32
    scf.for %scan3A_427 = %scan3A_387 to %scan3A_389 step %scan3A_390  : i32 {
      %rem3A_428 = arith.constant 8 : i32
      %rem3A_429 = arith.remsi %scan3A_427, %rem3A_428 : i32
      %rem3A_430 = arith.constant 8 : i32
      %rem3A_431 = arith.remsi %scan3A_427, %rem3A_430 : i32
      %add3A_432 = arith.constant 7 : i32
      %add3A_433 = arith.addi %scan3A_427, %add3A_432 : i32
      %lt3A_434 = arith.constant 250 : i32
      %lt3A_435 = arith.cmpi slt, %add3A_433, %lt3A_434 : i32
      %convert_element_type3A_436 = arith.extui %lt3A_435 : i1 to i32
      %cond3A_437 = arith.constant 0 : i32
      %cond3A_438 = arith.cmpi ne, %convert_element_type3A_436, %cond3A_437 : i32
      scf.if %cond3A_438 {
        %add3A_470 = arith.constant 7 : i32
        %add3A_471 = arith.addi %scan3A_427, %add3A_470 : i32
        %rem3A_472 = arith.constant 8 : i32
        %rem3A_473 = arith.remsi %add3A_471, %rem3A_472 : i32
        %mul3A_474 = arith.constant 40 : i32
        %mul3A_475 = arith.muli %add3A_471, %mul3A_474 : i32
        %add3A_476 = arith.addi %mul3A_2, %mul3A_475 : i32
        %dma_start3A_477 = arith.constant 0 : i32
        %dma_start3A_478 = tpu.memref_slice %arg5[%rem3A_473, %dma_start3A_477] : memref<8x40xi32, #tpu.memory_space<vmem>> -> memref<1x40xi32, #tpu.memory_space<vmem>>
        %dma_start3A_479 = tpu.memref_squeeze %dma_start3A_478 : memref<1x40xi32, #tpu.memory_space<vmem>> -> memref<40xi32, #tpu.memory_space<vmem>>
        %dma_start3A_480 = tpu.memref_slice %arg3[%add3A_476] : memref<640000xi32, #tpu.memory_space<hbm>> -> memref<40xi32, #tpu.memory_space<hbm>>
        %dma_start3A_481 = arith.constant 0 : i32
        %dma_start3A_482 = tpu.memref_slice %arg5[%rem3A_473, %dma_start3A_481] : memref<8x40xi32, #tpu.memory_space<vmem>> -> memref<1x40xi32, #tpu.memory_space<vmem>>
        %dma_start3A_483 = tpu.memref_squeeze %dma_start3A_482 : memref<1x40xi32, #tpu.memory_space<vmem>> -> memref<40xi32, #tpu.memory_space<vmem>>
        %dma_start3A_484 = tpu.memref_slice %arg3[%add3A_476] : memref<640000xi32, #tpu.memory_space<hbm>> -> memref<40xi32, #tpu.memory_space<hbm>>
        tpu.enqueue_dma source(%dma_start3A_484 : memref<40xi32, #tpu.memory_space<hbm>>) target(%dma_start3A_483 : memref<40xi32, #tpu.memory_space<vmem>>) target_semaphore(%arg10 : memref<!tpu.dma_semaphore, #tpu.memory_space<semaphore_mem>>)
        %add3A_485 = arith.constant 320000 : i32
        %add3A_486 = arith.addi %add3A_485, %add3A_476 : i32
        %dma_start3A_487 = arith.constant 0 : i32
        %dma_start3A_488 = tpu.memref_slice %arg6[%rem3A_473, %dma_start3A_487] : memref<8x40xi32, #tpu.memory_space<vmem>> -> memref<1x40xi32, #tpu.memory_space<vmem>>
        %dma_start3A_489 = tpu.memref_squeeze %dma_start3A_488 : memref<1x40xi32, #tpu.memory_space<vmem>> -> memref<40xi32, #tpu.memory_space<vmem>>
        %dma_start3A_490 = tpu.memref_slice %arg3[%add3A_486] : memref<640000xi32, #tpu.memory_space<hbm>> -> memref<40xi32, #tpu.memory_space<hbm>>
        %dma_start3A_491 = arith.constant 0 : i32
        %dma_start3A_492 = tpu.memref_slice %arg6[%rem3A_473, %dma_start3A_491] : memref<8x40xi32, #tpu.memory_space<vmem>> -> memref<1x40xi32, #tpu.memory_space<vmem>>
        %dma_start3A_493 = tpu.memref_squeeze %dma_start3A_492 : memref<1x40xi32, #tpu.memory_space<vmem>> -> memref<40xi32, #tpu.memory_space<vmem>>
        %dma_start3A_494 = tpu.memref_slice %arg3[%add3A_486] : memref<640000xi32, #tpu.memory_space<hbm>> -> memref<40xi32, #tpu.memory_space<hbm>>
        tpu.enqueue_dma source(%dma_start3A_494 : memref<40xi32, #tpu.memory_space<hbm>>) target(%dma_start3A_493 : memref<40xi32, #tpu.memory_space<vmem>>) target_semaphore(%arg10 : memref<!tpu.dma_semaphore, #tpu.memory_space<semaphore_mem>>)
      } else {
      }
      %dma_wait3A_439 = arith.constant 0 : i32
      %dma_wait3A_440 = arith.constant 0 : i32
      %dma_wait3A_441 = tpu.memref_slice %arg7[%rem3A_429, %dma_wait3A_439, %dma_wait3A_440] : memref<8x40x128xf32, #tpu.memory_space<vmem>> -> memref<1x40x128xf32, #tpu.memory_space<vmem>>
      %dma_wait3A_442 = tpu.memref_squeeze %dma_wait3A_441 : memref<1x40x128xf32, #tpu.memory_space<vmem>> -> memref<40x128xf32, #tpu.memory_space<vmem>>
      %dma_wait3A_443 = arith.constant 0 : i32
      %dma_wait3A_444 = tpu.memref_slice %arg5[%rem3A_431, %dma_wait3A_443] : memref<8x40xi32, #tpu.memory_space<vmem>> -> memref<1x40xi32, #tpu.memory_space<vmem>>
      %dma_wait3A_445 = tpu.memref_squeeze %dma_wait3A_444 : memref<1x40xi32, #tpu.memory_space<vmem>> -> memref<40xi32, #tpu.memory_space<vmem>>
      %dma_wait3A_446 = arith.constant 0 : i32
      %dma_wait3A_447 = arith.constant 0 : i32
      %dma_wait3A_448 = tpu.memref_slice %arg2[%dma_wait3A_446, %dma_wait3A_447] : memref<10000x128xf32, #tpu.memory_space<hbm>> -> memref<10000x128xf32, #tpu.memory_space<hbm>>
      tpu.wait_indirect_dma semaphore(%arg9 : memref<!tpu.dma_semaphore, #tpu.memory_space<semaphore_mem>>) src(%dma_wait3A_448 : memref<10000x128xf32, #tpu.memory_space<hbm>>) dst(%dma_wait3A_442 : memref<40x128xf32, #tpu.memory_space<vmem>>)
      %dma_start3A_449 = arith.constant 0 : i32
      %dma_start3A_450 = arith.constant 0 : i32
      %dma_start3A_451 = tpu.memref_slice %arg7[%rem3A_429, %dma_start3A_449, %dma_start3A_450] : memref<8x40x128xf32, #tpu.memory_space<vmem>> -> memref<1x40x128xf32, #tpu.memory_space<vmem>>
      %dma_start3A_452 = tpu.memref_squeeze %dma_start3A_451 : memref<1x40x128xf32, #tpu.memory_space<vmem>> -> memref<40x128xf32, #tpu.memory_space<vmem>>
      %dma_start3A_453 = arith.constant 0 : i32
      %dma_start3A_454 = tpu.memref_slice %arg6[%rem3A_431, %dma_start3A_453] : memref<8x40xi32, #tpu.memory_space<vmem>> -> memref<1x40xi32, #tpu.memory_space<vmem>>
      %dma_start3A_455 = tpu.memref_squeeze %dma_start3A_454 : memref<1x40xi32, #tpu.memory_space<vmem>> -> memref<40xi32, #tpu.memory_space<vmem>>
      %dma_start3A_456 = arith.constant 0 : i32
      %dma_start3A_457 = arith.constant 0 : i32
      %dma_start3A_458 = tpu.memref_slice %arg8[%dma_start3A_456, %dma_start3A_457] : memref<10112x128xf32, #tpu.memory_space<vmem_shared>> -> memref<10112x128xf32, #tpu.memory_space<vmem_shared>>
      tpu.enqueue_indirect_dma source(%dma_start3A_452 : memref<40x128xf32, #tpu.memory_space<vmem>>) target(%dma_start3A_458 : memref<10112x128xf32, #tpu.memory_space<vmem_shared>>) offsets(%dma_start3A_455 : memref<40xi32, #tpu.memory_space<vmem>>) semaphore(%arg11 : memref<!tpu.dma_semaphore, #tpu.memory_space<semaphore_mem>>) {add = true}
      %ge3A = arith.constant 2 : i32
      %ge3A_459 = arith.cmpi sge, %scan3A_427, %ge3A : i32
      %convert_element_type3A_460 = arith.extui %ge3A_459 : i1 to i32
      %cond3A_461 = arith.constant 0 : i32
      %cond3A_462 = arith.cmpi ne, %convert_element_type3A_460, %cond3A_461 : i32
      scf.if %cond3A_462 {
        %dma_wait3A_470 = arith.constant 0 : i32
        %dma_wait3A_471 = arith.constant 0 : i32
        %dma_wait3A_472 = tpu.memref_slice %arg7[%rem3A_429, %dma_wait3A_470, %dma_wait3A_471] : memref<8x40x128xf32, #tpu.memory_space<vmem>> -> memref<1x40x128xf32, #tpu.memory_space<vmem>>
        %dma_wait3A_473 = tpu.memref_squeeze %dma_wait3A_472 : memref<1x40x128xf32, #tpu.memory_space<vmem>> -> memref<40x128xf32, #tpu.memory_space<vmem>>
        %dma_wait3A_474 = arith.constant 0 : i32
        %dma_wait3A_475 = tpu.memref_slice %arg6[%rem3A_431, %dma_wait3A_474] : memref<8x40xi32, #tpu.memory_space<vmem>> -> memref<1x40xi32, #tpu.memory_space<vmem>>
        %dma_wait3A_476 = tpu.memref_squeeze %dma_wait3A_475 : memref<1x40xi32, #tpu.memory_space<vmem>> -> memref<40xi32, #tpu.memory_space<vmem>>
        %dma_wait3A_477 = arith.constant 0 : i32
        %dma_wait3A_478 = arith.constant 0 : i32
        %dma_wait3A_479 = tpu.memref_slice %arg8[%dma_wait3A_477, %dma_wait3A_478] : memref<10112x128xf32, #tpu.memory_space<vmem_shared>> -> memref<10112x128xf32, #tpu.memory_space<vmem_shared>>
        tpu.wait_indirect_dma semaphore(%arg11 : memref<!tpu.dma_semaphore, #tpu.memory_space<semaphore_mem>>) src(%dma_wait3A_473 : memref<40x128xf32, #tpu.memory_space<vmem>>) dst(%dma_wait3A_479 : memref<10112x128xf32, #tpu.memory_space<vmem_shared>>)
      } else {
      }
      %add3A_463 = arith.constant 6 : i32
      %add3A_464 = arith.addi %scan3A_427, %add3A_463 : i32
      %lt3A_465 = arith.constant 250 : i32
      %lt3A_466 = arith.cmpi slt, %add3A_464, %lt3A_465 : i32
      %convert_element_type3A_467 = arith.extui %lt3A_466 : i1 to i32
      %cond3A_468 = arith.constant 0 : i32
      %cond3A_469 = arith.cmpi ne, %convert_element_type3A_467, %cond3A_468 : i32
      scf.if %cond3A_469 {
        %add3A_470 = arith.constant 6 : i32
        %add3A_471 = arith.addi %scan3A_427, %add3A_470 : i32
        %rem3A_472 = arith.constant 8 : i32
        %rem3A_473 = arith.remsi %add3A_471, %rem3A_472 : i32
        %mul3A_474 = arith.constant 40 : i32
        %mul3A_475 = arith.muli %add3A_471, %mul3A_474 : i32
        %add3A_476 = arith.addi %mul3A_2, %mul3A_475 : i32
        %dma_wait3A_477 = arith.constant 0 : i32
        %dma_wait3A_478 = tpu.memref_slice %arg5[%rem3A_473, %dma_wait3A_477] : memref<8x40xi32, #tpu.memory_space<vmem>> -> memref<1x40xi32, #tpu.memory_space<vmem>>
        %dma_wait3A_479 = tpu.memref_squeeze %dma_wait3A_478 : memref<1x40xi32, #tpu.memory_space<vmem>> -> memref<40xi32, #tpu.memory_space<vmem>>
        %dma_wait3A_480 = tpu.memref_slice %arg3[%add3A_476] : memref<640000xi32, #tpu.memory_space<hbm>> -> memref<40xi32, #tpu.memory_space<hbm>>
        %dma_wait3A_481 = arith.constant 0 : i32
        %dma_wait3A_482 = tpu.memref_slice %arg5[%rem3A_473, %dma_wait3A_481] : memref<8x40xi32, #tpu.memory_space<vmem>> -> memref<1x40xi32, #tpu.memory_space<vmem>>
        %dma_wait3A_483 = tpu.memref_squeeze %dma_wait3A_482 : memref<1x40xi32, #tpu.memory_space<vmem>> -> memref<40xi32, #tpu.memory_space<vmem>>
        %dma_wait3A_484 = tpu.memref_slice %arg3[%add3A_476] : memref<640000xi32, #tpu.memory_space<hbm>> -> memref<40xi32, #tpu.memory_space<hbm>>
        tpu.wait_dma2 semaphore(%arg10 : memref<!tpu.dma_semaphore, #tpu.memory_space<semaphore_mem>>) src(%dma_wait3A_484 : memref<40xi32, #tpu.memory_space<hbm>>) dst(%dma_wait3A_483 : memref<40xi32, #tpu.memory_space<vmem>>)
        %add3A_485 = arith.constant 320000 : i32
        %add3A_486 = arith.addi %add3A_485, %add3A_476 : i32
        %dma_wait3A_487 = arith.constant 0 : i32
        %dma_wait3A_488 = tpu.memref_slice %arg6[%rem3A_473, %dma_wait3A_487] : memref<8x40xi32, #tpu.memory_space<vmem>> -> memref<1x40xi32, #tpu.memory_space<vmem>>
        %dma_wait3A_489 = tpu.memref_squeeze %dma_wait3A_488 : memref<1x40xi32, #tpu.memory_space<vmem>> -> memref<40xi32, #tpu.memory_space<vmem>>
        %dma_wait3A_490 = tpu.memref_slice %arg3[%add3A_486] : memref<640000xi32, #tpu.memory_space<hbm>> -> memref<40xi32, #tpu.memory_space<hbm>>
        %dma_wait3A_491 = arith.constant 0 : i32
        %dma_wait3A_492 = tpu.memref_slice %arg6[%rem3A_473, %dma_wait3A_491] : memref<8x40xi32, #tpu.memory_space<vmem>> -> memref<1x40xi32, #tpu.memory_space<vmem>>
        %dma_wait3A_493 = tpu.memref_squeeze %dma_wait3A_492 : memref<1x40xi32, #tpu.memory_space<vmem>> -> memref<40xi32, #tpu.memory_space<vmem>>
        %dma_wait3A_494 = tpu.memref_slice %arg3[%add3A_486] : memref<640000xi32, #tpu.memory_space<hbm>> -> memref<40xi32, #tpu.memory_space<hbm>>
        tpu.wait_dma2 semaphore(%arg10 : memref<!tpu.dma_semaphore, #tpu.memory_space<semaphore_mem>>) src(%dma_wait3A_494 : memref<40xi32, #tpu.memory_space<hbm>>) dst(%dma_wait3A_493 : memref<40xi32, #tpu.memory_space<vmem>>)
        %add3A_495 = arith.constant 6 : i32
        %add3A_496 = arith.addi %scan3A_427, %add3A_495 : i32
        %rem3A_497 = arith.constant 8 : i32
        %rem3A_498 = arith.remsi %add3A_496, %rem3A_497 : i32
        %add3A_499 = arith.constant 6 : i32
        %add3A_500 = arith.addi %scan3A_427, %add3A_499 : i32
        %rem3A_501 = arith.constant 8 : i32
        %rem3A_502 = arith.remsi %add3A_500, %rem3A_501 : i32
        %dma_start3A_503 = arith.constant 0 : i32
        %dma_start3A_504 = arith.constant 0 : i32
        %dma_start3A_505 = tpu.memref_slice %arg7[%rem3A_502, %dma_start3A_503, %dma_start3A_504] : memref<8x40x128xf32, #tpu.memory_space<vmem>> -> memref<1x40x128xf32, #tpu.memory_space<vmem>>
        %dma_start3A_506 = tpu.memref_squeeze %dma_start3A_505 : memref<1x40x128xf32, #tpu.memory_space<vmem>> -> memref<40x128xf32, #tpu.memory_space<vmem>>
        %dma_start3A_507 = arith.constant 0 : i32
        %dma_start3A_508 = tpu.memref_slice %arg5[%rem3A_498, %dma_start3A_507] : memref<8x40xi32, #tpu.memory_space<vmem>> -> memref<1x40xi32, #tpu.memory_space<vmem>>
        %dma_start3A_509 = tpu.memref_squeeze %dma_start3A_508 : memref<1x40xi32, #tpu.memory_space<vmem>> -> memref<40xi32, #tpu.memory_space<vmem>>
        %dma_start3A_510 = arith.constant 0 : i32
        %dma_start3A_511 = arith.constant 0 : i32
        %dma_start3A_512 = tpu.memref_slice %arg2[%dma_start3A_510, %dma_start3A_511] : memref<10000x128xf32, #tpu.memory_space<hbm>> -> memref<10000x128xf32, #tpu.memory_space<hbm>>
        tpu.enqueue_indirect_dma source(%dma_start3A_512 : memref<10000x128xf32, #tpu.memory_space<hbm>>) target(%dma_start3A_506 : memref<40x128xf32, #tpu.memory_space<vmem>>) offsets(%dma_start3A_509 : memref<40xi32, #tpu.memory_space<vmem>>) semaphore(%arg9 : memref<!tpu.dma_semaphore, #tpu.memory_space<semaphore_mem>>)
      } else {
      }
    }
    %scan3A_391 = arith.constant 250 : i32
    %dma_wait3A_392 = arith.constant 0 : i32
    %dma_wait3A_393 = arith.constant 0 : i32
    %dma_wait3A_394 = arith.constant 0 : i32
    %dma_wait3A_395 = arith.constant 0 : i32
    %dma_wait3A_396 = tpu.memref_slice %arg7[%dma_wait3A_392, %dma_wait3A_394, %dma_wait3A_395] : memref<8x40x128xf32, #tpu.memory_space<vmem>> -> memref<1x40x128xf32, #tpu.memory_space<vmem>>
    %dma_wait3A_397 = tpu.memref_squeeze %dma_wait3A_396 : memref<1x40x128xf32, #tpu.memory_space<vmem>> -> memref<40x128xf32, #tpu.memory_space<vmem>>
    %dma_wait3A_398 = arith.constant 0 : i32
    %dma_wait3A_399 = tpu.memref_slice %arg6[%dma_wait3A_393, %dma_wait3A_398] : memref<8x40xi32, #tpu.memory_space<vmem>> -> memref<1x40xi32, #tpu.memory_space<vmem>>
    %dma_wait3A_400 = tpu.memref_squeeze %dma_wait3A_399 : memref<1x40xi32, #tpu.memory_space<vmem>> -> memref<40xi32, #tpu.memory_space<vmem>>
    %dma_wait3A_401 = arith.constant 0 : i32
    %dma_wait3A_402 = arith.constant 0 : i32
    %dma_wait3A_403 = tpu.memref_slice %arg8[%dma_wait3A_401, %dma_wait3A_402] : memref<10112x128xf32, #tpu.memory_space<vmem_shared>> -> memref<10112x128xf32, #tpu.memory_space<vmem_shared>>
    tpu.wait_indirect_dma semaphore(%arg11 : memref<!tpu.dma_semaphore, #tpu.memory_space<semaphore_mem>>) src(%dma_wait3A_397 : memref<40x128xf32, #tpu.memory_space<vmem>>) dst(%dma_wait3A_403 : memref<10112x128xf32, #tpu.memory_space<vmem_shared>>)
    %dma_wait3A_404 = arith.constant 1 : i32
    %dma_wait3A_405 = arith.constant 0 : i32
    %dma_wait3A_406 = arith.constant 0 : i32
    %dma_wait3A_407 = arith.constant 0 : i32
    %dma_wait3A_408 = tpu.memref_slice %arg7[%dma_wait3A_404, %dma_wait3A_406, %dma_wait3A_407] : memref<8x40x128xf32, #tpu.memory_space<vmem>> -> memref<1x40x128xf32, #tpu.memory_space<vmem>>
    %dma_wait3A_409 = tpu.memref_squeeze %dma_wait3A_408 : memref<1x40x128xf32, #tpu.memory_space<vmem>> -> memref<40x128xf32, #tpu.memory_space<vmem>>
    %dma_wait3A_410 = arith.constant 0 : i32
    %dma_wait3A_411 = tpu.memref_slice %arg6[%dma_wait3A_405, %dma_wait3A_410] : memref<8x40xi32, #tpu.memory_space<vmem>> -> memref<1x40xi32, #tpu.memory_space<vmem>>
    %dma_wait3A_412 = tpu.memref_squeeze %dma_wait3A_411 : memref<1x40xi32, #tpu.memory_space<vmem>> -> memref<40xi32, #tpu.memory_space<vmem>>
    %dma_wait3A_413 = arith.constant 0 : i32
    %dma_wait3A_414 = arith.constant 0 : i32
    %dma_wait3A_415 = tpu.memref_slice %arg8[%dma_wait3A_413, %dma_wait3A_414] : memref<10112x128xf32, #tpu.memory_space<vmem_shared>> -> memref<10112x128xf32, #tpu.memory_space<vmem_shared>>
    tpu.wait_indirect_dma semaphore(%arg11 : memref<!tpu.dma_semaphore, #tpu.memory_space<semaphore_mem>>) src(%dma_wait3A_409 : memref<40x128xf32, #tpu.memory_space<vmem>>) dst(%dma_wait3A_415 : memref<10112x128xf32, #tpu.memory_space<vmem_shared>>)
    %barrier3A_416 = arith.constant 0 : index
    tpu.barrier barrier_id(%barrier3A_416)
    %lt3A_417 = arith.constant 15 : i32
    %lt3A_418 = arith.cmpi slt, %arg1, %lt3A_417 : i32
    %convert_element_type3A_419 = arith.extui %lt3A_418 : i1 to i32
    %cond3A_420 = arith.constant 0 : i32
    %cond3A_421 = arith.cmpi ne, %convert_element_type3A_419, %cond3A_420 : i32
    scf.if %cond3A_421 {
      %mul3A_427 = arith.constant 632 : i32
      %mul3A_428 = arith.muli %arg1, %mul3A_427 : i32
      %mul3A_429 = arith.constant 632 : i32
      %mul3A_430 = arith.muli %arg1, %mul3A_429 : i32
      "tpu.region"() ({
        %run_scoped3A = tpu.sem_alloc : memref<!tpu.dma_semaphore, #tpu.memory_space<semaphore_mem>>
        %dma_start3A_431 = arith.constant 0 : i32
        %dma_start3A_432 = tpu.memref_slice %arg4[%arg0, %mul3A_430, %dma_start3A_431] : memref<2x10000x128xf32, #tpu.memory_space<hbm>> -> memref<1x632x128xf32, #tpu.memory_space<hbm>>
        %dma_start3A_433 = tpu.memref_squeeze %dma_start3A_432 : memref<1x632x128xf32, #tpu.memory_space<hbm>> -> memref<632x128xf32, #tpu.memory_space<hbm>>
        %dma_start3A_434 = arith.constant 0 : i32
        %dma_start3A_435 = tpu.memref_slice %arg8[%mul3A_428, %dma_start3A_434] : memref<10112x128xf32, #tpu.memory_space<vmem_shared>> -> memref<632x128xf32, #tpu.memory_space<vmem_shared>>
        tpu.enqueue_dma source(%dma_start3A_435 : memref<632x128xf32, #tpu.memory_space<vmem_shared>>) target(%dma_start3A_433 : memref<632x128xf32, #tpu.memory_space<hbm>>) target_semaphore(%run_scoped3A : memref<!tpu.dma_semaphore, #tpu.memory_space<semaphore_mem>>)
        %dma_wait3A_436 = arith.constant 0 : i32
        %dma_wait3A_437 = tpu.memref_slice %arg4[%arg0, %mul3A_430, %dma_wait3A_436] : memref<2x10000x128xf32, #tpu.memory_space<hbm>> -> memref<1x632x128xf32, #tpu.memory_space<hbm>>
        %dma_wait3A_438 = tpu.memref_squeeze %dma_wait3A_437 : memref<1x632x128xf32, #tpu.memory_space<hbm>> -> memref<632x128xf32, #tpu.memory_space<hbm>>
        %dma_wait3A_439 = arith.constant 0 : i32
        %dma_wait3A_440 = tpu.memref_slice %arg8[%mul3A_428, %dma_wait3A_439] : memref<10112x128xf32, #tpu.memory_space<vmem_shared>> -> memref<632x128xf32, #tpu.memory_space<vmem_shared>>
        tpu.wait_dma2 semaphore(%run_scoped3A : memref<!tpu.dma_semaphore, #tpu.memory_space<semaphore_mem>>) src(%dma_wait3A_440 : memref<632x128xf32, #tpu.memory_space<vmem_shared>>) dst(%dma_wait3A_438 : memref<632x128xf32, #tpu.memory_space<hbm>>)
        tpu.yield
      }) : () -> ()
    } else {
    }
    %eq3A_422 = arith.constant 15 : i32
    %eq3A_423 = arith.cmpi eq, %arg1, %eq3A_422 : i32
    %convert_element_type3A_424 = arith.extui %eq3A_423 : i1 to i32
    %cond3A_425 = arith.constant 0 : i32
    %cond3A_426 = arith.cmpi ne, %convert_element_type3A_424, %cond3A_425 : i32
    scf.if %cond3A_426 {
      "tpu.region"() ({
        %run_scoped3A = tpu.sem_alloc : memref<!tpu.dma_semaphore, #tpu.memory_space<semaphore_mem>>
        %dma_start3A_427 = arith.constant 9480 : i32
        %dma_start3A_428 = arith.constant 0 : i32
        %dma_start3A_429 = tpu.memref_slice %arg4[%arg0, %dma_start3A_427, %dma_start3A_428] : memref<2x10000x128xf32, #tpu.memory_space<hbm>> -> memref<1x520x128xf32, #tpu.memory_space<hbm>>
        %dma_start3A_430 = tpu.memref_squeeze %dma_start3A_429 : memref<1x520x128xf32, #tpu.memory_space<hbm>> -> memref<520x128xf32, #tpu.memory_space<hbm>>
        %dma_start3A_431 = arith.constant 9480 : i32
        %dma_start3A_432 = arith.constant 0 : i32
        %dma_start3A_433 = tpu.memref_slice %arg8[%dma_start3A_431, %dma_start3A_432] : memref<10112x128xf32, #tpu.memory_space<vmem_shared>> -> memref<520x128xf32, #tpu.memory_space<vmem_shared>>
        tpu.enqueue_dma source(%dma_start3A_433 : memref<520x128xf32, #tpu.memory_space<vmem_shared>>) target(%dma_start3A_430 : memref<520x128xf32, #tpu.memory_space<hbm>>) target_semaphore(%run_scoped3A : memref<!tpu.dma_semaphore, #tpu.memory_space<semaphore_mem>>)
        %dma_wait3A_434 = arith.constant 9480 : i32
        %dma_wait3A_435 = arith.constant 0 : i32
        %dma_wait3A_436 = tpu.memref_slice %arg4[%arg0, %dma_wait3A_434, %dma_wait3A_435] : memref<2x10000x128xf32, #tpu.memory_space<hbm>> -> memref<1x520x128xf32, #tpu.memory_space<hbm>>
        %dma_wait3A_437 = tpu.memref_squeeze %dma_wait3A_436 : memref<1x520x128xf32, #tpu.memory_space<hbm>> -> memref<520x128xf32, #tpu.memory_space<hbm>>
        %dma_wait3A_438 = arith.constant 9480 : i32
        %dma_wait3A_439 = arith.constant 0 : i32
        %dma_wait3A_440 = tpu.memref_slice %arg8[%dma_wait3A_438, %dma_wait3A_439] : memref<10112x128xf32, #tpu.memory_space<vmem_shared>> -> memref<520x128xf32, #tpu.memory_space<vmem_shared>>
        tpu.wait_dma2 semaphore(%run_scoped3A : memref<!tpu.dma_semaphore, #tpu.memory_space<semaphore_mem>>) src(%dma_wait3A_440 : memref<520x128xf32, #tpu.memory_space<vmem_shared>>) dst(%dma_wait3A_437 : memref<520x128xf32, #tpu.memory_space<hbm>>)
        tpu.yield
      }) : () -> ()
    } else {
    }
    return
  }
}

module attributes {stable_mosaic.version = 14 : i64} {
  func.func @_final_body(%arg0: i32, %arg1: memref<2x2000x128xf32, #tpu.memory_space<vmem>>, %arg2: memref<2000x128xf32, #tpu.memory_space<vmem>>, %arg3: memref<2000x128xf32, #tpu.memory_space<vmem>>) attributes {dimension_semantics = [#tpu.dimension_semantics<arbitrary>], iteration_bounds = array<i64: 5>, scalar_prefetch = 0 : i64, scratch_operands = 0 : i64, tpu.core_type = #tpu.core_type<tc>, window_params = [{transform_indices = @transform_0, window_bounds = array<i64: 2, 2000, 128>}, {transform_indices = @transform_1, window_bounds = array<i64: 2000, 128>}, {transform_indices = @transform_2, window_bounds = array<i64: 2000, 128>}]} {
    %get3A = arith.constant 0 : index
    %get3A_0 = arith.constant 0 : index
    %get3A_1 = arith.constant 0 : index
    %get3A_2 = vector.load %arg1[%get3A, %get3A_0, %get3A_1] : memref<2x2000x128xf32, #tpu.memory_space<vmem>>, vector<1x2000x128xf32>
    %get3A_3 = vector.shape_cast %get3A_2 : vector<1x2000x128xf32> to vector<2000x128xf32>
    %get3A_4 = arith.constant 1 : index
    %get3A_5 = arith.constant 0 : index
    %get3A_6 = arith.constant 0 : index
    %get3A_7 = vector.load %arg1[%get3A_4, %get3A_5, %get3A_6] : memref<2x2000x128xf32, #tpu.memory_space<vmem>>, vector<1x2000x128xf32>
    %get3A_8 = vector.shape_cast %get3A_7 : vector<1x2000x128xf32> to vector<2000x128xf32>
    %add3A = arith.addf %get3A_3, %get3A_8 : vector<2000x128xf32>
    %get3A_9 = arith.constant 0 : index
    %get3A_10 = arith.constant 0 : index
    %get3A_11 = vector.load %arg2[%get3A_9, %get3A_10] : memref<2000x128xf32, #tpu.memory_space<vmem>>, vector<2000x128xf32>
    %sub3A = arith.subf %add3A, %get3A_11 : vector<2000x128xf32>
    %reduce_max3A = arith.constant dense<0xFF800000> : vector<2000xf32>
    %reduce_max3A_12 = vector.multi_reduction <maximumf>, %sub3A, %reduce_max3A [1] : vector<2000x128xf32> to vector<2000xf32>
    %broadcast_in_dim3A = vector.shape_cast %reduce_max3A_12 : vector<2000xf32> to vector<2000x1xf32>
    %sub3A_13 = vector.broadcast %broadcast_in_dim3A : vector<2000x1xf32> to vector<2000x128xf32>
    %sub3A_14 = arith.subf %sub3A, %sub3A_13 : vector<2000x128xf32>
    %exp3A = math.exp %sub3A_14 : vector<2000x128xf32>
    %sub3A_15 = vector.broadcast %broadcast_in_dim3A : vector<2000x1xf32> to vector<2000x128xf32>
    %sub3A_16 = arith.subf %sub3A, %sub3A_15 : vector<2000x128xf32>
    %reduce_sum3A = arith.constant dense<0.000000e+00> : vector<2000xf32>
    %reduce_sum3A_17 = vector.multi_reduction <add>, %exp3A, %reduce_sum3A [1] : vector<2000x128xf32> to vector<2000xf32>
    %broadcast_in_dim3A_18 = vector.shape_cast %reduce_sum3A_17 : vector<2000xf32> to vector<2000x1xf32>
    %log3A = math.log %broadcast_in_dim3A_18 : vector<2000x1xf32>
    %sub3A_19 = vector.broadcast %log3A : vector<2000x1xf32> to vector<2000x128xf32>
    %sub3A_20 = arith.subf %sub3A_16, %sub3A_19 : vector<2000x128xf32>
    %swap3A = arith.constant 0 : index
    %swap3A_21 = arith.constant 0 : index
    %swap3A_22 = vector.load %arg3[%swap3A, %swap3A_21] : memref<2000x128xf32, #tpu.memory_space<vmem>>, vector<2000x128xf32>
    tpu.vector_store %arg3[%swap3A, %swap3A_21], %sub3A_20 {strides = array<i32>} : memref<2000x128xf32, #tpu.memory_space<vmem>>, vector<2000x128xf32>,
    return
  }
  func.func @transform_0(%arg0: i32) -> (i32, i32, i32) {
    %c0_i32 = arith.constant 0 : i32
    %c0_i32_0 = arith.constant 0 : i32
    %c0_i32_1 = arith.constant 0 : i32
    return %c0_i32, %arg0, %c0_i32_0 : i32, i32, i32
  }
  func.func @transform_1(%arg0: i32) -> (i32, i32) {
    %c0_i32 = arith.constant 0 : i32
    %c0_i32_0 = arith.constant 0 : i32
    return %arg0, %c0_i32 : i32, i32
  }
  func.func @transform_2(%arg0: i32) -> (i32, i32) {
    %c0_i32 = arith.constant 0 : i32
    %c0_i32_0 = arith.constant 0 : i32
    return %arg0, %c0_i32 : i32, i32
  }
}

module attributes {stable_mosaic.version = 14 : i64} {
  func.func @_mm1_body(%arg0: i32, %arg1: memref<2000x128xf32, #tpu.memory_space<vmem>>, %arg2: memref<128x128xf32, #tpu.memory_space<vmem>>, %arg3: memref<1x128xf32, #tpu.memory_space<vmem>>, %arg4: memref<128x128xf32, #tpu.memory_space<vmem>>, %arg5: memref<1x128xf32, #tpu.memory_space<vmem>>, %arg6: memref<2000x128xf32, #tpu.memory_space<vmem>>) attributes {dimension_semantics = [#tpu.dimension_semantics<arbitrary>], iteration_bounds = array<i64: 5>, scalar_prefetch = 0 : i64, scratch_operands = 0 : i64, tpu.core_type = #tpu.core_type<tc>, window_params = [{transform_indices = @transform_0, window_bounds = array<i64: 2000, 128>}, {pipeline_mode = #tpu.pipeline_mode<synchronous>, transform_indices = @transform_1, window_bounds = array<i64: 128, 128>}, {pipeline_mode = #tpu.pipeline_mode<synchronous>, transform_indices = @transform_2, window_bounds = array<i64: 1, 128>}, {pipeline_mode = #tpu.pipeline_mode<synchronous>, transform_indices = @transform_3, window_bounds = array<i64: 128, 128>}, {pipeline_mode = #tpu.pipeline_mode<synchronous>, transform_indices = @transform_4, window_bounds = array<i64: 1, 128>}, {transform_indices = @transform_5, window_bounds = array<i64: 2000, 128>}]} {
    %get3A = arith.constant 0 : index
    %get3A_0 = arith.constant 0 : index
    %get3A_1 = vector.load %arg2[%get3A, %get3A_0] : memref<128x128xf32, #tpu.memory_space<vmem>>, vector<128x128xf32>
    %get3A_2 = arith.constant 0 : index
    %get3A_3 = arith.constant 0 : index
    %get3A_4 = vector.load %arg4[%get3A_2, %get3A_3] : memref<128x128xf32, #tpu.memory_space<vmem>>, vector<128x128xf32>
    %dot_general3A = arith.constant dense<0.000000e+00> : vector<128x128xf32>
    %dot_general3A_5 = tpu.matmul %get3A_1, %get3A_4, %dot_general3A {dimension_numbers = #tpu.dot_dimension_numbers<[0], [1], [1], [0], [0, 1, 1, 0], [], []>, transpose_lhs_hint = false} : vector<128x128xf32>, vector<128x128xf32>, vector<128x128xf32> -> vector<128x128xf32>
    %get3A_6 = arith.constant 0 : index
    %get3A_7 = arith.constant 0 : index
    %get3A_8 = vector.load %arg3[%get3A_6, %get3A_7] : memref<1x128xf32, #tpu.memory_space<vmem>>, vector<1x128xf32>
    %get3A_9 = arith.constant 0 : index
    %get3A_10 = arith.constant 0 : index
    %get3A_11 = vector.load %arg4[%get3A_9, %get3A_10] : memref<128x128xf32, #tpu.memory_space<vmem>>, vector<128x128xf32>
    %dot_general3A_12 = arith.constant dense<0.000000e+00> : vector<1x128xf32>
    %dot_general3A_13 = tpu.matmul %get3A_8, %get3A_11, %dot_general3A_12 {dimension_numbers = #tpu.dot_dimension_numbers<[1], [1], [0], [0], [0, 0, 1, 0], [], []>, transpose_lhs_hint = false} : vector<1x128xf32>, vector<128x128xf32>, vector<1x128xf32> -> vector<1x128xf32>
    %get3A_14 = arith.constant 0 : index
    %get3A_15 = arith.constant 0 : index
    %get3A_16 = vector.load %arg5[%get3A_14, %get3A_15] : memref<1x128xf32, #tpu.memory_space<vmem>>, vector<1x128xf32>
    %add3A = arith.addf %dot_general3A_13, %get3A_16 : vector<1x128xf32>
    %get3A_17 = arith.constant 0 : index
    %get3A_18 = arith.constant 0 : index
    %get3A_19 = vector.load %arg1[%get3A_17, %get3A_18] : memref<2000x128xf32, #tpu.memory_space<vmem>>, vector<2000x128xf32>
    %dot_general3A_20 = arith.constant dense<0.000000e+00> : vector<2000x128xf32>
    %dot_general3A_21 = tpu.matmul %get3A_19, %dot_general3A_5, %dot_general3A_20 {dimension_numbers = #tpu.dot_dimension_numbers<[1], [0], [0], [1], [0, 0, 1, 1], [], []>, transpose_lhs_hint = false} : vector<2000x128xf32>, vector<128x128xf32>, vector<2000x128xf32> -> vector<2000x128xf32>
    %add3A_22 = vector.broadcast %add3A : vector<1x128xf32> to vector<2000x128xf32>
    %add3A_23 = arith.addf %dot_general3A_21, %add3A_22 : vector<2000x128xf32>
    %swap3A = arith.constant 0 : index
    %swap3A_24 = arith.constant 0 : index
    %swap3A_25 = vector.load %arg6[%swap3A, %swap3A_24] : memref<2000x128xf32, #tpu.memory_space<vmem>>, vector<2000x128xf32>
    tpu.vector_store %arg6[%swap3A, %swap3A_24], %add3A_23 {strides = array<i32>} : memref<2000x128xf32, #tpu.memory_space<vmem>>, vector<2000x128xf32>,
    return
  }
  func.func @transform_0(%arg0: i32) -> (i32, i32) {
    %c0_i32 = arith.constant 0 : i32
    %c0_i32_0 = arith.constant 0 : i32
    return %arg0, %c0_i32 : i32, i32
  }
  func.func @transform_1(%arg0: i32) -> (i32, i32) {
    %c0_i32 = arith.constant 0 : i32
    %c0_i32_0 = arith.constant 0 : i32
    %c0_i32_1 = arith.constant 0 : i32
    return %c0_i32, %c0_i32_0 : i32, i32
  }
  func.func @transform_2(%arg0: i32) -> (i32, i32) {
    %c0_i32 = arith.constant 0 : i32
    %c0_i32_0 = arith.constant 0 : i32
    %c0_i32_1 = arith.constant 0 : i32
    return %c0_i32, %c0_i32_0 : i32, i32
  }
  func.func @transform_3(%arg0: i32) -> (i32, i32) {
    %c0_i32 = arith.constant 0 : i32
    %c0_i32_0 = arith.constant 0 : i32
    %c0_i32_1 = arith.constant 0 : i32
    return %c0_i32, %c0_i32_0 : i32, i32
  }
  func.func @transform_4(%arg0: i32) -> (i32, i32) {
    %c0_i32 = arith.constant 0 : i32
    %c0_i32_0 = arith.constant 0 : i32
    %c0_i32_1 = arith.constant 0 : i32
    return %c0_i32, %c0_i32_0 : i32, i32
  }
  func.func @transform_5(%arg0: i32) -> (i32, i32) {
    %c0_i32 = arith.constant 0 : i32
    %c0_i32_0 = arith.constant 0 : i32
    return %arg0, %c0_i32 : i32, i32
  }
}

module attributes {stable_mosaic.version = 14 : i64} {
  func.func @_mm2_body(%arg0: i32, %arg1: memref<2x2000x128xf32, #tpu.memory_space<vmem>>, %arg2: memref<2000x128xf32, #tpu.memory_space<vmem>>, %arg3: memref<128x128xf32, #tpu.memory_space<vmem>>, %arg4: memref<1x128xf32, #tpu.memory_space<vmem>>, %arg5: memref<128x128xf32, #tpu.memory_space<vmem>>, %arg6: memref<1x128xf32, #tpu.memory_space<vmem>>, %arg7: memref<2000x128xf32, #tpu.memory_space<vmem>>) attributes {dimension_semantics = [#tpu.dimension_semantics<arbitrary>], iteration_bounds = array<i64: 5>, scalar_prefetch = 0 : i64, scratch_operands = 0 : i64, tpu.core_type = #tpu.core_type<tc>, window_params = [{transform_indices = @transform_0, window_bounds = array<i64: 2, 2000, 128>}, {transform_indices = @transform_1, window_bounds = array<i64: 2000, 128>}, {pipeline_mode = #tpu.pipeline_mode<synchronous>, transform_indices = @transform_2, window_bounds = array<i64: 128, 128>}, {pipeline_mode = #tpu.pipeline_mode<synchronous>, transform_indices = @transform_3, window_bounds = array<i64: 1, 128>}, {pipeline_mode = #tpu.pipeline_mode<synchronous>, transform_indices = @transform_4, window_bounds = array<i64: 128, 128>}, {pipeline_mode = #tpu.pipeline_mode<synchronous>, transform_indices = @transform_5, window_bounds = array<i64: 1, 128>}, {transform_indices = @transform_6, window_bounds = array<i64: 2000, 128>}]} {
    %get3A = arith.constant 0 : index
    %get3A_0 = arith.constant 0 : index
    %get3A_1 = vector.load %arg3[%get3A, %get3A_0] : memref<128x128xf32, #tpu.memory_space<vmem>>, vector<128x128xf32>
    %get3A_2 = arith.constant 0 : index
    %get3A_3 = arith.constant 0 : index
    %get3A_4 = vector.load %arg5[%get3A_2, %get3A_3] : memref<128x128xf32, #tpu.memory_space<vmem>>, vector<128x128xf32>
    %dot_general3A = arith.constant dense<0.000000e+00> : vector<128x128xf32>
    %dot_general3A_5 = tpu.matmul %get3A_1, %get3A_4, %dot_general3A {dimension_numbers = #tpu.dot_dimension_numbers<[0], [1], [1], [0], [0, 1, 1, 0], [], []>, transpose_lhs_hint = false} : vector<128x128xf32>, vector<128x128xf32>, vector<128x128xf32> -> vector<128x128xf32>
    %get3A_6 = arith.constant 0 : index
    %get3A_7 = arith.constant 0 : index
    %get3A_8 = vector.load %arg4[%get3A_6, %get3A_7] : memref<1x128xf32, #tpu.memory_space<vmem>>, vector<1x128xf32>
    %get3A_9 = arith.constant 0 : index
    %get3A_10 = arith.constant 0 : index
    %get3A_11 = vector.load %arg5[%get3A_9, %get3A_10] : memref<128x128xf32, #tpu.memory_space<vmem>>, vector<128x128xf32>
    %dot_general3A_12 = arith.constant dense<0.000000e+00> : vector<1x128xf32>
    %dot_general3A_13 = tpu.matmul %get3A_8, %get3A_11, %dot_general3A_12 {dimension_numbers = #tpu.dot_dimension_numbers<[1], [1], [0], [0], [0, 0, 1, 0], [], []>, transpose_lhs_hint = false} : vector<1x128xf32>, vector<128x128xf32>, vector<1x128xf32> -> vector<1x128xf32>
    %get3A_14 = arith.constant 0 : index
    %get3A_15 = arith.constant 0 : index
    %get3A_16 = vector.load %arg6[%get3A_14, %get3A_15] : memref<1x128xf32, #tpu.memory_space<vmem>>, vector<1x128xf32>
    %add3A = arith.addf %dot_general3A_13, %get3A_16 : vector<1x128xf32>
    %get3A_17 = arith.constant 0 : index
    %get3A_18 = arith.constant 0 : index
    %get3A_19 = arith.constant 0 : index
    %get3A_20 = vector.load %arg1[%get3A_17, %get3A_18, %get3A_19] : memref<2x2000x128xf32, #tpu.memory_space<vmem>>, vector<1x2000x128xf32>
    %get3A_21 = vector.shape_cast %get3A_20 : vector<1x2000x128xf32> to vector<2000x128xf32>
    %get3A_22 = arith.constant 1 : index
    %get3A_23 = arith.constant 0 : index
    %get3A_24 = arith.constant 0 : index
    %get3A_25 = vector.load %arg1[%get3A_22, %get3A_23, %get3A_24] : memref<2x2000x128xf32, #tpu.memory_space<vmem>>, vector<1x2000x128xf32>
    %get3A_26 = vector.shape_cast %get3A_25 : vector<1x2000x128xf32> to vector<2000x128xf32>
    %add3A_27 = arith.addf %get3A_21, %get3A_26 : vector<2000x128xf32>
    %get3A_28 = arith.constant 0 : index
    %get3A_29 = arith.constant 0 : index
    %get3A_30 = vector.load %arg2[%get3A_28, %get3A_29] : memref<2000x128xf32, #tpu.memory_space<vmem>>, vector<2000x128xf32>
    %sub3A = arith.subf %add3A_27, %get3A_30 : vector<2000x128xf32>
    %dot_general3A_31 = arith.constant dense<0.000000e+00> : vector<2000x128xf32>
    %dot_general3A_32 = tpu.matmul %sub3A, %dot_general3A_5, %dot_general3A_31 {dimension_numbers = #tpu.dot_dimension_numbers<[1], [0], [0], [1], [0, 0, 1, 1], [], []>, transpose_lhs_hint = false} : vector<2000x128xf32>, vector<128x128xf32>, vector<2000x128xf32> -> vector<2000x128xf32>
    %add3A_33 = vector.broadcast %add3A : vector<1x128xf32> to vector<2000x128xf32>
    %add3A_34 = arith.addf %dot_general3A_32, %add3A_33 : vector<2000x128xf32>
    %swap3A = arith.constant 0 : index
    %swap3A_35 = arith.constant 0 : index
    %swap3A_36 = vector.load %arg7[%swap3A, %swap3A_35] : memref<2000x128xf32, #tpu.memory_space<vmem>>, vector<2000x128xf32>
    tpu.vector_store %arg7[%swap3A, %swap3A_35], %add3A_34 {strides = array<i32>} : memref<2000x128xf32, #tpu.memory_space<vmem>>, vector<2000x128xf32>,
    return
  }
  func.func @transform_0(%arg0: i32) -> (i32, i32, i32) {
    %c0_i32 = arith.constant 0 : i32
    %c0_i32_0 = arith.constant 0 : i32
    %c0_i32_1 = arith.constant 0 : i32
    return %c0_i32, %arg0, %c0_i32_0 : i32, i32, i32
  }
  func.func @transform_1(%arg0: i32) -> (i32, i32) {
    %c0_i32 = arith.constant 0 : i32
    %c0_i32_0 = arith.constant 0 : i32
    return %arg0, %c0_i32 : i32, i32
  }
  func.func @transform_2(%arg0: i32) -> (i32, i32) {
    %c0_i32 = arith.constant 0 : i32
    %c0_i32_0 = arith.constant 0 : i32
    %c0_i32_1 = arith.constant 0 : i32
    return %c0_i32, %c0_i32_0 : i32, i32
  }
  func.func @transform_3(%arg0: i32) -> (i32, i32) {
    %c0_i32 = arith.constant 0 : i32
    %c0_i32_0 = arith.constant 0 : i32
    %c0_i32_1 = arith.constant 0 : i32
    return %c0_i32, %c0_i32_0 : i32, i32
  }
  func.func @transform_4(%arg0: i32) -> (i32, i32) {
    %c0_i32 = arith.constant 0 : i32
    %c0_i32_0 = arith.constant 0 : i32
    %c0_i32_1 = arith.constant 0 : i32
    return %c0_i32, %c0_i32_0 : i32, i32
  }
  func.func @transform_5(%arg0: i32) -> (i32, i32) {
    %c0_i32 = arith.constant 0 : i32
    %c0_i32_0 = arith.constant 0 : i32
    %c0_i32_1 = arith.constant 0 : i32
    return %c0_i32, %c0_i32_0 : i32, i32
  }
  func.func @transform_6(%arg0: i32) -> (i32, i32) {
    %c0_i32 = arith.constant 0 : i32
    %c0_i32_0 = arith.constant 0 : i32
    return %arg0, %c0_i32 : i32, i32
  }
}

</mosaic_0001>

<sc_bundles>
// kernel: kernel.10.cloned.1.call-start
scs
__scs_entry_jumppad:
0x0: {  	(pc) =	sbr.rel $0x88, $3  }
0x1: {  	(tag) =	ssettag $0x0;
	lr =	simm.s32 $0x1  }
0x2: {  	[smem:$0x3F9B] =	sst lr;
	_ =	strace $0xD0000000  }
0x3: {  	_ = 	snop  }
0x4: {  	_ = 	snop  }
0x5: {  	_ = 	snop  }
0x6: {  	_ = 	snop  }
0x7: {  	_ = 	snop  }
__scs_overlays_trampoline_lowered:
0x8: {  	[smem:$0x3FAA] =	sst s0  }
0x9: {  	[smem:$0x3FAB] =	sst s1  }
0xa: {  	[smem:$0x3FAC] =	sst s2  }
0xb: {  	[smem:$0x3FAD] =	sst s3  }
0xc: {  	[smem:$0x3FAE] =	sst s4  }
0xd: {  	[smem:$0x3FAF] =	sst s5  }
0xe: {  	[smem:$0x3FB0] =	sst s6  }
0xf: {  	[smem:$0x3FB1] =	sst s7  }
0x10: {  	[smem:$0x3FB2] =	sst s8  }
0x11: {  	[smem:$0x3FB3] =	sst s9;
	s0 =	simm.s32 @!p0 $0x0  }
0x12: {  	s1 =	sld [smem:$0x3F99];
	s0 =	simm.s32 @p0 $0x1  }
0x13: {  	[smem:$0x3FB4] =	sst s0;
	s0 =	simm.s32 @!p1 $0x0  }
0x14: {  	s2 =	sld [smem:$0x3F98];
	s0 =	simm.s32 @p1 $0x1  }
0x15: {  	[smem:$0x3FB5] =	sst s0;
	s0 =	simm.s32 @!p2 $0x0  }
0x16: {  	s3 =	sld [smem:$0x3FDB];
	s0 =	simm.s32 @p2 $0x1  }
0x17: {  	s4 =	simm.s32 $0x1BF5;
	[smem:$0x3FB7] =	sst s0  }
0x18: {  	s0 =	sld [smem:$0x3F9A];
	_ =	swait.ge [sflag:s4], $0x0  }
0x19: {  	s7 =	sld [smem:$0x3F9B]  }
0x1a: {  	s8 =	sadd.s32 $0xFFFFE003, lr  }
0x1b: {  	s9 =	sadd.s32 $0xFFFFFEF7, lr;
	s5 =	simm.s32 $0xFFFFFFFF;
	p2 =	slt.u32 s8, $0xFFFFF086  }
0x1c: {  	p1 =	slt.u32 s9, $0xF7A;
	s5 =	simm.s32 @!p2 $0x0  }
0x1d: {  	s5 =	simm.s32 @p1 $0x1;
	p0 =	seq.s32 s7, s2  }
0x1e: {  	s7 =	smul.u32 @!p0 $0xF7A, s2;
	p2 =	seq.s32 @!p0 s5, $0x0  }
0x1f: {  	s9 =	smul.u32 $0xF7A, s1;
	s8 =	simm.s32 @!p0 $0x1BF5;
	p2 =	por !p2, p0  }
0x20: {  	[sflag:s8] =	ssyncset.s32 @!p0 $0xFFFFF086;
	s6 =	sadd.s32 @!p0 s3, s7;
	s7 =	simm.s32 @!p0 $0x108  }
0x21: {  	s3 =	sadd.s32 s3, s9;
	s6 =	sadd.s32 @!p0 $0x88, s6;
	s7 =	simm.s32 @p2 $0x1082  }
0x22: {  	[simem:s7], [sflag:s8] =	dma.local @!p0 [hbm:s6], $0xF7A  }
0x23: {  	s9 =	sor.u32 $0xD0000000, s2;
	s6 =	simm.s32 $0x108;
	_ =	swait.ge @!p0 [sflag:s8], $0x0  }
0x24: {  	s3 =	sadd.s32 $0x88, s3;
	s6 =	simm.s32 @!p1 $0x1082;
	[sflag:s4] =	ssyncset.s32 $0xFFFFF086  }
0x25: {  	[simem:s6], [sflag:s4] =	dma.local [hbm:s3], $0xF7A  }
0x26: {  	[smem:$0x3F9B] =	sst s1;
	(tag) =	ssettag s2;
	_ =	strace s9  }
0x27: {  	s1 =	sld [smem:$0x3FAB]  }
0x28: {  	s2 =	sld [smem:$0x3FAC]  }
0x29: {  	s4 =	sld [smem:$0x3FAE]  }
0x2a: {  	p0 =	seq.s32 s5, $0x0;
	s5 =	sld [smem:$0x3FAF]  }
0x2b: {  	s6 =	sld [smem:$0x3FB0]  }
0x2c: {  	s7 =	sld [smem:$0x3FB1]  }
0x2d: {  	s3 =	simm.s32 $0x108;
	s8 =	sld [smem:$0x3FB2]  }
0x2e: {  	s3 =	simm.s32 @!p0 $0x1082;
	s9 =	sld [smem:$0x3FB3]  }
0x2f: {  	lr =	sadd.s32 s0, s3;
	s0 =	sld [smem:$0x3FAA]  }
0x30: {  	s3 =	sld [smem:$0x3FAD]  }
0x31: {  	[smem:$0x3FB6] =	sst s10  }
0x32: {  	s10 =	sld [smem:$0x3FB4];
	_ =	sdelay $0x3  }
0x33: {  	p0 =	seq.s32 s10, $0x1;
	s10 =	sld [smem:$0x3FB6];
	_ =	sdelay $0x3  }
0x34: {  	[smem:$0x3FB6] =	sst s10  }
0x35: {  	s10 =	sld [smem:$0x3FB5];
	_ =	sdelay $0x3  }
0x36: {  	p1 =	seq.s32 s10, $0x1;
	s10 =	sld [smem:$0x3FB6];
	_ =	sdelay $0x3  }
0x37: {  	[smem:$0x3FB6] =	sst s10  }
0x38: {  	s10 =	sld [smem:$0x3FB7]  }
0x39: {  	_ = 	snop;
	(pc) =	sbr.ind lr, $3  }
0x3a: {  	_ = 	snop  }
0x3b: {  	_ = 	snop  }
0x3c: {  	p2 =	seq.s32 s10, $0x1;
	s10 =	sld [smem:$0x3FB6]  }
0x3d: {  	_ =	shalt  }
0x3e: {  	_ =	shalt  }
0x3f: {  	_ =	shalt  }
0x40: {  	_ =	shalt  }
0x41: {  	_ =	shalt  }
0x42: {  	_ =	shalt  }
0x43: {  	_ =	shalt  }
0x44: {  	_ =	shalt  }
0x45: {  	_ =	shalt  }
0x46: {  	_ =	shalt  }
0x47: {  	_ =	shalt  }
0x48: {  	_ =	shalt  }
0x49: {  	_ =	shalt  }
0x4a: {  	_ =	shalt  }
0x4b: {  	_ =	shalt  }
0x4c: {  	_ =	shalt  }
0x4d: {  	_ =	shalt  }
0x4e: {  	_ =	shalt  }
0x4f: {  	_ =	shalt  }
0x50: {  	_ =	shalt  }
0x51: {  	_ =	shalt  }
0x52: {  	_ =	shalt  }
0x53: {  	_ =	shalt  }
0x54: {  	_ =	shalt  }
0x55: {  	_ =	shalt  }
0x56: {  	_ =	shalt  }
0x57: {  	_ =	shalt  }
0x58: {  	_ =	shalt  }
0x59: {  	_ =	shalt  }
0x5a: {  	_ =	shalt  }
0x5b: {  	_ =	shalt  }
0x5c: {  	_ =	shalt  }
0x5d: {  	_ =	shalt  }
0x5e: {  	_ =	shalt  }
0x5f: {  	_ =	shalt  }
0x60: {  	_ =	shalt  }
0x61: {  	_ =	shalt  }
0x62: {  	_ =	shalt  }
0x63: {  	_ =	shalt  }
0x64: {  	_ =	shalt  }
0x65: {  	_ =	shalt  }
0x66: {  	_ =	shalt  }
0x67: {  	_ =	shalt  }
0x68: {  	_ =	shalt  }
0x69: {  	_ =	shalt  }
0x6a: {  	_ =	shalt  }
0x6b: {  	_ =	shalt  }
0x6c: {  	_ =	shalt  }
0x6d: {  	_ =	shalt  }
0x6e: {  	_ =	shalt  }
0x6f: {  	_ =	shalt  }
0x70: {  	_ =	shalt  }
0x71: {  	_ =	shalt  }
0x72: {  	_ =	shalt  }
0x73: {  	_ =	shalt  }
0x74: {  	_ =	shalt  }
0x75: {  	_ =	shalt  }
0x76: {  	_ =	shalt  }
0x77: {  	_ =	shalt  }
0x78: {  	_ =	shalt  }
0x79: {  	_ =	shalt  }
0x7a: {  	_ =	shalt  }
0x7b: {  	_ =	shalt  }
0x7c: {  	_ =	shalt  }
0x7d: {  	_ =	shalt  }
0x7e: {  	_ =	shalt  }
0x7f: {  	_ =	shalt  }
0x80: {  	_ =	shalt  }
0x81: {  	_ =	shalt  }
0x82: {  	_ =	shalt  }
0x83: {  	_ =	shalt  }
0x84: {  	_ =	shalt  }
0x85: {  	_ =	shalt  }
0x86: {  	_ =	shalt  }
0x87: {  	_ =	shalt  }
.Lfunc_end0:
.L_simem_size_0:
called_computation.1_lowered:
.L_overlay_start_0:
0x88: {  	s2 =	sld [smem:$0x3FD9]  }
0x89: {  	s3 =	sld [smem:$0x3FFE];
	_ =	sdelay $0x1  }
0x8a: {  	s1 =	srdreg.scid  }
0x8b: {  	s0 =	sand.u32 $0x1, s1  }
0x8c: {  	s17 =	sshll.u32 s0, $0xA;
	s2 =	sadd.s32 s3, s2  }
0x8d: {  	s2 =	sadd.s32 s2, s17  }
0x8e: {  	[smem:$0x3FC2] =	sst s2  }
0x8f: {  	_ = 	snop  }
0x90: {  	s2 =	sld [smem:$0x3FD0];
	(tm) =	ssettm $0x1  }
0x91: {  	s18 =	sld [smem:$0x3FFB];
	_ =	sdelay $0x3  }
0x92: {  	_ =	strace s18  }
0x93: {  	s3 =	sld [smem:$0x3FFC];
	_ =	sdelay $0x3  }
0x94: {  	_ =	strace s3  }
0x95: {  	s3 =	sld [smem:$0x3FFD];
	_ =	sdelay $0x3  }
0x96: {  	_ =	strace s3  }
0x97: {  	_ =	strace $0x8FFFFFFF  }
0x98: {  	s19 =	sld [smem:$0x3FDB];
	_ =	sdelay $0x1  }
0x99: {  	s4 =	simm.s32 $_scs_section_size  }
0x9a: {  	s5 =	simm.s32 $_size__tile_overlayer_lowered;
	s6 =	simm.s32 $_tile_overlayer_lowered  }
0x9b: {  	s22 =	simm.s32 $0x1BFF;
	s21 =	sshll.u32 s6, $0x1;
	s3 =	sadd.s32 s4, s19  }
0x9c: {  	s7 =	simm.s32 $0x0;
	s20 =	sshll.u32 s5, $0x1;
	s5 =	sadd.s32 s21, s3  }
0x9d: {  	[timem:s7], [sflag:s22] =	dma.local [hbm:s5], s20  }
0x9e: {  	_ =	swait.ge [sflag:s22], s20  }
0x9f: {  	s4 =	ssub.s32 $0x0, s20;
	[sflag:s22] =	ssyncset.done $0x0  }
0xa0: {  	[sflag:s22] =	ssyncadd.s32 s4;
	_ =	sdelay $0x1  }
0xa1: {  	s23 =	simm.s32 $0x1B8B  }
0xa2: {  	_ =	swait.ge [sflag:s23], $0x1  }
0xa3: {  	[sflag:s23] =	ssyncset.done $0x0  }
0xa4: {  	s25 =	simm.s32 $0x1B8E;
	s24 =	sld [smem:$0x3FFE];
	[sflag:s23] =	ssyncadd.s32 $0xFFFFFFFF  }
0xa5: {  	s26 =	simm.s32 $execute0_lowered;
	[smem:$0x3FD2] =	sst s25  }
0xa6: {  	s5 =	sshll.u32 s26, $0x1;
	_ =	strace $0x80000049;
	[dreg:$0x1] =	wrdreg $0xFFFFFFFF  }
0xa7: {  	s28 =	simm.s32 $_size_execute0_lowered;
	s3 =	sadd.s32 s3, s5;
	[dreg:$0x0] =	wrdreg $0x0  }
0xa8: {  	s5 =	sshll.u32 s28, $0x1;
	[dreg:$0x2] =	wrdreg s3  }
0xa9: {  	[dreg:$0x3] =	wrdreg s5  }
0xaa: {  	[dreg:$0x4] =	wrdreg $0xC0  }
0xab: {  	_ =	task [dreg:s7], $0x5FFFF  }
0xac: {  	[dreg:$0x1] =	wrdreg $0xFFFFFFFF  }
0xad: {  	[dreg:$0x0] =	wrdreg $0x60  }
0xae: {  	[dreg:$0x2] =	wrdreg s2  }
0xaf: {  	[dreg:$0x3] =	wrdreg s24  }
0xb0: {  	[dreg:$0x4] =	wrdreg $0xA8000  }
0xb1: {  	[dreg:$0x5] =	wrdreg $0x9  }
0xb2: {  	_ =	task.clear_ibuf [dreg:s7], $0x6FFFF;
	_ =	strace $0x90000049  }
0xb3: {  	s29 =	simm.s32 $0x9;
	_ =	strace $0x8000004B  }
0xb4: {  	_ =	swait.ge [sflag:s29], $0x1  }
0xb5: {  	[sflag:s29] =	ssyncadd.s32 $0xFFFFFFFF  }
0xb6: {  	_ =	strace $0x9000004B  }
0xb7: {  	_ =	sfence  }
0xb8: {  	s30 =	sld [smem:$0x0];
	_ =	sdelay $0x2  }
0xb9: {  	s31 =	sshll.u32 s1, $0xD;
	s1 =	sshrl.u32 s1, $0x2  }
0xba: {  	s3 =	sand.u32 $0x4000, s31;
	s1 =	sadd.s32 s1, s30  }
0xbb: {  	s0 =	sor.u32 s3, s0;
	s1 =	sshll.u32 s1, $0x11  }
0xbc: {  	s0 =	sor.u32 s1, s0  }
0xbd: {  	s0 =	sadd.s32 $0x8F2B, s0  }
0xbe: {  	[sflag:s0] =	ssyncadd.remote.s32 $0x1  }
0xbf: {  	_ =	sfence.sel $0xFFFF  }
0xc0: {  	[dreg:$0x0] =	wrdreg $0xFFFFFFFF;
	(pc) =	sbr.abs _section_cstart, $3  }
0xc1: {  	[dreg:$0x1] =	wrdreg $0xFFFFFFFF  }
0xc2: {  	_ =	task.clear_ibuf [dreg:s7], $0x2FFFF;
	_ =	strace $0x9FFFFFFF  }
0xc3: {  	(tm) =	ssettm $0x7FFFFFFF  }
tec
execute0_lowered:
.L_overlay_start_1:
0x0: {  	(tag) =	ssettag $0x1  }
0x1: {  	s1 =	rddreg [dreg:$0x0]  }
0x2: {  	s0 =	rddreg [dreg:$0x1]  }
0x3: {  	s2 =	rddreg [dreg:$0x2];
	s3 =	simm.s32 $0x0;
	s5 =	srdreg.scid  }
0x4: {  	s14 =	stileid.u32;
	s30 =	simm.s32 $0x80;
	s29 =	simm.s32 $0x180  }
0x5: {  	s31 =	simm.s32 $0x280;
	[smem:$0x7FF] =	sst s3;
	s4 =	sadd.s32 $0x2200, s0  }
0x6: {  	s0 =	sadd.s32 $0x15C00, s0;
	s5 =	sand.u32 $0x1, s5;
	s7 =	smul.u32 $0x4F000, s14  }
0x7: {  	s6 =	sshll.u32 s14, $0x1;
	s9 =	smul.u32 $0x2780, s14;
	s11 =	sadd.s32 $0x128400, s2  }
0x8: {  	s12 =	sadd.s32 $0x25080, s1;
	s21 =	smul.u32 $0x13C00, s14;
	_ =	strace $0x8000004A  }
0x9: {  	s8 =	ssub.s32 $0x2, s5;
	s6 =	sor.u32 s5, s6;
	[dreg:$0x6] =	wrdreg s11  }
0xa: {  	[dreg:$0x7] =	wrdreg s12;
	s18 =	smul.u32 $0x138800, s5;
	s7 =	sshrl.u32 s7, $0x2  }
0xb: {  	s10 =	sshrl.u32 s8, $0x1;
	s6 =	smul.u32 $0x2710, s6;
	s7 =	sadd.s32 s7, s2  }
0xc: {  	s8 =	ssub.s32 s8, s10;
	s10 =	sadd.s32 s1, s9;
	[dreg:$0x4] =	wrdreg s7  }
0xd: {  	p0 =	seq.s32 s14, $0xF;
	s5 =	smul.u32 $0x2710, s5;
	[dreg:$0x5] =	wrdreg s10  }
0xe: {  	s13 =	sshrl.u32 s6, $0x3;
	s15 =	sadd.s32 $0x28, s6;
	s16 =	sadd.s32 $0x4E228, s6  }
0xf: {  	s22 =	sadd.s32 $0x78, s6;
	s12 =	sadd.s32 $0x4E278, s6;
	s24 =	sadd.s32 $0xC8, s6  }
0x10: {  	s6 =	sadd.s32 $0x4E2C8, s6;
	s9 =	sadd.s32 s4, s13;
	s7 =	sshrl.u32 s15, $0x3  }
0x11: {  	s10 =	sshrl.u32 s16, $0x3;
	s13 =	smul.u32 $0x4E20, s14;
	s11 =	sadd.s32 $0x9C40, s9  }
0x12: {  	s12 =	sshrl.u32 s12, $0x3;
	s7 =	sadd.s32 s4, s7;
	[dreg:$0x8] =	wrdreg s11  }
0x13: {  	s6 =	sshrl.u32 s6, $0x3;
	s17 =	sadd.s32 s4, s10;
	[dreg:$0x9] =	wrdreg s7  }
0x14: {  	s19 =	sadd.s32 $0xA, s9;
	s20 =	sadd.s32 $0x9C4A, s9;
	[dreg:$0xa] =	wrdreg s17  }
0x15: {  	s23 =	sadd.s32 s4, s12;
	s10 =	sadd.s32 s21, s18;
	[dreg:$0xb] =	wrdreg s19  }
0x16: {  	s25 =	sadd.s32 $0x14, s9;
	s6 =	sadd.s32 s4, s6;
	[dreg:$0xc] =	wrdreg s20  }
0x17: {  	s28 =	sadd.s32 $0x9C5E, s9;
	s11 =	sshrl.u32 s22, $0x3;
	[dreg:$0xe] =	wrdreg s23  }
0x18: {  	s5 =	sadd.s32 s5, s13;
	[dreg:$0xf] =	wrdreg s25;
	s10 =	sshrl.u32 s10, $0x3  }
0x19: {  	s7 =	sshrl.u32 s18, $0x3;
	[dreg:$0x12] =	wrdreg s6;
	s23 =	sadd.s32 $0x9C54, s9  }
0x1a: {  	s25 =	smax.u32 s8, $0x1;
	s6 =	simm.s32 $0x28;
	s8 =	simm.s32 $0x3  }
0x1b: {  	s11 =	sadd.s32 s4, s11;
	s10 =	sadd.s32 s0, s10;
	s0 =	sadd.s32 s0, s7  }
0x1c: {  	s26 =	sadd.s32 $0x118, s5;
	s5 =	sadd.s32 $0x4E318, s5;
	[dreg:$0xd] =	wrdreg s11  }
0x1d: {  	s11 =	sshrl.u32 s24, $0x3;
	[dreg:$0x11] =	wrdreg s10;
	s7 =	sshrl.u32 s26, $0x3  }
0x1e: {  	s5 =	sshrl.u32 s5, $0x3;
	s24 =	sadd.s32 $0x25080, s0;
	s26 =	sadd.s32 $0x1E, s9  }
0x1f: {  	s0 =	simm.s32 $0x100;
	s10 =	simm.s32 $0x0;
	s11 =	sadd.s32 s4, s11  }
0x20: {  	s16 =	sadd.s32 s7, s4;
	s15 =	sadd.s32 s5, s4;
	s4 =	simm.s32 $0x200  }
0x21: {  	s5 =	simm.s32 $0x2;
	s7 =	simm.s32 $0x1;
	[dreg:$0x10] =	wrdreg s11  }
.LBB2_1:
0x22: {  	s11 =	rddreg [dreg:$0x6]  }
0x23: {  	s12 =	rddreg [dreg:$0x7];
	s13 =	sshrl.u32 @p0 s11, $0x3;
	s11 =	simm.s32 @p0 $0x1FC4  }
0x24: {  	[spmem:s13], [sflag:s11] =	dma.local @p0 [hbm:s12], $0x2080  }
0x25: {  	s11 =	stileid.u32  }
0x26: {  	s11 =	sshll.u32 @!p0 s11, $0x6;
	s12 =	rddreg [dreg:$0x4]  }
0x27: {  	s17 =	rddreg [dreg:$0x5];
	s14 =	sor.u32 @!p0 $0x1C04, s11;
	s12 =	sshrl.u32 @!p0 s12, $0x3  }
0x28: {  	[spmem:s12], [sflag:s14] =	dma.local @!p0 [hbm:s17], $0x2780  }
0x29: {  	[tilespmem:s3], [sflag:$0x2] =	stream.linear.gather [hbm4b:s9+s3], $0x28, $0x38;
	[tilespmem:$0x1E400] =	vst v63  }
0x2a: {  	s18 =	simm.s32 $0x400;
	s14 =	rddreg [dreg:$0x8]  }
0x2b: {  	[tilespmem:s18], [sflag:$0x2] =	stream.linear.gather [hbm4b:s14+s3], $0x28, $0x38;
	[tilespmem:$0x1E400] =	vst v63  }
0x2c: {  	s19 =	rddreg [dreg:$0x9]  }
0x2d: {  	[tilespmem:s30], [sflag:$0x2] =	stream.linear.gather [hbm4b:s19+s3], $0x28, $0x38;
	[tilespmem:$0x1E400] =	vst v63  }
0x2e: {  	s21 =	simm.s32 $0x480;
	s20 =	rddreg [dreg:$0xa]  }
0x2f: {  	[tilespmem:s21], [sflag:$0x2] =	stream.linear.gather [hbm4b:s20+s3], $0x28, $0x38;
	[tilespmem:$0x1E400] =	vst v63  }
0x30: {  	s22 =	rddreg [dreg:$0xb]  }
0x31: {  	[tilespmem:s0], [sflag:$0x2] =	stream.linear.gather [hbm4b:s22+s3], $0x28, $0x38;
	[tilespmem:$0x1E400] =	vst v63  }
0x32: {  	s17 =	rddreg [dreg:$0xc];
	s18 =	simm.s32 $0x500  }
0x33: {  	[tilespmem:s18], [sflag:$0x2] =	stream.linear.gather [hbm4b:s17+s3], $0x28, $0x38;
	[tilespmem:$0x1E400] =	vst v63  }
0x34: {  	s19 =	rddreg [dreg:$0xd]  }
0x35: {  	[tilespmem:s29], [sflag:$0x2] =	stream.linear.gather [hbm4b:s19+s3], $0x28, $0x38;
	[tilespmem:$0x1E400] =	vst v63  }
0x36: {  	s20 =	rddreg [dreg:$0xe];
	s21 =	simm.s32 $0x580  }
0x37: {  	[tilespmem:s21], [sflag:$0x2] =	stream.linear.gather [hbm4b:s20+s3], $0x28, $0x38;
	[tilespmem:$0x1E400] =	vst v63  }
0x38: {  	s22 =	rddreg [dreg:$0xf]  }
0x39: {  	[tilespmem:s4], [sflag:$0x2] =	stream.linear.gather [hbm4b:s22+s3], $0x28, $0x38;
	[tilespmem:$0x1E400] =	vst v63  }
0x3a: {  	s17 =	simm.s32 $0x600  }
0x3b: {  	[tilespmem:s17], [sflag:$0x2] =	stream.linear.gather [hbm4b:s23+s3], $0x28, $0x38;
	[tilespmem:$0x1E400] =	vst v63  }
0x3c: {  	s18 =	rddreg [dreg:$0x10]  }
0x3d: {  	[tilespmem:s31], [sflag:$0x2] =	stream.linear.gather [hbm4b:s18+s3], $0x28, $0x38;
	[tilespmem:$0x1E400] =	vst v63  }
0x3e: {  	s19 =	rddreg [dreg:$0x12];
	s20 =	simm.s32 $0x680  }
0x3f: {  	[tilespmem:s20], [sflag:$0x2] =	stream.linear.gather [hbm4b:s19+s3], $0x28, $0x38;
	[tilespmem:$0x1E400] =	vst v63  }
0x40: {  	s21 =	simm.s32 $0x300  }
0x41: {  	[tilespmem:s21], [sflag:$0x2] =	stream.linear.gather [hbm4b:s26+s3], $0x28, $0x38;
	[tilespmem:$0x1E400] =	vst v63  }
0x42: {  	s22 =	simm.s32 $0x700  }
0x43: {  	[tilespmem:s22], [sflag:$0x2] =	stream.linear.gather [hbm4b:s28+s3], $0x28, $0x38;
	[tilespmem:$0x1E400] =	vst v63  }
0x44: {  	_ =	swait.ge [sflag:s5], $0x28  }
0x45: {  	[sflag:s5] =	ssyncset.done $0x0  }
0x46: {  	[sflag:s5] =	ssyncadd.s32 $0xFFFFFFD8  }
0x47: {  	_ =	swait.ge [sflag:s5], $0x28  }
0x48: {  	[sflag:s5] =	ssyncset.done $0x0  }
0x49: {  	s17 =	simm.s32 $0x800;
	[sflag:s5] =	ssyncadd.s32 $0xFFFFFFD8  }
0x4a: {  	[tilespmem:s17], [sflag:$0x1] =	stream.indirect.gather [hbm4b:s1+s6], $0x80, s3, s6, $0xb8;
	[tilespmem:$0x1E400] =	vst v63  }
0x4b: {  	_ =	swait.ge [sflag:s5], $0x28  }
0x4c: {  	[sflag:s5] =	ssyncset.done $0x0  }
0x4d: {  	[sflag:s5] =	ssyncadd.s32 $0xFFFFFFD8  }
0x4e: {  	_ =	swait.ge [sflag:s5], $0x28  }
0x4f: {  	[sflag:s5] =	ssyncset.done $0x0  }
0x50: {  	s18 =	simm.s32 $0x1C00;
	[sflag:s5] =	ssyncadd.s32 $0xFFFFFFD8  }
0x51: {  	[tilespmem:s18], [sflag:$0x1] =	stream.indirect.gather [hbm4b:s1+s6], $0x80, s30, s6, $0xb8;
	[tilespmem:$0x1E400] =	vst v63  }
0x52: {  	_ =	swait.ge [sflag:s5], $0x28  }
0x53: {  	[sflag:s5] =	ssyncset.done $0x0  }
0x54: {  	[sflag:s5] =	ssyncadd.s32 $0xFFFFFFD8  }
0x55: {  	_ =	swait.ge [sflag:s5], $0x28  }
0x56: {  	[sflag:s5] =	ssyncset.done $0x0  }
0x57: {  	s19 =	simm.s32 $0x3000;
	[sflag:s5] =	ssyncadd.s32 $0xFFFFFFD8  }
0x58: {  	[tilespmem:s19], [sflag:$0x1] =	stream.indirect.gather [hbm4b:s1+s6], $0x80, s0, s6, $0xb8;
	[tilespmem:$0x1E400] =	vst v63  }
0x59: {  	_ =	swait.ge [sflag:s5], $0x28  }
0x5a: {  	[sflag:s5] =	ssyncset.done $0x0  }
0x5b: {  	[sflag:s5] =	ssyncadd.s32 $0xFFFFFFD8  }
0x5c: {  	_ =	swait.ge [sflag:s5], $0x28  }
0x5d: {  	[sflag:s5] =	ssyncset.done $0x0  }
0x5e: {  	s20 =	simm.s32 $0x4400;
	[sflag:s5] =	ssyncadd.s32 $0xFFFFFFD8  }
0x5f: {  	[tilespmem:s20], [sflag:$0x1] =	stream.indirect.gather [hbm4b:s1+s6], $0x80, s29, s6, $0xb8;
	[tilespmem:$0x1E400] =	vst v63  }
0x60: {  	_ =	swait.ge [sflag:s5], $0x28  }
0x61: {  	[sflag:s5] =	ssyncset.done $0x0  }
0x62: {  	[sflag:s5] =	ssyncadd.s32 $0xFFFFFFD8  }
0x63: {  	_ =	swait.ge [sflag:s5], $0x28  }
0x64: {  	[sflag:s5] =	ssyncset.done $0x0  }
0x65: {  	s21 =	simm.s32 $0x5800;
	[sflag:s5] =	ssyncadd.s32 $0xFFFFFFD8  }
0x66: {  	[tilespmem:s21], [sflag:$0x1] =	stream.indirect.gather [hbm4b:s1+s6], $0x80, s4, s6, $0xb8;
	[tilespmem:$0x1E400] =	vst v63  }
0x67: {  	_ =	swait.ge [sflag:s5], $0x28  }
0x68: {  	[sflag:s5] =	ssyncset.done $0x0  }
0x69: {  	[sflag:s5] =	ssyncadd.s32 $0xFFFFFFD8  }
0x6a: {  	_ =	swait.ge [sflag:s5], $0x28  }
0x6b: {  	[sflag:s5] =	ssyncset.done $0x0  }
0x6c: {  	s14 =	simm.s32 @p0 $0x4;
	s22 =	simm.s32 $0x6C00;
	[sflag:s5] =	ssyncadd.s32 $0xFFFFFFD8  }
0x6d: {  	[tilespmem:s22], [sflag:$0x1] =	stream.indirect.gather [hbm4b:s1+s6], $0x80, s31, s6, $0xb8;
	[tilespmem:$0x1E400] =	vst v63  }
0x6e: {  	_ =	swait.ge @p0 [sflag:s14], $0x2080  }
0x6f: {  	[sflag:s14] =	ssyncset.done @p0 $0x0  }
0x70: {  	[sflag:s14] =	ssyncadd.s32 @p0 $0xFFFFDF80;
	s14 =	simm.s32 @!p0 $0x4  }
0x71: {  	_ =	swait.ge @!p0 [sflag:s14], $0x2780  }
0x72: {  	[sflag:s14] =	ssyncset.done @!p0 $0x0  }
0x73: {  	s17 =	simm.s32 $0x0;
	s21 =	smov.u32 s16;
	[sflag:s14] =	ssyncadd.s32 @!p0 $0xFFFFD880  }
0x74: {  	s22 =	smov.u32 s15;
	s14 =	simm.s32 $0x380;
	[bflag:$0x0] =	sbarrier.arrive $0xFFFF  }
.LBB2_2:
0x75: {  	p1 =	sgt.u32 s17, $0xF2  }
0x76: {  	s18 =	sand.u32 @!p1 $0x380, s14;
	s19 =	simm.s32 @!p1 $0x0  }
0x77: {  	[tilespmem:s18], [sflag:$0x2] =	stream.linear.gather @!p1 [hbm4b:s21+s19], $0x28, $0x38;
	[tilespmem:$0x1E400] =	vst v63  }
0x78: {  	s20 =	sand.u32 $0x7, s17;
	s18 =	sor.u32 @!p1 $0x400, s18  }
0x79: {  	[tilespmem:s18], [sflag:$0x2] =	stream.linear.gather @!p1 [hbm4b:s22+s19], $0x28, $0x38;
	[tilespmem:$0x1E400] =	vst v63  }
0x7a: {  	s19 =	smul.u32 $0x5000, s20  }
0x7b: {  	s20 =	sshll.u32 s20, $0x7;
	_ =	swait.ge [sflag:s7], $0x1400  }
0x7c: {  	p1 =	slt.u32 s17, $0x2;
	s18 =	sshrl.u32 s19, $0x2;
	[sflag:s7] =	ssyncset.done $0x0  }
0x7d: {  	s19 =	sor.u32 $0x400, s20;
	s18 =	sadd.s32 $0x800, s18;
	[sflag:s7] =	ssyncadd.s32 $0xFFFFEC00  }
0x7e: {  	[spmem:s2] =	stream.indirect.scatter.add.f32 [tilespmem:s18], [sflag:$0x3], $0x80, s19, s6, $0xb8;
	[tilespmem:$0x1E400] =	vst v63  }
0x7f: {  	s18 =	simm.s32 @!p1 $0x3  }
0x80: {  	p2 =	sgt.u32 @!p1 s17, $0xF3;
	_ =	swait.ge @!p1 [sflag:s18], $0x1400  }
0x81: {  	p2 =	por p1, !p2;
	[sflag:s18] =	ssyncset.done @!p1 $0x0  }
0x82: {  	[sflag:s18] =	ssyncadd.s32 @!p1 $0xFFFFEC00;
	s18 =	sadd.s32 @p2 $0x6, s17  }
0x83: {  	s17 =	sadd.s32 $0x1, s17;
	_ =	swait.ge @p2 [sflag:s5], $0x28;
	s18 =	sand.u32 @p2 $0x7, s18  }
0x84: {  	p1 =	sne.s32 s17, $0xFA;
	[sflag:s5] =	ssyncset.done @p2 $0x0;
	s19 =	smul.u32 @p2 $0x5000, s18  }
.Ltmp0:
0x85: {  	[sflag:s5] =	ssyncadd.s32 @p2 $0xFFFFFFD8;
	(pc) =	sbr.rel @p1 .LBB2_2-.Ltmp0, $4  }
0x86: {  	s14 =	sadd.s32 $0x80, s14;
	s21 =	sadd.s32 $0x5, s21;
	_ =	swait.ge @p2 [sflag:s5], $0x28  }
0x87: {  	s22 =	sadd.s32 $0x5, s22;
	s19 =	sshrl.u32 @p2 s19, $0x2;
	[sflag:s5] =	ssyncset.done @p2 $0x0  }
0x88: {  	s18 =	sshll.u32 @p2 s18, $0x7;
	s19 =	sadd.s32 @p2 $0x800, s19;
	[sflag:s5] =	ssyncadd.s32 @p2 $0xFFFFFFD8  }
0x89: {  	[tilespmem:s19], [sflag:$0x1] =	stream.indirect.gather @p2 [hbm4b:s1+s6], $0x80, s18, s6, $0xb8;
	[tilespmem:$0x1E400] =	vst v63  }
0x8a: {  	_ =	swait.ge [sflag:s8], $0x1400  }
0x8b: {  	[sflag:s8] =	ssyncset.done $0x0  }
0x8c: {  	[sflag:s8] =	ssyncadd.s32 $0xFFFFEC00  }
0x8d: {  	_ =	swait.ge [sflag:s8], $0x1400  }
0x8e: {  	[sflag:s8] =	ssyncset.done $0x0  }
0x8f: {  	[sflag:s8] =	ssyncadd.s32 $0xFFFFEC00  }
0x90: {  	s14 =	simm.s32 @p0 $0x1FC5;
	[bflag:$0x0] =	sbarrier.arrive $0xFFFF  }
0x91: {  	[hbm:s24], [sflag:s14] =	dma.local @p0 [spmem:s13], $0x2080  }
0x92: {  	s13 =	simm.s32 @p0 $0x5  }
0x93: {  	_ =	swait.ge @p0 [sflag:s13], $0x2080  }
0x94: {  	s11 =	sor.u32 @!p0 $0x1C05, s11;
	s10 =	sadd.s32 $0x1, s10;
	[sflag:s13] =	ssyncset.done @p0 $0x0  }
0x95: {  	p1 =	sne.s32 s10, s25;
	[sflag:s13] =	ssyncadd.s32 @p0 $0xFFFFDF80;
	s13 =	rddreg [dreg:$0x11]  }
0x96: {  	[hbm:s13], [sflag:s11] =	dma.local @!p0 [spmem:s12], $0x2780  }
.Ltmp1:
0x97: {  	_ = 	snop;
	(pc) =	sbr.rel @p1 .LBB2_1-.Ltmp1, $4  }
0x98: {  	s11 =	simm.s32 @!p0 $0x5  }
0x99: {  	_ =	swait.ge @!p0 [sflag:s11], $0x2780  }
0x9a: {  	[sflag:s11] =	ssyncset.done @!p0 $0x0  }
0x9b: {  	[sflag:s11] =	ssyncadd.s32 @!p0 $0xFFFFD880  }
0x9c: {  	_ =	sfence.sel $0x180000  }
0x9d: {  	[bflag:$0x0] =	sbarrier.arrive $0xFFFF  }
0x9e: {  	_ =	strace $0x9000004A  }
0x9f: {  	s0 =	stileid.u32;
	[bflag:$0x2] =	sbarrier.arrive $0xFFFF  }
0xa0: {  	p0 =	sne.s32 s0, $0x0;
	s0 =	rddreg [dreg:$0x3]  }
0xa1: {  	s0 =	sadd.s32 @!p0 $0x100000, s0  }
0xa2: {  	[sflag:s0] =	ssyncadd.tile.s32 @!p0 $0x1;
	_ =	shalt  }
.Lfunc_end2:
_tile_overlayer_lowered:
.L_overlay_start_2:
0xa3: {  	(tag) =	ssettag $0x2  }
0xa4: {  	s0 =	rddreg [dreg:$0x0];
	s2 =	stileid.u32  }
0xa5: {  	s1 =	rddreg [dreg:$0x1];
	p0 =	sne.s32 s2, $0x0  }
0xa6: {  	s3 =	rddreg [dreg:$0x2];
	[bflag:$0x3] =	sbarrier.arrive $0xFFFF;
	s2 =	simm.s32 @!p0 $0x1C05  }
0xa7: {  	[timem:s3], [sflag:s2] =	dma.local @!p0 [hbm:s0], s1  }
0xa8: {  	s0 =	simm.s32 @!p0 $0x5  }
0xa9: {  	_ =	swait.ge @!p0 [sflag:s0], s1  }
0xaa: {  	s1 =	ssub.s32 @!p0 $0x0, s1;
	[sflag:s0] =	ssyncset.done @!p0 $0x0  }
0xab: {  	[sflag:s0] =	ssyncadd.s32 @!p0 s1  }
0xac: {  	[bflag:$0x3] =	sbarrier.arrive $0xFFFF  }
0xad: {  	_ =	shalt  }

// kernel: kernel.7.cloned.1.call-start
scs
__scs_entry_jumppad:
0x0: {  	(pc) =	sbr.rel $0x88, $3  }
0x1: {  	(tag) =	ssettag $0x0;
	lr =	simm.s32 $0x1  }
0x2: {  	[smem:$0x3F9B] =	sst lr;
	_ =	strace $0xD0000000  }
0x3: {  	_ = 	snop  }
0x4: {  	_ = 	snop  }
0x5: {  	_ = 	snop  }
0x6: {  	_ = 	snop  }
0x7: {  	_ = 	snop  }
__scs_overlays_trampoline_lowered:
0x8: {  	[smem:$0x3FAA] =	sst s0  }
0x9: {  	[smem:$0x3FAB] =	sst s1  }
0xa: {  	[smem:$0x3FAC] =	sst s2  }
0xb: {  	[smem:$0x3FAD] =	sst s3  }
0xc: {  	[smem:$0x3FAE] =	sst s4  }
0xd: {  	[smem:$0x3FAF] =	sst s5  }
0xe: {  	[smem:$0x3FB0] =	sst s6  }
0xf: {  	[smem:$0x3FB1] =	sst s7  }
0x10: {  	[smem:$0x3FB2] =	sst s8  }
0x11: {  	[smem:$0x3FB3] =	sst s9;
	s0 =	simm.s32 @!p0 $0x0  }
0x12: {  	s1 =	sld [smem:$0x3F99];
	s0 =	simm.s32 @p0 $0x1  }
0x13: {  	[smem:$0x3FB4] =	sst s0;
	s0 =	simm.s32 @!p1 $0x0  }
0x14: {  	s2 =	sld [smem:$0x3F98];
	s0 =	simm.s32 @p1 $0x1  }
0x15: {  	[smem:$0x3FB5] =	sst s0;
	s0 =	simm.s32 @!p2 $0x0  }
0x16: {  	s3 =	sld [smem:$0x3FDB];
	s0 =	simm.s32 @p2 $0x1  }
0x17: {  	s4 =	simm.s32 $0x1BF5;
	[smem:$0x3FB7] =	sst s0  }
0x18: {  	s0 =	sld [smem:$0x3F9A];
	_ =	swait.ge [sflag:s4], $0x0  }
0x19: {  	s7 =	sld [smem:$0x3F9B]  }
0x1a: {  	s8 =	sadd.s32 $0xFFFFE003, lr  }
0x1b: {  	s9 =	sadd.s32 $0xFFFFFEF7, lr;
	s5 =	simm.s32 $0xFFFFFFFF;
	p2 =	slt.u32 s8, $0xFFFFF086  }
0x1c: {  	p1 =	slt.u32 s9, $0xF7A;
	s5 =	simm.s32 @!p2 $0x0  }
0x1d: {  	s5 =	simm.s32 @p1 $0x1;
	p0 =	seq.s32 s7, s2  }
0x1e: {  	s7 =	smul.u32 @!p0 $0xF7A, s2;
	p2 =	seq.s32 @!p0 s5, $0x0  }
0x1f: {  	s9 =	smul.u32 $0xF7A, s1;
	s8 =	simm.s32 @!p0 $0x1BF5;
	p2 =	por !p2, p0  }
0x20: {  	[sflag:s8] =	ssyncset.s32 @!p0 $0xFFFFF086;
	s6 =	sadd.s32 @!p0 s3, s7;
	s7 =	simm.s32 @!p0 $0x108  }
0x21: {  	s3 =	sadd.s32 s3, s9;
	s6 =	sadd.s32 @!p0 $0x88, s6;
	s7 =	simm.s32 @p2 $0x1082  }
0x22: {  	[simem:s7], [sflag:s8] =	dma.local @!p0 [hbm:s6], $0xF7A  }
0x23: {  	s9 =	sor.u32 $0xD0000000, s2;
	s6 =	simm.s32 $0x108;
	_ =	swait.ge @!p0 [sflag:s8], $0x0  }
0x24: {  	s3 =	sadd.s32 $0x88, s3;
	s6 =	simm.s32 @!p1 $0x1082;
	[sflag:s4] =	ssyncset.s32 $0xFFFFF086  }
0x25: {  	[simem:s6], [sflag:s4] =	dma.local [hbm:s3], $0xF7A  }
0x26: {  	[smem:$0x3F9B] =	sst s1;
	(tag) =	ssettag s2;
	_ =	strace s9  }
0x27: {  	s1 =	sld [smem:$0x3FAB]  }
0x28: {  	s2 =	sld [smem:$0x3FAC]  }
0x29: {  	s4 =	sld [smem:$0x3FAE]  }
0x2a: {  	p0 =	seq.s32 s5, $0x0;
	s5 =	sld [smem:$0x3FAF]  }
0x2b: {  	s6 =	sld [smem:$0x3FB0]  }
0x2c: {  	s7 =	sld [smem:$0x3FB1]  }
0x2d: {  	s3 =	simm.s32 $0x108;
	s8 =	sld [smem:$0x3FB2]  }
0x2e: {  	s3 =	simm.s32 @!p0 $0x1082;
	s9 =	sld [smem:$0x3FB3]  }
0x2f: {  	lr =	sadd.s32 s0, s3;
	s0 =	sld [smem:$0x3FAA]  }
0x30: {  	s3 =	sld [smem:$0x3FAD]  }
0x31: {  	[smem:$0x3FB6] =	sst s10  }
0x32: {  	s10 =	sld [smem:$0x3FB4];
	_ =	sdelay $0x3  }
0x33: {  	p0 =	seq.s32 s10, $0x1;
	s10 =	sld [smem:$0x3FB6];
	_ =	sdelay $0x3  }
0x34: {  	[smem:$0x3FB6] =	sst s10  }
0x35: {  	s10 =	sld [smem:$0x3FB5];
	_ =	sdelay $0x3  }
0x36: {  	p1 =	seq.s32 s10, $0x1;
	s10 =	sld [smem:$0x3FB6];
	_ =	sdelay $0x3  }
0x37: {  	[smem:$0x3FB6] =	sst s10  }
0x38: {  	s10 =	sld [smem:$0x3FB7]  }
0x39: {  	_ = 	snop;
	(pc) =	sbr.ind lr, $3  }
0x3a: {  	_ = 	snop  }
0x3b: {  	_ = 	snop  }
0x3c: {  	p2 =	seq.s32 s10, $0x1;
	s10 =	sld [smem:$0x3FB6]  }
0x3d: {  	_ =	shalt  }
0x3e: {  	_ =	shalt  }
0x3f: {  	_ =	shalt  }
0x40: {  	_ =	shalt  }
0x41: {  	_ =	shalt  }
0x42: {  	_ =	shalt  }
0x43: {  	_ =	shalt  }
0x44: {  	_ =	shalt  }
0x45: {  	_ =	shalt  }
0x46: {  	_ =	shalt  }
0x47: {  	_ =	shalt  }
0x48: {  	_ =	shalt  }
0x49: {  	_ =	shalt  }
0x4a: {  	_ =	shalt  }
0x4b: {  	_ =	shalt  }
0x4c: {  	_ =	shalt  }
0x4d: {  	_ =	shalt  }
0x4e: {  	_ =	shalt  }
0x4f: {  	_ =	shalt  }
0x50: {  	_ =	shalt  }
0x51: {  	_ =	shalt  }
0x52: {  	_ =	shalt  }
0x53: {  	_ =	shalt  }
0x54: {  	_ =	shalt  }
0x55: {  	_ =	shalt  }
0x56: {  	_ =	shalt  }
0x57: {  	_ =	shalt  }
0x58: {  	_ =	shalt  }
0x59: {  	_ =	shalt  }
0x5a: {  	_ =	shalt  }
0x5b: {  	_ =	shalt  }
0x5c: {  	_ =	shalt  }
0x5d: {  	_ =	shalt  }
0x5e: {  	_ =	shalt  }
0x5f: {  	_ =	shalt  }
0x60: {  	_ =	shalt  }
0x61: {  	_ =	shalt  }
0x62: {  	_ =	shalt  }
0x63: {  	_ =	shalt  }
0x64: {  	_ =	shalt  }
0x65: {  	_ =	shalt  }
0x66: {  	_ =	shalt  }
0x67: {  	_ =	shalt  }
0x68: {  	_ =	shalt  }
0x69: {  	_ =	shalt  }
0x6a: {  	_ =	shalt  }
0x6b: {  	_ =	shalt  }
0x6c: {  	_ =	shalt  }
0x6d: {  	_ =	shalt  }
0x6e: {  	_ =	shalt  }
0x6f: {  	_ =	shalt  }
0x70: {  	_ =	shalt  }
0x71: {  	_ =	shalt  }
0x72: {  	_ =	shalt  }
0x73: {  	_ =	shalt  }
0x74: {  	_ =	shalt  }
0x75: {  	_ =	shalt  }
0x76: {  	_ =	shalt  }
0x77: {  	_ =	shalt  }
0x78: {  	_ =	shalt  }
0x79: {  	_ =	shalt  }
0x7a: {  	_ =	shalt  }
0x7b: {  	_ =	shalt  }
0x7c: {  	_ =	shalt  }
0x7d: {  	_ =	shalt  }
0x7e: {  	_ =	shalt  }
0x7f: {  	_ =	shalt  }
0x80: {  	_ =	shalt  }
0x81: {  	_ =	shalt  }
0x82: {  	_ =	shalt  }
0x83: {  	_ =	shalt  }
0x84: {  	_ =	shalt  }
0x85: {  	_ =	shalt  }
0x86: {  	_ =	shalt  }
0x87: {  	_ =	shalt  }
.Lfunc_end0:
.L_simem_size_0:
called_computation_lowered:
.L_overlay_start_0:
0x88: {  	s2 =	sld [smem:$0x3FD9]  }
0x89: {  	s3 =	sld [smem:$0x3FFE];
	_ =	sdelay $0x1  }
0x8a: {  	s1 =	srdreg.scid  }
0x8b: {  	s0 =	sand.u32 $0x1, s1  }
0x8c: {  	s17 =	sshll.u32 s0, $0xA;
	s2 =	sadd.s32 s3, s2  }
0x8d: {  	s2 =	sadd.s32 s2, s17  }
0x8e: {  	[smem:$0x3FC2] =	sst s2  }
0x8f: {  	_ = 	snop  }
0x90: {  	s2 =	sld [smem:$0x3FD0];
	(tm) =	ssettm $0x1  }
0x91: {  	s18 =	sld [smem:$0x3FFB];
	_ =	sdelay $0x3  }
0x92: {  	_ =	strace s18  }
0x93: {  	s3 =	sld [smem:$0x3FFC];
	_ =	sdelay $0x3  }
0x94: {  	_ =	strace s3  }
0x95: {  	s3 =	sld [smem:$0x3FFD];
	_ =	sdelay $0x3  }
0x96: {  	_ =	strace s3  }
0x97: {  	_ =	strace $0x8FFFFFFF  }
0x98: {  	s19 =	sld [smem:$0x3FDB];
	_ =	sdelay $0x1  }
0x99: {  	s4 =	simm.s32 $_scs_section_size  }
0x9a: {  	s5 =	simm.s32 $_size__tile_overlayer_lowered;
	s6 =	simm.s32 $_tile_overlayer_lowered  }
0x9b: {  	s22 =	simm.s32 $0x1BFF;
	s21 =	sshll.u32 s6, $0x1;
	s3 =	sadd.s32 s4, s19  }
0x9c: {  	s7 =	simm.s32 $0x0;
	s20 =	sshll.u32 s5, $0x1;
	s5 =	sadd.s32 s21, s3  }
0x9d: {  	[timem:s7], [sflag:s22] =	dma.local [hbm:s5], s20  }
0x9e: {  	_ =	swait.ge [sflag:s22], s20  }
0x9f: {  	s4 =	ssub.s32 $0x0, s20;
	[sflag:s22] =	ssyncset.done $0x0  }
0xa0: {  	[sflag:s22] =	ssyncadd.s32 s4;
	_ =	sdelay $0x1  }
0xa1: {  	s23 =	simm.s32 $0x1B8B  }
0xa2: {  	_ =	swait.ge [sflag:s23], $0x1  }
0xa3: {  	[sflag:s23] =	ssyncset.done $0x0  }
0xa4: {  	s25 =	simm.s32 $0x1B8E;
	s24 =	sld [smem:$0x3FFE];
	[sflag:s23] =	ssyncadd.s32 $0xFFFFFFFF  }
0xa5: {  	s26 =	simm.s32 $execute0_lowered;
	[smem:$0x3FD2] =	sst s25  }
0xa6: {  	s5 =	sshll.u32 s26, $0x1;
	_ =	strace $0x80000046;
	[dreg:$0x1] =	wrdreg $0xFFFFFFFF  }
0xa7: {  	s28 =	simm.s32 $_size_execute0_lowered;
	s3 =	sadd.s32 s3, s5;
	[dreg:$0x0] =	wrdreg $0x0  }
0xa8: {  	s5 =	sshll.u32 s28, $0x1;
	[dreg:$0x2] =	wrdreg s3  }
0xa9: {  	[dreg:$0x3] =	wrdreg s5  }
0xaa: {  	[dreg:$0x4] =	wrdreg $0xC0  }
0xab: {  	_ =	task [dreg:s7], $0x5FFFF  }
0xac: {  	[dreg:$0x1] =	wrdreg $0xFFFFFFFF  }
0xad: {  	[dreg:$0x0] =	wrdreg $0x60  }
0xae: {  	[dreg:$0x2] =	wrdreg s2  }
0xaf: {  	[dreg:$0x3] =	wrdreg s24  }
0xb0: {  	[dreg:$0x4] =	wrdreg $0xA8000  }
0xb1: {  	[dreg:$0x5] =	wrdreg $0x9  }
0xb2: {  	_ =	task.clear_ibuf [dreg:s7], $0x6FFFF;
	_ =	strace $0x90000046  }
0xb3: {  	s29 =	simm.s32 $0x9;
	_ =	strace $0x80000048  }
0xb4: {  	_ =	swait.ge [sflag:s29], $0x1  }
0xb5: {  	[sflag:s29] =	ssyncadd.s32 $0xFFFFFFFF  }
0xb6: {  	_ =	strace $0x90000048  }
0xb7: {  	_ =	sfence  }
0xb8: {  	s30 =	sld [smem:$0x0];
	_ =	sdelay $0x2  }
0xb9: {  	s31 =	sshll.u32 s1, $0xD;
	s1 =	sshrl.u32 s1, $0x2  }
0xba: {  	s3 =	sand.u32 $0x4000, s31;
	s1 =	sadd.s32 s1, s30  }
0xbb: {  	s0 =	sor.u32 s3, s0;
	s1 =	sshll.u32 s1, $0x11  }
0xbc: {  	s0 =	sor.u32 s1, s0  }
0xbd: {  	s0 =	sadd.s32 $0x8F2B, s0  }
0xbe: {  	[sflag:s0] =	ssyncadd.remote.s32 $0x1  }
0xbf: {  	_ =	sfence.sel $0xFFFF  }
0xc0: {  	[dreg:$0x0] =	wrdreg $0xFFFFFFFF;
	(pc) =	sbr.abs _section_cstart, $3  }
0xc1: {  	[dreg:$0x1] =	wrdreg $0xFFFFFFFF  }
0xc2: {  	_ =	task.clear_ibuf [dreg:s7], $0x2FFFF;
	_ =	strace $0x9FFFFFFF  }
0xc3: {  	(tm) =	ssettm $0x7FFFFFFF  }
tec
execute0_lowered:
.L_overlay_start_1:
0x0: {  	(tag) =	ssettag $0x1  }
0x1: {  	s1 =	rddreg [dreg:$0x0]  }
0x2: {  	s0 =	rddreg [dreg:$0x1]  }
0x3: {  	s2 =	rddreg [dreg:$0x2];
	s3 =	simm.s32 $0x0;
	s5 =	srdreg.scid  }
0x4: {  	s14 =	stileid.u32;
	s30 =	simm.s32 $0x80;
	s29 =	simm.s32 $0x180  }
0x5: {  	s31 =	simm.s32 $0x280;
	[smem:$0x7FF] =	sst s3;
	s4 =	sadd.s32 $0x2200, s0  }
0x6: {  	s0 =	sadd.s32 $0x15C00, s0;
	s5 =	sand.u32 $0x1, s5;
	s7 =	smul.u32 $0x4F000, s14  }
0x7: {  	s6 =	sshll.u32 s14, $0x1;
	s9 =	smul.u32 $0x2780, s14;
	s11 =	sadd.s32 $0x128400, s2  }
0x8: {  	s12 =	sadd.s32 $0x25080, s1;
	s21 =	smul.u32 $0x13C00, s14;
	_ =	strace $0x80000047  }
0x9: {  	s8 =	ssub.s32 $0x2, s5;
	s6 =	sor.u32 s5, s6;
	[dreg:$0x6] =	wrdreg s11  }
0xa: {  	[dreg:$0x7] =	wrdreg s12;
	s18 =	smul.u32 $0x138800, s5;
	s7 =	sshrl.u32 s7, $0x2  }
0xb: {  	s10 =	sshrl.u32 s8, $0x1;
	s6 =	smul.u32 $0x2710, s6;
	s7 =	sadd.s32 s7, s2  }
0xc: {  	s8 =	ssub.s32 s8, s10;
	s10 =	sadd.s32 s1, s9;
	[dreg:$0x4] =	wrdreg s7  }
0xd: {  	p0 =	seq.s32 s14, $0xF;
	s5 =	smul.u32 $0x2710, s5;
	[dreg:$0x5] =	wrdreg s10  }
0xe: {  	s13 =	sshrl.u32 s6, $0x3;
	s15 =	sadd.s32 $0x28, s6;
	s16 =	sadd.s32 $0x4E228, s6  }
0xf: {  	s22 =	sadd.s32 $0x78, s6;
	s12 =	sadd.s32 $0x4E278, s6;
	s24 =	sadd.s32 $0xC8, s6  }
0x10: {  	s6 =	sadd.s32 $0x4E2C8, s6;
	s9 =	sadd.s32 s4, s13;
	s7 =	sshrl.u32 s15, $0x3  }
0x11: {  	s10 =	sshrl.u32 s16, $0x3;
	s13 =	smul.u32 $0x4E20, s14;
	s11 =	sadd.s32 $0x9C40, s9  }
0x12: {  	s12 =	sshrl.u32 s12, $0x3;
	s7 =	sadd.s32 s4, s7;
	[dreg:$0x8] =	wrdreg s11  }
0x13: {  	s6 =	sshrl.u32 s6, $0x3;
	s17 =	sadd.s32 s4, s10;
	[dreg:$0x9] =	wrdreg s7  }
0x14: {  	s19 =	sadd.s32 $0xA, s9;
	s20 =	sadd.s32 $0x9C4A, s9;
	[dreg:$0xa] =	wrdreg s17  }
0x15: {  	s23 =	sadd.s32 s4, s12;
	s10 =	sadd.s32 s21, s18;
	[dreg:$0xb] =	wrdreg s19  }
0x16: {  	s25 =	sadd.s32 $0x14, s9;
	s6 =	sadd.s32 s4, s6;
	[dreg:$0xc] =	wrdreg s20  }
0x17: {  	s28 =	sadd.s32 $0x9C5E, s9;
	s11 =	sshrl.u32 s22, $0x3;
	[dreg:$0xe] =	wrdreg s23  }
0x18: {  	s5 =	sadd.s32 s5, s13;
	[dreg:$0xf] =	wrdreg s25;
	s10 =	sshrl.u32 s10, $0x3  }
0x19: {  	s7 =	sshrl.u32 s18, $0x3;
	[dreg:$0x12] =	wrdreg s6;
	s23 =	sadd.s32 $0x9C54, s9  }
0x1a: {  	s25 =	smax.u32 s8, $0x1;
	s6 =	simm.s32 $0x28;
	s8 =	simm.s32 $0x3  }
0x1b: {  	s11 =	sadd.s32 s4, s11;
	s10 =	sadd.s32 s0, s10;
	s0 =	sadd.s32 s0, s7  }
0x1c: {  	s26 =	sadd.s32 $0x118, s5;
	s5 =	sadd.s32 $0x4E318, s5;
	[dreg:$0xd] =	wrdreg s11  }
0x1d: {  	s11 =	sshrl.u32 s24, $0x3;
	[dreg:$0x11] =	wrdreg s10;
	s7 =	sshrl.u32 s26, $0x3  }
0x1e: {  	s5 =	sshrl.u32 s5, $0x3;
	s24 =	sadd.s32 $0x25080, s0;
	s26 =	sadd.s32 $0x1E, s9  }
0x1f: {  	s0 =	simm.s32 $0x100;
	s10 =	simm.s32 $0x0;
	s11 =	sadd.s32 s4, s11  }
0x20: {  	s16 =	sadd.s32 s7, s4;
	s15 =	sadd.s32 s5, s4;
	s4 =	simm.s32 $0x200  }
0x21: {  	s5 =	simm.s32 $0x2;
	s7 =	simm.s32 $0x1;
	[dreg:$0x10] =	wrdreg s11  }
.LBB2_1:
0x22: {  	s11 =	rddreg [dreg:$0x6]  }
0x23: {  	s12 =	rddreg [dreg:$0x7];
	s13 =	sshrl.u32 @p0 s11, $0x3;
	s11 =	simm.s32 @p0 $0x1FC4  }
0x24: {  	[spmem:s13], [sflag:s11] =	dma.local @p0 [hbm:s12], $0x2080  }
0x25: {  	s11 =	stileid.u32  }
0x26: {  	s11 =	sshll.u32 @!p0 s11, $0x6;
	s12 =	rddreg [dreg:$0x4]  }
0x27: {  	s17 =	rddreg [dreg:$0x5];
	s14 =	sor.u32 @!p0 $0x1C04, s11;
	s12 =	sshrl.u32 @!p0 s12, $0x3  }
0x28: {  	[spmem:s12], [sflag:s14] =	dma.local @!p0 [hbm:s17], $0x2780  }
0x29: {  	[tilespmem:s3], [sflag:$0x2] =	stream.linear.gather [hbm4b:s9+s3], $0x28, $0x38;
	[tilespmem:$0x1E400] =	vst v63  }
0x2a: {  	s18 =	simm.s32 $0x400;
	s14 =	rddreg [dreg:$0x8]  }
0x2b: {  	[tilespmem:s18], [sflag:$0x2] =	stream.linear.gather [hbm4b:s14+s3], $0x28, $0x38;
	[tilespmem:$0x1E400] =	vst v63  }
0x2c: {  	s19 =	rddreg [dreg:$0x9]  }
0x2d: {  	[tilespmem:s30], [sflag:$0x2] =	stream.linear.gather [hbm4b:s19+s3], $0x28, $0x38;
	[tilespmem:$0x1E400] =	vst v63  }
0x2e: {  	s21 =	simm.s32 $0x480;
	s20 =	rddreg [dreg:$0xa]  }
0x2f: {  	[tilespmem:s21], [sflag:$0x2] =	stream.linear.gather [hbm4b:s20+s3], $0x28, $0x38;
	[tilespmem:$0x1E400] =	vst v63  }
0x30: {  	s22 =	rddreg [dreg:$0xb]  }
0x31: {  	[tilespmem:s0], [sflag:$0x2] =	stream.linear.gather [hbm4b:s22+s3], $0x28, $0x38;
	[tilespmem:$0x1E400] =	vst v63  }
0x32: {  	s17 =	rddreg [dreg:$0xc];
	s18 =	simm.s32 $0x500  }
0x33: {  	[tilespmem:s18], [sflag:$0x2] =	stream.linear.gather [hbm4b:s17+s3], $0x28, $0x38;
	[tilespmem:$0x1E400] =	vst v63  }
0x34: {  	s19 =	rddreg [dreg:$0xd]  }
0x35: {  	[tilespmem:s29], [sflag:$0x2] =	stream.linear.gather [hbm4b:s19+s3], $0x28, $0x38;
	[tilespmem:$0x1E400] =	vst v63  }
0x36: {  	s20 =	rddreg [dreg:$0xe];
	s21 =	simm.s32 $0x580  }
0x37: {  	[tilespmem:s21], [sflag:$0x2] =	stream.linear.gather [hbm4b:s20+s3], $0x28, $0x38;
	[tilespmem:$0x1E400] =	vst v63  }
0x38: {  	s22 =	rddreg [dreg:$0xf]  }
0x39: {  	[tilespmem:s4], [sflag:$0x2] =	stream.linear.gather [hbm4b:s22+s3], $0x28, $0x38;
	[tilespmem:$0x1E400] =	vst v63  }
0x3a: {  	s17 =	simm.s32 $0x600  }
0x3b: {  	[tilespmem:s17], [sflag:$0x2] =	stream.linear.gather [hbm4b:s23+s3], $0x28, $0x38;
	[tilespmem:$0x1E400] =	vst v63  }
0x3c: {  	s18 =	rddreg [dreg:$0x10]  }
0x3d: {  	[tilespmem:s31], [sflag:$0x2] =	stream.linear.gather [hbm4b:s18+s3], $0x28, $0x38;
	[tilespmem:$0x1E400] =	vst v63  }
0x3e: {  	s19 =	rddreg [dreg:$0x12];
	s20 =	simm.s32 $0x680  }
0x3f: {  	[tilespmem:s20], [sflag:$0x2] =	stream.linear.gather [hbm4b:s19+s3], $0x28, $0x38;
	[tilespmem:$0x1E400] =	vst v63  }
0x40: {  	s21 =	simm.s32 $0x300  }
0x41: {  	[tilespmem:s21], [sflag:$0x2] =	stream.linear.gather [hbm4b:s26+s3], $0x28, $0x38;
	[tilespmem:$0x1E400] =	vst v63  }
0x42: {  	s22 =	simm.s32 $0x700  }
0x43: {  	[tilespmem:s22], [sflag:$0x2] =	stream.linear.gather [hbm4b:s28+s3], $0x28, $0x38;
	[tilespmem:$0x1E400] =	vst v63  }
0x44: {  	_ =	swait.ge [sflag:s5], $0x28  }
0x45: {  	[sflag:s5] =	ssyncset.done $0x0  }
0x46: {  	[sflag:s5] =	ssyncadd.s32 $0xFFFFFFD8  }
0x47: {  	_ =	swait.ge [sflag:s5], $0x28  }
0x48: {  	[sflag:s5] =	ssyncset.done $0x0  }
0x49: {  	s17 =	simm.s32 $0x800;
	[sflag:s5] =	ssyncadd.s32 $0xFFFFFFD8  }
0x4a: {  	[tilespmem:s17], [sflag:$0x1] =	stream.indirect.gather [hbm4b:s1+s6], $0x80, s3, s6, $0xb8;
	[tilespmem:$0x1E400] =	vst v63  }
0x4b: {  	_ =	swait.ge [sflag:s5], $0x28  }
0x4c: {  	[sflag:s5] =	ssyncset.done $0x0  }
0x4d: {  	[sflag:s5] =	ssyncadd.s32 $0xFFFFFFD8  }
0x4e: {  	_ =	swait.ge [sflag:s5], $0x28  }
0x4f: {  	[sflag:s5] =	ssyncset.done $0x0  }
0x50: {  	s18 =	simm.s32 $0x1C00;
	[sflag:s5] =	ssyncadd.s32 $0xFFFFFFD8  }
0x51: {  	[tilespmem:s18], [sflag:$0x1] =	stream.indirect.gather [hbm4b:s1+s6], $0x80, s30, s6, $0xb8;
	[tilespmem:$0x1E400] =	vst v63  }
0x52: {  	_ =	swait.ge [sflag:s5], $0x28  }
0x53: {  	[sflag:s5] =	ssyncset.done $0x0  }
0x54: {  	[sflag:s5] =	ssyncadd.s32 $0xFFFFFFD8  }
0x55: {  	_ =	swait.ge [sflag:s5], $0x28  }
0x56: {  	[sflag:s5] =	ssyncset.done $0x0  }
0x57: {  	s19 =	simm.s32 $0x3000;
	[sflag:s5] =	ssyncadd.s32 $0xFFFFFFD8  }
0x58: {  	[tilespmem:s19], [sflag:$0x1] =	stream.indirect.gather [hbm4b:s1+s6], $0x80, s0, s6, $0xb8;
	[tilespmem:$0x1E400] =	vst v63  }
0x59: {  	_ =	swait.ge [sflag:s5], $0x28  }
0x5a: {  	[sflag:s5] =	ssyncset.done $0x0  }
0x5b: {  	[sflag:s5] =	ssyncadd.s32 $0xFFFFFFD8  }
0x5c: {  	_ =	swait.ge [sflag:s5], $0x28  }
0x5d: {  	[sflag:s5] =	ssyncset.done $0x0  }
0x5e: {  	s20 =	simm.s32 $0x4400;
	[sflag:s5] =	ssyncadd.s32 $0xFFFFFFD8  }
0x5f: {  	[tilespmem:s20], [sflag:$0x1] =	stream.indirect.gather [hbm4b:s1+s6], $0x80, s29, s6, $0xb8;
	[tilespmem:$0x1E400] =	vst v63  }
0x60: {  	_ =	swait.ge [sflag:s5], $0x28  }
0x61: {  	[sflag:s5] =	ssyncset.done $0x0  }
0x62: {  	[sflag:s5] =	ssyncadd.s32 $0xFFFFFFD8  }
0x63: {  	_ =	swait.ge [sflag:s5], $0x28  }
0x64: {  	[sflag:s5] =	ssyncset.done $0x0  }
0x65: {  	s21 =	simm.s32 $0x5800;
	[sflag:s5] =	ssyncadd.s32 $0xFFFFFFD8  }
0x66: {  	[tilespmem:s21], [sflag:$0x1] =	stream.indirect.gather [hbm4b:s1+s6], $0x80, s4, s6, $0xb8;
	[tilespmem:$0x1E400] =	vst v63  }
0x67: {  	_ =	swait.ge [sflag:s5], $0x28  }
0x68: {  	[sflag:s5] =	ssyncset.done $0x0  }
0x69: {  	[sflag:s5] =	ssyncadd.s32 $0xFFFFFFD8  }
0x6a: {  	_ =	swait.ge [sflag:s5], $0x28  }
0x6b: {  	[sflag:s5] =	ssyncset.done $0x0  }
0x6c: {  	s14 =	simm.s32 @p0 $0x4;
	s22 =	simm.s32 $0x6C00;
	[sflag:s5] =	ssyncadd.s32 $0xFFFFFFD8  }
0x6d: {  	[tilespmem:s22], [sflag:$0x1] =	stream.indirect.gather [hbm4b:s1+s6], $0x80, s31, s6, $0xb8;
	[tilespmem:$0x1E400] =	vst v63  }
0x6e: {  	_ =	swait.ge @p0 [sflag:s14], $0x2080  }
0x6f: {  	[sflag:s14] =	ssyncset.done @p0 $0x0  }
0x70: {  	[sflag:s14] =	ssyncadd.s32 @p0 $0xFFFFDF80;
	s14 =	simm.s32 @!p0 $0x4  }
0x71: {  	_ =	swait.ge @!p0 [sflag:s14], $0x2780  }
0x72: {  	[sflag:s14] =	ssyncset.done @!p0 $0x0  }
0x73: {  	s17 =	simm.s32 $0x0;
	s21 =	smov.u32 s16;
	[sflag:s14] =	ssyncadd.s32 @!p0 $0xFFFFD880  }
0x74: {  	s22 =	smov.u32 s15;
	s14 =	simm.s32 $0x380;
	[bflag:$0x0] =	sbarrier.arrive $0xFFFF  }
.LBB2_2:
0x75: {  	p1 =	sgt.u32 s17, $0xF2  }
0x76: {  	s18 =	sand.u32 @!p1 $0x380, s14;
	s19 =	simm.s32 @!p1 $0x0  }
0x77: {  	[tilespmem:s18], [sflag:$0x2] =	stream.linear.gather @!p1 [hbm4b:s21+s19], $0x28, $0x38;
	[tilespmem:$0x1E400] =	vst v63  }
0x78: {  	s20 =	sand.u32 $0x7, s17;
	s18 =	sor.u32 @!p1 $0x400, s18  }
0x79: {  	[tilespmem:s18], [sflag:$0x2] =	stream.linear.gather @!p1 [hbm4b:s22+s19], $0x28, $0x38;
	[tilespmem:$0x1E400] =	vst v63  }
0x7a: {  	s19 =	smul.u32 $0x5000, s20  }
0x7b: {  	s20 =	sshll.u32 s20, $0x7;
	_ =	swait.ge [sflag:s7], $0x1400  }
0x7c: {  	p1 =	slt.u32 s17, $0x2;
	s18 =	sshrl.u32 s19, $0x2;
	[sflag:s7] =	ssyncset.done $0x0  }
0x7d: {  	s19 =	sor.u32 $0x400, s20;
	s18 =	sadd.s32 $0x800, s18;
	[sflag:s7] =	ssyncadd.s32 $0xFFFFEC00  }
0x7e: {  	[spmem:s2] =	stream.indirect.scatter.add.f32 [tilespmem:s18], [sflag:$0x3], $0x80, s19, s6, $0xb8;
	[tilespmem:$0x1E400] =	vst v63  }
0x7f: {  	s18 =	simm.s32 @!p1 $0x3  }
0x80: {  	p2 =	sgt.u32 @!p1 s17, $0xF3;
	_ =	swait.ge @!p1 [sflag:s18], $0x1400  }
0x81: {  	p2 =	por p1, !p2;
	[sflag:s18] =	ssyncset.done @!p1 $0x0  }
0x82: {  	[sflag:s18] =	ssyncadd.s32 @!p1 $0xFFFFEC00;
	s18 =	sadd.s32 @p2 $0x6, s17  }
0x83: {  	s17 =	sadd.s32 $0x1, s17;
	_ =	swait.ge @p2 [sflag:s5], $0x28;
	s18 =	sand.u32 @p2 $0x7, s18  }
0x84: {  	p1 =	sne.s32 s17, $0xFA;
	[sflag:s5] =	ssyncset.done @p2 $0x0;
	s19 =	smul.u32 @p2 $0x5000, s18  }
.Ltmp0:
0x85: {  	[sflag:s5] =	ssyncadd.s32 @p2 $0xFFFFFFD8;
	(pc) =	sbr.rel @p1 .LBB2_2-.Ltmp0, $4  }
0x86: {  	s14 =	sadd.s32 $0x80, s14;
	s21 =	sadd.s32 $0x5, s21;
	_ =	swait.ge @p2 [sflag:s5], $0x28  }
0x87: {  	s22 =	sadd.s32 $0x5, s22;
	s19 =	sshrl.u32 @p2 s19, $0x2;
	[sflag:s5] =	ssyncset.done @p2 $0x0  }
0x88: {  	s18 =	sshll.u32 @p2 s18, $0x7;
	s19 =	sadd.s32 @p2 $0x800, s19;
	[sflag:s5] =	ssyncadd.s32 @p2 $0xFFFFFFD8  }
0x89: {  	[tilespmem:s19], [sflag:$0x1] =	stream.indirect.gather @p2 [hbm4b:s1+s6], $0x80, s18, s6, $0xb8;
	[tilespmem:$0x1E400] =	vst v63  }
0x8a: {  	_ =	swait.ge [sflag:s8], $0x1400  }
0x8b: {  	[sflag:s8] =	ssyncset.done $0x0  }
0x8c: {  	[sflag:s8] =	ssyncadd.s32 $0xFFFFEC00  }
0x8d: {  	_ =	swait.ge [sflag:s8], $0x1400  }
0x8e: {  	[sflag:s8] =	ssyncset.done $0x0  }
0x8f: {  	[sflag:s8] =	ssyncadd.s32 $0xFFFFEC00  }
0x90: {  	s14 =	simm.s32 @p0 $0x1FC5;
	[bflag:$0x0] =	sbarrier.arrive $0xFFFF  }
0x91: {  	[hbm:s24], [sflag:s14] =	dma.local @p0 [spmem:s13], $0x2080  }
0x92: {  	s13 =	simm.s32 @p0 $0x5  }
0x93: {  	_ =	swait.ge @p0 [sflag:s13], $0x2080  }
0x94: {  	s11 =	sor.u32 @!p0 $0x1C05, s11;
	s10 =	sadd.s32 $0x1, s10;
	[sflag:s13] =	ssyncset.done @p0 $0x0  }
0x95: {  	p1 =	sne.s32 s10, s25;
	[sflag:s13] =	ssyncadd.s32 @p0 $0xFFFFDF80;
	s13 =	rddreg [dreg:$0x11]  }
0x96: {  	[hbm:s13], [sflag:s11] =	dma.local @!p0 [spmem:s12], $0x2780  }
.Ltmp1:
0x97: {  	_ = 	snop;
	(pc) =	sbr.rel @p1 .LBB2_1-.Ltmp1, $4  }
0x98: {  	s11 =	simm.s32 @!p0 $0x5  }
0x99: {  	_ =	swait.ge @!p0 [sflag:s11], $0x2780  }
0x9a: {  	[sflag:s11] =	ssyncset.done @!p0 $0x0  }
0x9b: {  	[sflag:s11] =	ssyncadd.s32 @!p0 $0xFFFFD880  }
0x9c: {  	_ =	sfence.sel $0x180000  }
0x9d: {  	[bflag:$0x0] =	sbarrier.arrive $0xFFFF  }
0x9e: {  	_ =	strace $0x90000047  }
0x9f: {  	s0 =	stileid.u32;
	[bflag:$0x2] =	sbarrier.arrive $0xFFFF  }
0xa0: {  	p0 =	sne.s32 s0, $0x0;
	s0 =	rddreg [dreg:$0x3]  }
0xa1: {  	s0 =	sadd.s32 @!p0 $0x100000, s0  }
0xa2: {  	[sflag:s0] =	ssyncadd.tile.s32 @!p0 $0x1;
	_ =	shalt  }
.Lfunc_end2:
_tile_overlayer_lowered:
.L_overlay_start_2:
0xa3: {  	(tag) =	ssettag $0x2  }
0xa4: {  	s0 =	rddreg [dreg:$0x0];
	s2 =	stileid.u32  }
0xa5: {  	s1 =	rddreg [dreg:$0x1];
	p0 =	sne.s32 s2, $0x0  }
0xa6: {  	s3 =	rddreg [dreg:$0x2];
	[bflag:$0x3] =	sbarrier.arrive $0xFFFF;
	s2 =	simm.s32 @!p0 $0x1C05  }
0xa7: {  	[timem:s3], [sflag:s2] =	dma.local @!p0 [hbm:s0], s1  }
0xa8: {  	s0 =	simm.s32 @!p0 $0x5  }
0xa9: {  	_ =	swait.ge @!p0 [sflag:s0], s1  }
0xaa: {  	s1 =	ssub.s32 @!p0 $0x0, s1;
	[sflag:s0] =	ssyncset.done @!p0 $0x0  }
0xab: {  	[sflag:s0] =	ssyncadd.s32 @!p0 s1  }
0xac: {  	[bflag:$0x3] =	sbarrier.arrive $0xFFFF  }
0xad: {  	_ =	shalt  }

</sc_bundles>
